<compile_context>
chip_gen: v7x
topology: tpu7x:2x2x1
jax: 0.10.2.dev20260603
libtpu: 0.0.44.dev20260713+nightly
codegen_flags: <defaults>
</compile_context>

<pallas_src>
import functools

import jax
import jax.numpy as jnp
from jax import lax
from jax.experimental import pallas as pl
from jax.experimental.pallas import tpu as pltpu, tpu_sc as plsc

N = 10000
E = 320000
D = 128
DH = D // 2
NP = 10112
NR = NP // 128
NC = 2
NS = 16
NW = NC * NS
EP = 327680
EPW = EP // NW
CHUNK = 128
CH = EPW // CHUNK
EPT = EP // NS
CHT = EPT // CHUNK
UNROLL = 8
NPH = CHT // UNROLL
RPT = NP // NS

_mesh = plsc.VectorSubcoreMesh(core_axis_name="c", subcore_axis_name="s")


DPH = 8


@functools.partial(
    pl.kernel,
    mesh=_mesh,
    out_type=jax.ShapeDtypeStruct((NC * 2 * NP,), jnp.float32),
    scratch_types=[
        pltpu.VMEM((CH, CHUNK), jnp.int32),
        pltpu.VMEM((CH, CHUNK), jnp.int32),
        pltpu.VMEM((CHUNK,), jnp.float32),
        pltpu.VMEM((NP,), jnp.float32),
        pltpu.VMEM_SHARED((NP,), jnp.float32),
        pltpu.VMEM_SHARED((NP,), jnp.float32),
        pltpu.SemaphoreType.DMA,
    ],
    compiler_params=pltpu.CompilerParams(use_tc_tiling_on_sc=False),
)
def _deg_kernel(src_h, dst_h, out_h, sidx, didx, ones_v, stage_v,
                dout_sh, din_sh, dsem):
    cid = lax.axis_index("c")
    sid = lax.axis_index("s")

    def _fill_ones(i, _):
        ones_v[pl.ds(i * 16, 16)] = jnp.ones((16,), jnp.float32)
        return 0

    lax.fori_loop(0, CHUNK // 16, _fill_ones, 0)

    def _fill_zero(i, _):
        stage_v[pl.ds(i * 16, 16)] = jnp.zeros((16,), jnp.float32)
        return 0

    lax.fori_loop(0, NP // 16, _fill_zero, 0)

    pltpu.sync_copy(src_h.at[sid, pl.ds(cid * CH, CH)], sidx)
    pltpu.sync_copy(dst_h.at[sid, pl.ds(cid * CH, CH)], didx)

    @pl.when(sid == 0)
    def _():
        pltpu.sync_copy(stage_v, dout_sh)

    @pl.when(sid == 1)
    def _():
        pltpu.sync_copy(stage_v, din_sh)

    plsc.subcore_barrier()

    def _burst(p, _):
        descs = []
        for q in range(DPH):
            j = p * DPH + q
            descs.append(pltpu.async_copy(
                ones_v, dout_sh.at[sidx.at[j]], dsem, add=True))
            descs.append(pltpu.async_copy(
                ones_v, din_sh.at[didx.at[j]], dsem, add=True))
        for d in descs:
            d.wait()
        return 0

    lax.fori_loop(0, CH // DPH, _burst, 0)

    plsc.subcore_barrier()

    @pl.when(sid == 0)
    def _():
        pltpu.sync_copy(dout_sh, stage_v)
        pltpu.sync_copy(stage_v, out_h.at[pl.ds(cid * 2 * NP, NP)])

    @pl.when(sid == 1)
    def _():
        pltpu.sync_copy(din_sh, stage_v)
        pltpu.sync_copy(stage_v, out_h.at[pl.ds(cid * 2 * NP + NP, NP)])


def _dense_body(x_ref, w_ref, dp_ref, g_ref, nd_ref):
    deg_out = dp_ref[0, :] + dp_ref[2, :]
    deg_in = dp_ref[1, :] + dp_ref[3, :]
    ns = jnp.where(deg_out > 0, 1.0 / jnp.sqrt(jnp.maximum(deg_out, 1.0)), 0.0)
    nd_ref[...] = jnp.where(
        deg_in > 0, 1.0 / jnp.sqrt(jnp.maximum(deg_in, 1.0)), 0.0)
    h = jnp.dot(x_ref[...], w_ref[...], preferred_element_type=jnp.float32)
    hs = h * ns[:N, None]
    g_ref[0, pl.ds(0, N)] = hs[:, :DH]
    g_ref[1, pl.ds(0, N)] = hs[:, DH:]
    pad = jnp.zeros((NP - N, DH), jnp.float32)
    g_ref[0, pl.ds(N, NP - N)] = pad
    g_ref[1, pl.ds(N, NP - N)] = pad


def _dense(x, W, degp2):
    return pl.pallas_call(
        _dense_body,
        out_shape=[
            jax.ShapeDtypeStruct((NC, NP, DH), jnp.float32),
            jax.ShapeDtypeStruct((NP,), jnp.float32),
        ],
    )(x, W, degp2)


@functools.partial(
    pl.kernel,
    mesh=_mesh,
    out_type=jax.ShapeDtypeStruct((NC, NP, DH), jnp.float32),
    scratch_types=[
        pltpu.VMEM((UNROLL, CHUNK), jnp.int32),
        pltpu.VMEM((UNROLL, CHUNK), jnp.int32),
        pltpu.VMEM((UNROLL, CHUNK), jnp.int32),
        pltpu.VMEM((UNROLL, CHUNK), jnp.int32),
        pltpu.VMEM((CHUNK, DH), jnp.float32),
        pltpu.VMEM((CHUNK, DH), jnp.float32),
        pltpu.VMEM_SHARED((NP, DH), jnp.float32),
        pltpu.VMEM_SHARED((NP, DH), jnp.float32),
        pltpu.SemaphoreType.DMA,
        pltpu.SemaphoreType.DMA,
        pltpu.SemaphoreType.DMA,
        pltpu.SemaphoreType.DMA,
        pltpu.SemaphoreType.DMA,
    ],
    compiler_params=pltpu.CompilerParams(use_tc_tiling_on_sc=False),
)
def _agg_kernel(g_h, src_h, dst_h, out_h, sidxa, didxa, sidxb, didxb,
                buf0, buf1, g_sh, agg_sh,
                gsem0, gsem1, ssem0, ssem1, stsem):
    cid = lax.axis_index("c")
    sid = lax.axis_index("s")
    row0 = sid * RPT
    _tail = RPT % CHUNK

    _sizes = [CHUNK] * (RPT // CHUNK) + ([_tail] if _tail else [])

    def _bslice(b, sz):
        return b if sz == CHUNK else b.at[pl.ds(0, sz)]

    _bufs2 = (buf0, buf1)
    _isems = (gsem0, gsem1)
    _osems = (ssem0, ssem1)

    d_in = pltpu.async_copy(
        g_h.at[cid, pl.ds(row0, _sizes[0])], _bslice(buf0, _sizes[0]), gsem0)
    prev_out = [None, None]
    _off = 0
    for k, sz in enumerate(_sizes):
        if k + 1 < len(_sizes):
            nb = (k + 1) % 2
            nsz = _sizes[k + 1]
            if prev_out[nb] is not None:
                prev_out[nb].wait()
            d_next = pltpu.async_copy(
                g_h.at[cid, pl.ds(row0 + _off + sz, nsz)],
                _bslice(_bufs2[nb], nsz), _isems[nb])
        d_in.wait()
        prev_out[k % 2] = pltpu.async_copy(
            _bslice(_bufs2[k % 2], sz),
            g_sh.at[pl.ds(row0 + _off, sz)], _osems[k % 2])
        _off += sz
        if k + 1 < len(_sizes):
            d_in = d_next
    for po in prev_out:
        if po is not None:
            po.wait()

    def _zrow(r, _):
        for cc in range(DH // 16):
            buf0[r, pl.ds(cc * 16, 16)] = jnp.zeros((16,), jnp.float32)
        return 0

    lax.fori_loop(0, CHUNK, _zrow, 0)

    _zd = []
    _off = 0
    for sz in _sizes:
        _zd.append(pltpu.async_copy(
            _bslice(buf0, sz), agg_sh.at[pl.ds(row0 + _off, sz)], ssem0))
        _off += sz
    for d in _zd:
        d.wait()

    plsc.subcore_barrier()

    bufs = (buf0, buf1)
    gsems = (gsem0, gsem1)
    ssems = (ssem0, ssem1)
    NB = 2

    def _run_phase(sidx, didx):
        gd = [pltpu.async_copy(g_sh.at[sidx.at[q]], bufs[q], gsems[q])
              for q in range(NB - 1)]
        sd = [None] * UNROLL
        for j in range(UNROLL):
            if j + NB - 1 < UNROLL:
                if j >= 1:
                    sd[j - 1].wait()
                gd.append(pltpu.async_copy(
                    g_sh.at[sidx.at[j + NB - 1]], bufs[(j + NB - 1) % NB],
                    gsems[(j + NB - 1) % NB]))
            gd[j].wait()
            sd[j] = pltpu.async_copy(
                bufs[j % NB], agg_sh.at[didx.at[j]], ssems[j % NB], add=True)
        for j in range(UNROLL - NB, UNROLL):
            sd[j].wait()

    pltpu.sync_copy(src_h.at[sid, pl.ds(0, UNROLL)], sidxa)
    pltpu.sync_copy(dst_h.at[sid, pl.ds(0, UNROLL)], didxa)

    def _phase_pair(pp, _):
        p = pp * 2
        b1 = (p + 1) * UNROLL
        s1 = pltpu.async_copy(src_h.at[sid, pl.ds(b1, UNROLL)], sidxb, stsem)
        s2 = pltpu.async_copy(dst_h.at[sid, pl.ds(b1, UNROLL)], didxb, stsem)
        _run_phase(sidxa, didxa)
        s1.wait()
        s2.wait()
        b2 = jnp.minimum((p + 2) * UNROLL, CHT - UNROLL)
        s3 = pltpu.async_copy(src_h.at[sid, pl.ds(b2, UNROLL)], sidxa, stsem)
        s4 = pltpu.async_copy(dst_h.at[sid, pl.ds(b2, UNROLL)], didxa, stsem)
        _run_phase(sidxb, didxb)
        s3.wait()
        s4.wait()
        return 0

    lax.fori_loop(0, NPH // 2, _phase_pair, 0)

    plsc.subcore_barrier()

    d_in = pltpu.async_copy(
        agg_sh.at[pl.ds(row0, _sizes[0])], _bslice(buf0, _sizes[0]), gsem0)
    prev_out = [None, None]
    _off = 0
    for k, sz in enumerate(_sizes):
        if k + 1 < len(_sizes):
            nb = (k + 1) % 2
            nsz = _sizes[k + 1]
            if prev_out[nb] is not None:
                prev_out[nb].wait()
            d_next = pltpu.async_copy(
                agg_sh.at[pl.ds(row0 + _off + sz, nsz)],
                _bslice(_bufs2[nb], nsz), _isems[nb])
        d_in.wait()
        prev_out[k % 2] = pltpu.async_copy(
            _bslice(_bufs2[k % 2], sz),
            out_h.at[cid, pl.ds(row0 + _off, sz)], _osems[k % 2])
        _off += sz
        if k + 1 < len(_sizes):
            d_in = d_next
    for po in prev_out:
        if po is not None:
            po.wait()


def _final_body(agg_ref, nd_ref, b_ref, out_ref):
    full = jnp.concatenate(
        [agg_ref[0, pl.ds(0, N)], agg_ref[1, pl.ds(0, N)]], axis=1)
    nd = nd_ref[pl.ds(0, N)]
    out_ref[...] = full * nd[:, None] + b_ref[...][None, :]


def _final(agg, nd, b):
    return pl.pallas_call(
        _final_body,
        out_shape=jax.ShapeDtypeStruct((N, D), jnp.float32),
    )(agg, nd, b)


def kernel(x, edge_index, W, b):
    src = edge_index[0].astype(jnp.int32)
    dst = edge_index[1].astype(jnp.int32)
    pad = jnp.full((EP - E,), N, jnp.int32)
    srct = jnp.concatenate([src, pad]).reshape(NS, CHT, CHUNK)
    dstt = jnp.concatenate([dst, pad]).reshape(NS, CHT, CHUNK)

    degp = _deg_kernel(srct, dstt)
    g2, nd = _dense(x, W, degp.reshape(NC * 2, NP))

    agg = _agg_kernel(g2, srct, dstt)
    return _final(agg, nd, b)

# --- scband reference (transcript-rebuilt; emitter-appended) ---
"""Pipeline reference for scband-gcn-50362786513140 (READ-ONLY COPY).

The authoritative reference and input builder live on the scoring server;
editing this copy changes nothing except your own understanding.
"""

import jax, jax.numpy as jnp
import numpy as np

N_NODES = 10000
N_EDGES = 320000
D_IN = 128
D_OUT = 128


def setup_inputs(seed: int = 0) -> dict:
    key = jax.random.key(seed)
    k1, k2, k3 = jax.random.split(key, 3)
    x = jax.random.normal(k1, (N_NODES, D_IN), dtype=jnp.float32)
    edge_index = jax.random.randint(k2, (2, N_EDGES), 0, N_NODES, dtype=jnp.int64 if jax.config.jax_enable_x64 else jnp.int32)
    W = jax.random.normal(k3, (D_IN, D_OUT), dtype=jnp.float32) * (1.0 / np.sqrt(D_IN))
    b = jnp.zeros((D_OUT,), dtype=jnp.float32)
    return {"x": x, "edge_index": edge_index, "W": W, "b": b}


def reference(x, edge_index, W, b):
    # GCN layer with norm='both' (symmetric normalization):
    # h_i = b + sum_{j in N(i)} (1 / (sqrt(deg_out(j)) * sqrt(deg_in(i)))) * h_j W
    src = edge_index[0]
    dst = edge_index[1]
    N = x.shape[0]
    ones = jnp.ones((src.shape[0],), dtype=x.dtype)
    deg_out = jnp.zeros((N,), dtype=x.dtype).at[src].add(ones)
    deg_in = jnp.zeros((N,), dtype=x.dtype).at[dst].add(ones)
    norm_src = jnp.where(deg_out > 0, 1.0 / jnp.sqrt(jnp.maximum(deg_out, 1.0)), 0.0)
    norm_dst = jnp.where(deg_in > 0, 1.0 / jnp.sqrt(jnp.maximum(deg_in, 1.0)), 0.0)
    # project first (D_IN >= D_OUT path in DGL GCN)
    h = x @ W
    # gather messages from source nodes, scaled by source norm
    msg = jnp.take(h, src, axis=0) * norm_src[src][:, None]
    # scatter-add into destination nodes
    agg = jnp.zeros((N, h.shape[1]), dtype=h.dtype).at[dst].add(msg)
    out = agg * norm_dst[:, None] + b
    return out

if __name__ == "__main__":
    import jax
    _d = setup_inputs()
    print(jax.jit(kernel)(*tuple(_d.values())))

</pallas_src>

<mosaic_0001>
#map = affine_map<(d0, d1) -> (0, 0, 0)>
#map1 = affine_map<(d0, d1) -> (0)>
module attributes {stable_mosaic.version = 14 : i64} {
  func.func @_deg_kernel(%arg0: i32, %arg1: i32, %arg2: memref<16x160x128xi32, #tpu.memory_space<hbm>>, %arg3: memref<16x160x128xi32, #tpu.memory_space<hbm>>, %arg4: memref<40448xf32, #tpu.memory_space<hbm>>, %arg5: memref<80x128xi32, #tpu.memory_space<vmem>>, %arg6: memref<80x128xi32, #tpu.memory_space<vmem>>, %arg7: memref<128xf32, #tpu.memory_space<vmem>>, %arg8: memref<10112xf32, #tpu.memory_space<vmem>>, %arg9: memref<10112xf32, #tpu.memory_space<vmem_shared>>, %arg10: memref<10112xf32, #tpu.memory_space<vmem_shared>>, %arg11: memref<!tpu.dma_semaphore, #tpu.memory_space<semaphore_mem>>) attributes {dimension_semantics = [#tpu.dimension_semantics<core_parallel>, #tpu.dimension_semantics<subcore_parallel>], iteration_bounds = array<i64: 2, 16>, scalar_prefetch = 0 : i64, scratch_operands = 7 : i64, tpu.core_type = #tpu.core_type<sc_vector_subcore>, window_params = [{transform_indices = #map}, {transform_indices = #map}, {transform_indices = #map1}]} {
    %scan3A = arith.constant 0 : i32
    %scan3A_0 = arith.constant 0 : i32
    %scan3A_1 = arith.constant 8 : i32
    %scan3A_2 = arith.addi %scan3A_0, %scan3A_1 : i32
    %scan3A_3 = arith.constant 1 : i32
    %scan3A_4 = scf.for %scan3A_41 = %scan3A_0 to %scan3A_2 step %scan3A_3 iter_args(%scan3A_42 = %scan3A) -> (i32)  : i32 {
      %broadcast_in_dim3A = arith.constant 1.000000e+00 : f32
      %broadcast_in_dim3A_43 = vector.broadcast %broadcast_in_dim3A : f32 to vector<16xf32>
      %mul3A_44 = arith.constant 16 : i32
      %mul3A_45 = arith.muli %scan3A_41, %mul3A_44 : i32
      %swap3A = arith.index_cast %mul3A_45 : i32 to index
      %swap3A_46 = tpu.vector_load %arg7[%swap3A] {strides = array<i32>} : memref<128xf32, #tpu.memory_space<vmem>>, vector<16xf32>,
      %swap3A_47 = vector.shape_cast %swap3A_46 : vector<16xf32> to vector<16xf32>
      %swap3A_48 = vector.shape_cast %broadcast_in_dim3A_43 : vector<16xf32> to vector<16xf32>
      tpu.vector_store %arg7[%swap3A], %swap3A_48 {strides = array<i32>} : memref<128xf32, #tpu.memory_space<vmem>>, vector<16xf32>,
      %scan3A_49 = arith.constant 0 : i32
      scf.yield %scan3A_49 : i32
    }
    %scan3A_5 = arith.constant 8 : i32
    %scan3A_6 = arith.constant 0 : i32
    %scan3A_7 = arith.constant 0 : i32
    %scan3A_8 = arith.constant 632 : i32
    %scan3A_9 = arith.addi %scan3A_7, %scan3A_8 : i32
    %scan3A_10 = arith.constant 1 : i32
    %scan3A_11 = scf.for %scan3A_41 = %scan3A_7 to %scan3A_9 step %scan3A_10 iter_args(%scan3A_42 = %scan3A_6) -> (i32)  : i32 {
      %broadcast_in_dim3A = arith.constant 0.000000e+00 : f32
      %broadcast_in_dim3A_43 = vector.broadcast %broadcast_in_dim3A : f32 to vector<16xf32>
      %mul3A_44 = arith.constant 16 : i32
      %mul3A_45 = arith.muli %scan3A_41, %mul3A_44 : i32
      %swap3A = arith.index_cast %mul3A_45 : i32 to index
      %swap3A_46 = tpu.vector_load %arg8[%swap3A] {strides = array<i32>} : memref<10112xf32, #tpu.memory_space<vmem>>, vector<16xf32>,
      %swap3A_47 = vector.shape_cast %swap3A_46 : vector<16xf32> to vector<16xf32>
      %swap3A_48 = vector.shape_cast %broadcast_in_dim3A_43 : vector<16xf32> to vector<16xf32>
      tpu.vector_store %arg8[%swap3A], %swap3A_48 {strides = array<i32>} : memref<10112xf32, #tpu.memory_space<vmem>>, vector<16xf32>,
      %scan3A_49 = arith.constant 0 : i32
      scf.yield %scan3A_49 : i32
    }
    %scan3A_12 = arith.constant 632 : i32
    %mul3A = arith.constant 80 : i32
    %mul3A_13 = arith.muli %arg0, %mul3A : i32
    "tpu.region"() ({
      %run_scoped3A = tpu.sem_alloc : memref<!tpu.dma_semaphore, #tpu.memory_space<semaphore_mem>>
      %dma_start3A = arith.constant 0 : i32
      %dma_start3A_41 = tpu.memref_slice %arg2[%arg1, %mul3A_13, %dma_start3A] : memref<16x160x128xi32, #tpu.memory_space<hbm>> -> memref<1x80x128xi32, #tpu.memory_space<hbm>>
      %dma_start3A_42 = tpu.memref_squeeze %dma_start3A_41 : memref<1x80x128xi32, #tpu.memory_space<hbm>> -> memref<80x128xi32, #tpu.memory_space<hbm>>
      %dma_start3A_43 = arith.constant 0 : i32
      %dma_start3A_44 = tpu.memref_slice %arg2[%arg1, %mul3A_13, %dma_start3A_43] : memref<16x160x128xi32, #tpu.memory_space<hbm>> -> memref<1x80x128xi32, #tpu.memory_space<hbm>>
      %dma_start3A_45 = tpu.memref_squeeze %dma_start3A_44 : memref<1x80x128xi32, #tpu.memory_space<hbm>> -> memref<80x128xi32, #tpu.memory_space<hbm>>
      tpu.enqueue_dma source(%dma_start3A_45 : memref<80x128xi32, #tpu.memory_space<hbm>>) target(%arg5 : memref<80x128xi32, #tpu.memory_space<vmem>>) target_semaphore(%run_scoped3A : memref<!tpu.dma_semaphore, #tpu.memory_space<semaphore_mem>>)
      %dma_wait3A = arith.constant 0 : i32
      %dma_wait3A_46 = tpu.memref_slice %arg2[%arg1, %mul3A_13, %dma_wait3A] : memref<16x160x128xi32, #tpu.memory_space<hbm>> -> memref<1x80x128xi32, #tpu.memory_space<hbm>>
      %dma_wait3A_47 = tpu.memref_squeeze %dma_wait3A_46 : memref<1x80x128xi32, #tpu.memory_space<hbm>> -> memref<80x128xi32, #tpu.memory_space<hbm>>
      %dma_wait3A_48 = arith.constant 0 : i32
      %dma_wait3A_49 = tpu.memref_slice %arg2[%arg1, %mul3A_13, %dma_wait3A_48] : memref<16x160x128xi32, #tpu.memory_space<hbm>> -> memref<1x80x128xi32, #tpu.memory_space<hbm>>
      %dma_wait3A_50 = tpu.memref_squeeze %dma_wait3A_49 : memref<1x80x128xi32, #tpu.memory_space<hbm>> -> memref<80x128xi32, #tpu.memory_space<hbm>>
      tpu.wait_dma2 semaphore(%run_scoped3A : memref<!tpu.dma_semaphore, #tpu.memory_space<semaphore_mem>>) src(%dma_wait3A_50 : memref<80x128xi32, #tpu.memory_space<hbm>>) dst(%arg5 : memref<80x128xi32, #tpu.memory_space<vmem>>)
      tpu.yield
    }) : () -> ()
    %mul3A_14 = arith.constant 80 : i32
    %mul3A_15 = arith.muli %arg0, %mul3A_14 : i32
    "tpu.region"() ({
      %run_scoped3A = tpu.sem_alloc : memref<!tpu.dma_semaphore, #tpu.memory_space<semaphore_mem>>
      %dma_start3A = arith.constant 0 : i32
      %dma_start3A_41 = tpu.memref_slice %arg3[%arg1, %mul3A_15, %dma_start3A] : memref<16x160x128xi32, #tpu.memory_space<hbm>> -> memref<1x80x128xi32, #tpu.memory_space<hbm>>
      %dma_start3A_42 = tpu.memref_squeeze %dma_start3A_41 : memref<1x80x128xi32, #tpu.memory_space<hbm>> -> memref<80x128xi32, #tpu.memory_space<hbm>>
      %dma_start3A_43 = arith.constant 0 : i32
      %dma_start3A_44 = tpu.memref_slice %arg3[%arg1, %mul3A_15, %dma_start3A_43] : memref<16x160x128xi32, #tpu.memory_space<hbm>> -> memref<1x80x128xi32, #tpu.memory_space<hbm>>
      %dma_start3A_45 = tpu.memref_squeeze %dma_start3A_44 : memref<1x80x128xi32, #tpu.memory_space<hbm>> -> memref<80x128xi32, #tpu.memory_space<hbm>>
      tpu.enqueue_dma source(%dma_start3A_45 : memref<80x128xi32, #tpu.memory_space<hbm>>) target(%arg6 : memref<80x128xi32, #tpu.memory_space<vmem>>) target_semaphore(%run_scoped3A : memref<!tpu.dma_semaphore, #tpu.memory_space<semaphore_mem>>)
      %dma_wait3A = arith.constant 0 : i32
      %dma_wait3A_46 = tpu.memref_slice %arg3[%arg1, %mul3A_15, %dma_wait3A] : memref<16x160x128xi32, #tpu.memory_space<hbm>> -> memref<1x80x128xi32, #tpu.memory_space<hbm>>
      %dma_wait3A_47 = tpu.memref_squeeze %dma_wait3A_46 : memref<1x80x128xi32, #tpu.memory_space<hbm>> -> memref<80x128xi32, #tpu.memory_space<hbm>>
      %dma_wait3A_48 = arith.constant 0 : i32
      %dma_wait3A_49 = tpu.memref_slice %arg3[%arg1, %mul3A_15, %dma_wait3A_48] : memref<16x160x128xi32, #tpu.memory_space<hbm>> -> memref<1x80x128xi32, #tpu.memory_space<hbm>>
      %dma_wait3A_50 = tpu.memref_squeeze %dma_wait3A_49 : memref<1x80x128xi32, #tpu.memory_space<hbm>> -> memref<80x128xi32, #tpu.memory_space<hbm>>
      tpu.wait_dma2 semaphore(%run_scoped3A : memref<!tpu.dma_semaphore, #tpu.memory_space<semaphore_mem>>) src(%dma_wait3A_50 : memref<80x128xi32, #tpu.memory_space<hbm>>) dst(%arg6 : memref<80x128xi32, #tpu.memory_space<vmem>>)
      tpu.yield
    }) : () -> ()
    %eq3A = arith.constant 0 : i32
    %eq3A_16 = arith.cmpi eq, %arg1, %eq3A : i32
    %convert_element_type3A = arith.extui %eq3A_16 : i1 to i32
    %cond3A = arith.constant 0 : i32
    %cond3A_17 = arith.cmpi ne, %convert_element_type3A, %cond3A : i32
    scf.if %cond3A_17 {
      "tpu.region"() ({
        %run_scoped3A = tpu.sem_alloc : memref<!tpu.dma_semaphore, #tpu.memory_space<semaphore_mem>>
        tpu.enqueue_dma source(%arg8 : memref<10112xf32, #tpu.memory_space<vmem>>) target(%arg9 : memref<10112xf32, #tpu.memory_space<vmem_shared>>) target_semaphore(%run_scoped3A : memref<!tpu.dma_semaphore, #tpu.memory_space<semaphore_mem>>)
        tpu.wait_dma2 semaphore(%run_scoped3A : memref<!tpu.dma_semaphore, #tpu.memory_space<semaphore_mem>>) src(%arg8 : memref<10112xf32, #tpu.memory_space<vmem>>) dst(%arg9 : memref<10112xf32, #tpu.memory_space<vmem_shared>>)
        tpu.yield
      }) : () -> ()
    } else {
    }
    %eq3A_18 = arith.constant 1 : i32
    %eq3A_19 = arith.cmpi eq, %arg1, %eq3A_18 : i32
    %convert_element_type3A_20 = arith.extui %eq3A_19 : i1 to i32
    %cond3A_21 = arith.constant 0 : i32
    %cond3A_22 = arith.cmpi ne, %convert_element_type3A_20, %cond3A_21 : i32
    scf.if %cond3A_22 {
      "tpu.region"() ({
        %run_scoped3A = tpu.sem_alloc : memref<!tpu.dma_semaphore, #tpu.memory_space<semaphore_mem>>
        tpu.enqueue_dma source(%arg8 : memref<10112xf32, #tpu.memory_space<vmem>>) target(%arg10 : memref<10112xf32, #tpu.memory_space<vmem_shared>>) target_semaphore(%run_scoped3A : memref<!tpu.dma_semaphore, #tpu.memory_space<semaphore_mem>>)
        tpu.wait_dma2 semaphore(%run_scoped3A : memref<!tpu.dma_semaphore, #tpu.memory_space<semaphore_mem>>) src(%arg8 : memref<10112xf32, #tpu.memory_space<vmem>>) dst(%arg10 : memref<10112xf32, #tpu.memory_space<vmem_shared>>)
        tpu.yield
      }) : () -> ()
    } else {
    }
    %barrier3A = arith.constant 0 : index
    tpu.barrier barrier_id(%barrier3A)
    %scan3A_23 = arith.constant 0 : i32
    %scan3A_24 = arith.constant 0 : i32
    %scan3A_25 = arith.constant 10 : i32
    %scan3A_26 = arith.addi %scan3A_24, %scan3A_25 : i32
    %scan3A_27 = arith.constant 1 : i32
    %scan3A_28 = scf.for %scan3A_41 = %scan3A_24 to %scan3A_26 step %scan3A_27 iter_args(%scan3A_42 = %scan3A_23) -> (i32)  : i32 {
      %mul3A_43 = arith.constant 8 : i32
      %mul3A_44 = arith.muli %scan3A_41, %mul3A_43 : i32
      %add3A = arith.constant 0 : i32
      %add3A_45 = arith.addi %mul3A_44, %add3A : i32
      %dma_start3A = arith.constant 0 : i32
      %dma_start3A_46 = tpu.memref_slice %arg5[%add3A_45, %dma_start3A] : memref<80x128xi32, #tpu.memory_space<vmem>> -> memref<1x128xi32, #tpu.memory_space<vmem>>
      %dma_start3A_47 = tpu.memref_squeeze %dma_start3A_46 : memref<1x128xi32, #tpu.memory_space<vmem>> -> memref<128xi32, #tpu.memory_space<vmem>>
      %dma_start3A_48 = arith.constant 0 : i32
      %dma_start3A_49 = tpu.memref_slice %arg9[%dma_start3A_48] : memref<10112xf32, #tpu.memory_space<vmem_shared>> -> memref<10112xf32, #tpu.memory_space<vmem_shared>>
      tpu.enqueue_indirect_dma source(%arg7 : memref<128xf32, #tpu.memory_space<vmem>>) target(%dma_start3A_49 : memref<10112xf32, #tpu.memory_space<vmem_shared>>) offsets(%dma_start3A_47 : memref<128xi32, #tpu.memory_space<vmem>>) semaphore(%arg11 : memref<!tpu.dma_semaphore, #tpu.memory_space<semaphore_mem>>) {add = true}
      %dma_start3A_50 = arith.constant 0 : i32
      %dma_start3A_51 = tpu.memref_slice %arg6[%add3A_45, %dma_start3A_50] : memref<80x128xi32, #tpu.memory_space<vmem>> -> memref<1x128xi32, #tpu.memory_space<vmem>>
      %dma_start3A_52 = tpu.memref_squeeze %dma_start3A_51 : memref<1x128xi32, #tpu.memory_space<vmem>> -> memref<128xi32, #tpu.memory_space<vmem>>
      %dma_start3A_53 = arith.constant 0 : i32
      %dma_start3A_54 = tpu.memref_slice %arg10[%dma_start3A_53] : memref<10112xf32, #tpu.memory_space<vmem_shared>> -> memref<10112xf32, #tpu.memory_space<vmem_shared>>
      tpu.enqueue_indirect_dma source(%arg7 : memref<128xf32, #tpu.memory_space<vmem>>) target(%dma_start3A_54 : memref<10112xf32, #tpu.memory_space<vmem_shared>>) offsets(%dma_start3A_52 : memref<128xi32, #tpu.memory_space<vmem>>) semaphore(%arg11 : memref<!tpu.dma_semaphore, #tpu.memory_space<semaphore_mem>>) {add = true}
      %mul3A_55 = arith.constant 8 : i32
      %mul3A_56 = arith.muli %scan3A_41, %mul3A_55 : i32
      %add3A_57 = arith.constant 1 : i32
      %add3A_58 = arith.addi %mul3A_56, %add3A_57 : i32
      %dma_start3A_59 = arith.constant 0 : i32
      %dma_start3A_60 = tpu.memref_slice %arg5[%add3A_58, %dma_start3A_59] : memref<80x128xi32, #tpu.memory_space<vmem>> -> memref<1x128xi32, #tpu.memory_space<vmem>>
      %dma_start3A_61 = tpu.memref_squeeze %dma_start3A_60 : memref<1x128xi32, #tpu.memory_space<vmem>> -> memref<128xi32, #tpu.memory_space<vmem>>
      %dma_start3A_62 = arith.constant 0 : i32
      %dma_start3A_63 = tpu.memref_slice %arg9[%dma_start3A_62] : memref<10112xf32, #tpu.memory_space<vmem_shared>> -> memref<10112xf32, #tpu.memory_space<vmem_shared>>
      tpu.enqueue_indirect_dma source(%arg7 : memref<128xf32, #tpu.memory_space<vmem>>) target(%dma_start3A_63 : memref<10112xf32, #tpu.memory_space<vmem_shared>>) offsets(%dma_start3A_61 : memref<128xi32, #tpu.memory_space<vmem>>) semaphore(%arg11 : memref<!tpu.dma_semaphore, #tpu.memory_space<semaphore_mem>>) {add = true}
      %dma_start3A_64 = arith.constant 0 : i32
      %dma_start3A_65 = tpu.memref_slice %arg6[%add3A_58, %dma_start3A_64] : memref<80x128xi32, #tpu.memory_space<vmem>> -> memref<1x128xi32, #tpu.memory_space<vmem>>
      %dma_start3A_66 = tpu.memref_squeeze %dma_start3A_65 : memref<1x128xi32, #tpu.memory_space<vmem>> -> memref<128xi32, #tpu.memory_space<vmem>>
      %dma_start3A_67 = arith.constant 0 : i32
      %dma_start3A_68 = tpu.memref_slice %arg10[%dma_start3A_67] : memref<10112xf32, #tpu.memory_space<vmem_shared>> -> memref<10112xf32, #tpu.memory_space<vmem_shared>>
      tpu.enqueue_indirect_dma source(%arg7 : memref<128xf32, #tpu.memory_space<vmem>>) target(%dma_start3A_68 : memref<10112xf32, #tpu.memory_space<vmem_shared>>) offsets(%dma_start3A_66 : memref<128xi32, #tpu.memory_space<vmem>>) semaphore(%arg11 : memref<!tpu.dma_semaphore, #tpu.memory_space<semaphore_mem>>) {add = true}
      %mul3A_69 = arith.constant 8 : i32
      %mul3A_70 = arith.muli %scan3A_41, %mul3A_69 : i32
      %add3A_71 = arith.constant 2 : i32
      %add3A_72 = arith.addi %mul3A_70, %add3A_71 : i32
      %dma_start3A_73 = arith.constant 0 : i32
      %dma_start3A_74 = tpu.memref_slice %arg5[%add3A_72, %dma_start3A_73] : memref<80x128xi32, #tpu.memory_space<vmem>> -> memref<1x128xi32, #tpu.memory_space<vmem>>
      %dma_start3A_75 = tpu.memref_squeeze %dma_start3A_74 : memref<1x128xi32, #tpu.memory_space<vmem>> -> memref<128xi32, #tpu.memory_space<vmem>>
      %dma_start3A_76 = arith.constant 0 : i32
      %dma_start3A_77 = tpu.memref_slice %arg9[%dma_start3A_76] : memref<10112xf32, #tpu.memory_space<vmem_shared>> -> memref<10112xf32, #tpu.memory_space<vmem_shared>>
      tpu.enqueue_indirect_dma source(%arg7 : memref<128xf32, #tpu.memory_space<vmem>>) target(%dma_start3A_77 : memref<10112xf32, #tpu.memory_space<vmem_shared>>) offsets(%dma_start3A_75 : memref<128xi32, #tpu.memory_space<vmem>>) semaphore(%arg11 : memref<!tpu.dma_semaphore, #tpu.memory_space<semaphore_mem>>) {add = true}
      %dma_start3A_78 = arith.constant 0 : i32
      %dma_start3A_79 = tpu.memref_slice %arg6[%add3A_72, %dma_start3A_78] : memref<80x128xi32, #tpu.memory_space<vmem>> -> memref<1x128xi32, #tpu.memory_space<vmem>>
      %dma_start3A_80 = tpu.memref_squeeze %dma_start3A_79 : memref<1x128xi32, #tpu.memory_space<vmem>> -> memref<128xi32, #tpu.memory_space<vmem>>
      %dma_start3A_81 = arith.constant 0 : i32
      %dma_start3A_82 = tpu.memref_slice %arg10[%dma_start3A_81] : memref<10112xf32, #tpu.memory_space<vmem_shared>> -> memref<10112xf32, #tpu.memory_space<vmem_shared>>
      tpu.enqueue_indirect_dma source(%arg7 : memref<128xf32, #tpu.memory_space<vmem>>) target(%dma_start3A_82 : memref<10112xf32, #tpu.memory_space<vmem_shared>>) offsets(%dma_start3A_80 : memref<128xi32, #tpu.memory_space<vmem>>) semaphore(%arg11 : memref<!tpu.dma_semaphore, #tpu.memory_space<semaphore_mem>>) {add = true}
      %mul3A_83 = arith.constant 8 : i32
      %mul3A_84 = arith.muli %scan3A_41, %mul3A_83 : i32
      %add3A_85 = arith.constant 3 : i32
      %add3A_86 = arith.addi %mul3A_84, %add3A_85 : i32
      %dma_start3A_87 = arith.constant 0 : i32
      %dma_start3A_88 = tpu.memref_slice %arg5[%add3A_86, %dma_start3A_87] : memref<80x128xi32, #tpu.memory_space<vmem>> -> memref<1x128xi32, #tpu.memory_space<vmem>>
      %dma_start3A_89 = tpu.memref_squeeze %dma_start3A_88 : memref<1x128xi32, #tpu.memory_space<vmem>> -> memref<128xi32, #tpu.memory_space<vmem>>
      %dma_start3A_90 = arith.constant 0 : i32
      %dma_start3A_91 = tpu.memref_slice %arg9[%dma_start3A_90] : memref<10112xf32, #tpu.memory_space<vmem_shared>> -> memref<10112xf32, #tpu.memory_space<vmem_shared>>
      tpu.enqueue_indirect_dma source(%arg7 : memref<128xf32, #tpu.memory_space<vmem>>) target(%dma_start3A_91 : memref<10112xf32, #tpu.memory_space<vmem_shared>>) offsets(%dma_start3A_89 : memref<128xi32, #tpu.memory_space<vmem>>) semaphore(%arg11 : memref<!tpu.dma_semaphore, #tpu.memory_space<semaphore_mem>>) {add = true}
      %dma_start3A_92 = arith.constant 0 : i32
      %dma_start3A_93 = tpu.memref_slice %arg6[%add3A_86, %dma_start3A_92] : memref<80x128xi32, #tpu.memory_space<vmem>> -> memref<1x128xi32, #tpu.memory_space<vmem>>
      %dma_start3A_94 = tpu.memref_squeeze %dma_start3A_93 : memref<1x128xi32, #tpu.memory_space<vmem>> -> memref<128xi32, #tpu.memory_space<vmem>>
      %dma_start3A_95 = arith.constant 0 : i32
      %dma_start3A_96 = tpu.memref_slice %arg10[%dma_start3A_95] : memref<10112xf32, #tpu.memory_space<vmem_shared>> -> memref<10112xf32, #tpu.memory_space<vmem_shared>>
      tpu.enqueue_indirect_dma source(%arg7 : memref<128xf32, #tpu.memory_space<vmem>>) target(%dma_start3A_96 : memref<10112xf32, #tpu.memory_space<vmem_shared>>) offsets(%dma_start3A_94 : memref<128xi32, #tpu.memory_space<vmem>>) semaphore(%arg11 : memref<!tpu.dma_semaphore, #tpu.memory_space<semaphore_mem>>) {add = true}
      %mul3A_97 = arith.constant 8 : i32
      %mul3A_98 = arith.muli %scan3A_41, %mul3A_97 : i32
      %add3A_99 = arith.constant 4 : i32
      %add3A_100 = arith.addi %mul3A_98, %add3A_99 : i32
      %dma_start3A_101 = arith.constant 0 : i32
      %dma_start3A_102 = tpu.memref_slice %arg5[%add3A_100, %dma_start3A_101] : memref<80x128xi32, #tpu.memory_space<vmem>> -> memref<1x128xi32, #tpu.memory_space<vmem>>
      %dma_start3A_103 = tpu.memref_squeeze %dma_start3A_102 : memref<1x128xi32, #tpu.memory_space<vmem>> -> memref<128xi32, #tpu.memory_space<vmem>>
      %dma_start3A_104 = arith.constant 0 : i32
      %dma_start3A_105 = tpu.memref_slice %arg9[%dma_start3A_104] : memref<10112xf32, #tpu.memory_space<vmem_shared>> -> memref<10112xf32, #tpu.memory_space<vmem_shared>>
      tpu.enqueue_indirect_dma source(%arg7 : memref<128xf32, #tpu.memory_space<vmem>>) target(%dma_start3A_105 : memref<10112xf32, #tpu.memory_space<vmem_shared>>) offsets(%dma_start3A_103 : memref<128xi32, #tpu.memory_space<vmem>>) semaphore(%arg11 : memref<!tpu.dma_semaphore, #tpu.memory_space<semaphore_mem>>) {add = true}
      %dma_start3A_106 = arith.constant 0 : i32
      %dma_start3A_107 = tpu.memref_slice %arg6[%add3A_100, %dma_start3A_106] : memref<80x128xi32, #tpu.memory_space<vmem>> -> memref<1x128xi32, #tpu.memory_space<vmem>>
      %dma_start3A_108 = tpu.memref_squeeze %dma_start3A_107 : memref<1x128xi32, #tpu.memory_space<vmem>> -> memref<128xi32, #tpu.memory_space<vmem>>
      %dma_start3A_109 = arith.constant 0 : i32
      %dma_start3A_110 = tpu.memref_slice %arg10[%dma_start3A_109] : memref<10112xf32, #tpu.memory_space<vmem_shared>> -> memref<10112xf32, #tpu.memory_space<vmem_shared>>
      tpu.enqueue_indirect_dma source(%arg7 : memref<128xf32, #tpu.memory_space<vmem>>) target(%dma_start3A_110 : memref<10112xf32, #tpu.memory_space<vmem_shared>>) offsets(%dma_start3A_108 : memref<128xi32, #tpu.memory_space<vmem>>) semaphore(%arg11 : memref<!tpu.dma_semaphore, #tpu.memory_space<semaphore_mem>>) {add = true}
      %mul3A_111 = arith.constant 8 : i32
      %mul3A_112 = arith.muli %scan3A_41, %mul3A_111 : i32
      %add3A_113 = arith.constant 5 : i32
      %add3A_114 = arith.addi %mul3A_112, %add3A_113 : i32
      %dma_start3A_115 = arith.constant 0 : i32
      %dma_start3A_116 = tpu.memref_slice %arg5[%add3A_114, %dma_start3A_115] : memref<80x128xi32, #tpu.memory_space<vmem>> -> memref<1x128xi32, #tpu.memory_space<vmem>>
      %dma_start3A_117 = tpu.memref_squeeze %dma_start3A_116 : memref<1x128xi32, #tpu.memory_space<vmem>> -> memref<128xi32, #tpu.memory_space<vmem>>
      %dma_start3A_118 = arith.constant 0 : i32
      %dma_start3A_119 = tpu.memref_slice %arg9[%dma_start3A_118] : memref<10112xf32, #tpu.memory_space<vmem_shared>> -> memref<10112xf32, #tpu.memory_space<vmem_shared>>
      tpu.enqueue_indirect_dma source(%arg7 : memref<128xf32, #tpu.memory_space<vmem>>) target(%dma_start3A_119 : memref<10112xf32, #tpu.memory_space<vmem_shared>>) offsets(%dma_start3A_117 : memref<128xi32, #tpu.memory_space<vmem>>) semaphore(%arg11 : memref<!tpu.dma_semaphore, #tpu.memory_space<semaphore_mem>>) {add = true}
      %dma_start3A_120 = arith.constant 0 : i32
      %dma_start3A_121 = tpu.memref_slice %arg6[%add3A_114, %dma_start3A_120] : memref<80x128xi32, #tpu.memory_space<vmem>> -> memref<1x128xi32, #tpu.memory_space<vmem>>
      %dma_start3A_122 = tpu.memref_squeeze %dma_start3A_121 : memref<1x128xi32, #tpu.memory_space<vmem>> -> memref<128xi32, #tpu.memory_space<vmem>>
      %dma_start3A_123 = arith.constant 0 : i32
      %dma_start3A_124 = tpu.memref_slice %arg10[%dma_start3A_123] : memref<10112xf32, #tpu.memory_space<vmem_shared>> -> memref<10112xf32, #tpu.memory_space<vmem_shared>>
      tpu.enqueue_indirect_dma source(%arg7 : memref<128xf32, #tpu.memory_space<vmem>>) target(%dma_start3A_124 : memref<10112xf32, #tpu.memory_space<vmem_shared>>) offsets(%dma_start3A_122 : memref<128xi32, #tpu.memory_space<vmem>>) semaphore(%arg11 : memref<!tpu.dma_semaphore, #tpu.memory_space<semaphore_mem>>) {add = true}
      %mul3A_125 = arith.constant 8 : i32
      %mul3A_126 = arith.muli %scan3A_41, %mul3A_125 : i32
      %add3A_127 = arith.constant 6 : i32
      %add3A_128 = arith.addi %mul3A_126, %add3A_127 : i32
      %dma_start3A_129 = arith.constant 0 : i32
      %dma_start3A_130 = tpu.memref_slice %arg5[%add3A_128, %dma_start3A_129] : memref<80x128xi32, #tpu.memory_space<vmem>> -> memref<1x128xi32, #tpu.memory_space<vmem>>
      %dma_start3A_131 = tpu.memref_squeeze %dma_start3A_130 : memref<1x128xi32, #tpu.memory_space<vmem>> -> memref<128xi32, #tpu.memory_space<vmem>>
      %dma_start3A_132 = arith.constant 0 : i32
      %dma_start3A_133 = tpu.memref_slice %arg9[%dma_start3A_132] : memref<10112xf32, #tpu.memory_space<vmem_shared>> -> memref<10112xf32, #tpu.memory_space<vmem_shared>>
      tpu.enqueue_indirect_dma source(%arg7 : memref<128xf32, #tpu.memory_space<vmem>>) target(%dma_start3A_133 : memref<10112xf32, #tpu.memory_space<vmem_shared>>) offsets(%dma_start3A_131 : memref<128xi32, #tpu.memory_space<vmem>>) semaphore(%arg11 : memref<!tpu.dma_semaphore, #tpu.memory_space<semaphore_mem>>) {add = true}
      %dma_start3A_134 = arith.constant 0 : i32
      %dma_start3A_135 = tpu.memref_slice %arg6[%add3A_128, %dma_start3A_134] : memref<80x128xi32, #tpu.memory_space<vmem>> -> memref<1x128xi32, #tpu.memory_space<vmem>>
      %dma_start3A_136 = tpu.memref_squeeze %dma_start3A_135 : memref<1x128xi32, #tpu.memory_space<vmem>> -> memref<128xi32, #tpu.memory_space<vmem>>
      %dma_start3A_137 = arith.constant 0 : i32
      %dma_start3A_138 = tpu.memref_slice %arg10[%dma_start3A_137] : memref<10112xf32, #tpu.memory_space<vmem_shared>> -> memref<10112xf32, #tpu.memory_space<vmem_shared>>
      tpu.enqueue_indirect_dma source(%arg7 : memref<128xf32, #tpu.memory_space<vmem>>) target(%dma_start3A_138 : memref<10112xf32, #tpu.memory_space<vmem_shared>>) offsets(%dma_start3A_136 : memref<128xi32, #tpu.memory_space<vmem>>) semaphore(%arg11 : memref<!tpu.dma_semaphore, #tpu.memory_space<semaphore_mem>>) {add = true}
      %mul3A_139 = arith.constant 8 : i32
      %mul3A_140 = arith.muli %scan3A_41, %mul3A_139 : i32
      %add3A_141 = arith.constant 7 : i32
      %add3A_142 = arith.addi %mul3A_140, %add3A_141 : i32
      %dma_start3A_143 = arith.constant 0 : i32
      %dma_start3A_144 = tpu.memref_slice %arg5[%add3A_142, %dma_start3A_143] : memref<80x128xi32, #tpu.memory_space<vmem>> -> memref<1x128xi32, #tpu.memory_space<vmem>>
      %dma_start3A_145 = tpu.memref_squeeze %dma_start3A_144 : memref<1x128xi32, #tpu.memory_space<vmem>> -> memref<128xi32, #tpu.memory_space<vmem>>
      %dma_start3A_146 = arith.constant 0 : i32
      %dma_start3A_147 = tpu.memref_slice %arg9[%dma_start3A_146] : memref<10112xf32, #tpu.memory_space<vmem_shared>> -> memref<10112xf32, #tpu.memory_space<vmem_shared>>
      tpu.enqueue_indirect_dma source(%arg7 : memref<128xf32, #tpu.memory_space<vmem>>) target(%dma_start3A_147 : memref<10112xf32, #tpu.memory_space<vmem_shared>>) offsets(%dma_start3A_145 : memref<128xi32, #tpu.memory_space<vmem>>) semaphore(%arg11 : memref<!tpu.dma_semaphore, #tpu.memory_space<semaphore_mem>>) {add = true}
      %dma_start3A_148 = arith.constant 0 : i32
      %dma_start3A_149 = tpu.memref_slice %arg6[%add3A_142, %dma_start3A_148] : memref<80x128xi32, #tpu.memory_space<vmem>> -> memref<1x128xi32, #tpu.memory_space<vmem>>
      %dma_start3A_150 = tpu.memref_squeeze %dma_start3A_149 : memref<1x128xi32, #tpu.memory_space<vmem>> -> memref<128xi32, #tpu.memory_space<vmem>>
      %dma_start3A_151 = arith.constant 0 : i32
      %dma_start3A_152 = tpu.memref_slice %arg10[%dma_start3A_151] : memref<10112xf32, #tpu.memory_space<vmem_shared>> -> memref<10112xf32, #tpu.memory_space<vmem_shared>>
      tpu.enqueue_indirect_dma source(%arg7 : memref<128xf32, #tpu.memory_space<vmem>>) target(%dma_start3A_152 : memref<10112xf32, #tpu.memory_space<vmem_shared>>) offsets(%dma_start3A_150 : memref<128xi32, #tpu.memory_space<vmem>>) semaphore(%arg11 : memref<!tpu.dma_semaphore, #tpu.memory_space<semaphore_mem>>) {add = true}
      %dma_wait3A = arith.constant 0 : i32
      %dma_wait3A_153 = tpu.memref_slice %arg5[%add3A_45, %dma_wait3A] : memref<80x128xi32, #tpu.memory_space<vmem>> -> memref<1x128xi32, #tpu.memory_space<vmem>>
      %dma_wait3A_154 = tpu.memref_squeeze %dma_wait3A_153 : memref<1x128xi32, #tpu.memory_space<vmem>> -> memref<128xi32, #tpu.memory_space<vmem>>
      %dma_wait3A_155 = arith.constant 0 : i32
      %dma_wait3A_156 = tpu.memref_slice %arg9[%dma_wait3A_155] : memref<10112xf32, #tpu.memory_space<vmem_shared>> -> memref<10112xf32, #tpu.memory_space<vmem_shared>>
      tpu.wait_indirect_dma semaphore(%arg11 : memref<!tpu.dma_semaphore, #tpu.memory_space<semaphore_mem>>) src(%arg7 : memref<128xf32, #tpu.memory_space<vmem>>) dst(%dma_wait3A_156 : memref<10112xf32, #tpu.memory_space<vmem_shared>>)
      %dma_wait3A_157 = arith.constant 0 : i32
      %dma_wait3A_158 = tpu.memref_slice %arg6[%add3A_45, %dma_wait3A_157] : memref<80x128xi32, #tpu.memory_space<vmem>> -> memref<1x128xi32, #tpu.memory_space<vmem>>
      %dma_wait3A_159 = tpu.memref_squeeze %dma_wait3A_158 : memref<1x128xi32, #tpu.memory_space<vmem>> -> memref<128xi32, #tpu.memory_space<vmem>>
      %dma_wait3A_160 = arith.constant 0 : i32
      %dma_wait3A_161 = tpu.memref_slice %arg10[%dma_wait3A_160] : memref<10112xf32, #tpu.memory_space<vmem_shared>> -> memref<10112xf32, #tpu.memory_space<vmem_shared>>
      tpu.wait_indirect_dma semaphore(%arg11 : memref<!tpu.dma_semaphore, #tpu.memory_space<semaphore_mem>>) src(%arg7 : memref<128xf32, #tpu.memory_space<vmem>>) dst(%dma_wait3A_161 : memref<10112xf32, #tpu.memory_space<vmem_shared>>)
      %dma_wait3A_162 = arith.constant 0 : i32
      %dma_wait3A_163 = tpu.memref_slice %arg5[%add3A_58, %dma_wait3A_162] : memref<80x128xi32, #tpu.memory_space<vmem>> -> memref<1x128xi32, #tpu.memory_space<vmem>>
      %dma_wait3A_164 = tpu.memref_squeeze %dma_wait3A_163 : memref<1x128xi32, #tpu.memory_space<vmem>> -> memref<128xi32, #tpu.memory_space<vmem>>
      %dma_wait3A_165 = arith.constant 0 : i32
      %dma_wait3A_166 = tpu.memref_slice %arg9[%dma_wait3A_165] : memref<10112xf32, #tpu.memory_space<vmem_shared>> -> memref<10112xf32, #tpu.memory_space<vmem_shared>>
      tpu.wait_indirect_dma semaphore(%arg11 : memref<!tpu.dma_semaphore, #tpu.memory_space<semaphore_mem>>) src(%arg7 : memref<128xf32, #tpu.memory_space<vmem>>) dst(%dma_wait3A_166 : memref<10112xf32, #tpu.memory_space<vmem_shared>>)
      %dma_wait3A_167 = arith.constant 0 : i32
      %dma_wait3A_168 = tpu.memref_slice %arg6[%add3A_58, %dma_wait3A_167] : memref<80x128xi32, #tpu.memory_space<vmem>> -> memref<1x128xi32, #tpu.memory_space<vmem>>
      %dma_wait3A_169 = tpu.memref_squeeze %dma_wait3A_168 : memref<1x128xi32, #tpu.memory_space<vmem>> -> memref<128xi32, #tpu.memory_space<vmem>>
      %dma_wait3A_170 = arith.constant 0 : i32
      %dma_wait3A_171 = tpu.memref_slice %arg10[%dma_wait3A_170] : memref<10112xf32, #tpu.memory_space<vmem_shared>> -> memref<10112xf32, #tpu.memory_space<vmem_shared>>
      tpu.wait_indirect_dma semaphore(%arg11 : memref<!tpu.dma_semaphore, #tpu.memory_space<semaphore_mem>>) src(%arg7 : memref<128xf32, #tpu.memory_space<vmem>>) dst(%dma_wait3A_171 : memref<10112xf32, #tpu.memory_space<vmem_shared>>)
      %dma_wait3A_172 = arith.constant 0 : i32
      %dma_wait3A_173 = tpu.memref_slice %arg5[%add3A_72, %dma_wait3A_172] : memref<80x128xi32, #tpu.memory_space<vmem>> -> memref<1x128xi32, #tpu.memory_space<vmem>>
      %dma_wait3A_174 = tpu.memref_squeeze %dma_wait3A_173 : memref<1x128xi32, #tpu.memory_space<vmem>> -> memref<128xi32, #tpu.memory_space<vmem>>
      %dma_wait3A_175 = arith.constant 0 : i32
      %dma_wait3A_176 = tpu.memref_slice %arg9[%dma_wait3A_175] : memref<10112xf32, #tpu.memory_space<vmem_shared>> -> memref<10112xf32, #tpu.memory_space<vmem_shared>>
      tpu.wait_indirect_dma semaphore(%arg11 : memref<!tpu.dma_semaphore, #tpu.memory_space<semaphore_mem>>) src(%arg7 : memref<128xf32, #tpu.memory_space<vmem>>) dst(%dma_wait3A_176 : memref<10112xf32, #tpu.memory_space<vmem_shared>>)
      %dma_wait3A_177 = arith.constant 0 : i32
      %dma_wait3A_178 = tpu.memref_slice %arg6[%add3A_72, %dma_wait3A_177] : memref<80x128xi32, #tpu.memory_space<vmem>> -> memref<1x128xi32, #tpu.memory_space<vmem>>
      %dma_wait3A_179 = tpu.memref_squeeze %dma_wait3A_178 : memref<1x128xi32, #tpu.memory_space<vmem>> -> memref<128xi32, #tpu.memory_space<vmem>>
      %dma_wait3A_180 = arith.constant 0 : i32
      %dma_wait3A_181 = tpu.memref_slice %arg10[%dma_wait3A_180] : memref<10112xf32, #tpu.memory_space<vmem_shared>> -> memref<10112xf32, #tpu.memory_space<vmem_shared>>
      tpu.wait_indirect_dma semaphore(%arg11 : memref<!tpu.dma_semaphore, #tpu.memory_space<semaphore_mem>>) src(%arg7 : memref<128xf32, #tpu.memory_space<vmem>>) dst(%dma_wait3A_181 : memref<10112xf32, #tpu.memory_space<vmem_shared>>)
      %dma_wait3A_182 = arith.constant 0 : i32
      %dma_wait3A_183 = tpu.memref_slice %arg5[%add3A_86, %dma_wait3A_182] : memref<80x128xi32, #tpu.memory_space<vmem>> -> memref<1x128xi32, #tpu.memory_space<vmem>>
      %dma_wait3A_184 = tpu.memref_squeeze %dma_wait3A_183 : memref<1x128xi32, #tpu.memory_space<vmem>> -> memref<128xi32, #tpu.memory_space<vmem>>
      %dma_wait3A_185 = arith.constant 0 : i32
      %dma_wait3A_186 = tpu.memref_slice %arg9[%dma_wait3A_185] : memref<10112xf32, #tpu.memory_space<vmem_shared>> -> memref<10112xf32, #tpu.memory_space<vmem_shared>>
      tpu.wait_indirect_dma semaphore(%arg11 : memref<!tpu.dma_semaphore, #tpu.memory_space<semaphore_mem>>) src(%arg7 : memref<128xf32, #tpu.memory_space<vmem>>) dst(%dma_wait3A_186 : memref<10112xf32, #tpu.memory_space<vmem_shared>>)
      %dma_wait3A_187 = arith.constant 0 : i32
      %dma_wait3A_188 = tpu.memref_slice %arg6[%add3A_86, %dma_wait3A_187] : memref<80x128xi32, #tpu.memory_space<vmem>> -> memref<1x128xi32, #tpu.memory_space<vmem>>
      %dma_wait3A_189 = tpu.memref_squeeze %dma_wait3A_188 : memref<1x128xi32, #tpu.memory_space<vmem>> -> memref<128xi32, #tpu.memory_space<vmem>>
      %dma_wait3A_190 = arith.constant 0 : i32
      %dma_wait3A_191 = tpu.memref_slice %arg10[%dma_wait3A_190] : memref<10112xf32, #tpu.memory_space<vmem_shared>> -> memref<10112xf32, #tpu.memory_space<vmem_shared>>
      tpu.wait_indirect_dma semaphore(%arg11 : memref<!tpu.dma_semaphore, #tpu.memory_space<semaphore_mem>>) src(%arg7 : memref<128xf32, #tpu.memory_space<vmem>>) dst(%dma_wait3A_191 : memref<10112xf32, #tpu.memory_space<vmem_shared>>)
      %dma_wait3A_192 = arith.constant 0 : i32
      %dma_wait3A_193 = tpu.memref_slice %arg5[%add3A_100, %dma_wait3A_192] : memref<80x128xi32, #tpu.memory_space<vmem>> -> memref<1x128xi32, #tpu.memory_space<vmem>>
      %dma_wait3A_194 = tpu.memref_squeeze %dma_wait3A_193 : memref<1x128xi32, #tpu.memory_space<vmem>> -> memref<128xi32, #tpu.memory_space<vmem>>
      %dma_wait3A_195 = arith.constant 0 : i32
      %dma_wait3A_196 = tpu.memref_slice %arg9[%dma_wait3A_195] : memref<10112xf32, #tpu.memory_space<vmem_shared>> -> memref<10112xf32, #tpu.memory_space<vmem_shared>>
      tpu.wait_indirect_dma semaphore(%arg11 : memref<!tpu.dma_semaphore, #tpu.memory_space<semaphore_mem>>) src(%arg7 : memref<128xf32, #tpu.memory_space<vmem>>) dst(%dma_wait3A_196 : memref<10112xf32, #tpu.memory_space<vmem_shared>>)
      %dma_wait3A_197 = arith.constant 0 : i32
      %dma_wait3A_198 = tpu.memref_slice %arg6[%add3A_100, %dma_wait3A_197] : memref<80x128xi32, #tpu.memory_space<vmem>> -> memref<1x128xi32, #tpu.memory_space<vmem>>
      %dma_wait3A_199 = tpu.memref_squeeze %dma_wait3A_198 : memref<1x128xi32, #tpu.memory_space<vmem>> -> memref<128xi32, #tpu.memory_space<vmem>>
      %dma_wait3A_200 = arith.constant 0 : i32
      %dma_wait3A_201 = tpu.memref_slice %arg10[%dma_wait3A_200] : memref<10112xf32, #tpu.memory_space<vmem_shared>> -> memref<10112xf32, #tpu.memory_space<vmem_shared>>
      tpu.wait_indirect_dma semaphore(%arg11 : memref<!tpu.dma_semaphore, #tpu.memory_space<semaphore_mem>>) src(%arg7 : memref<128xf32, #tpu.memory_space<vmem>>) dst(%dma_wait3A_201 : memref<10112xf32, #tpu.memory_space<vmem_shared>>)
      %dma_wait3A_202 = arith.constant 0 : i32
      %dma_wait3A_203 = tpu.memref_slice %arg5[%add3A_114, %dma_wait3A_202] : memref<80x128xi32, #tpu.memory_space<vmem>> -> memref<1x128xi32, #tpu.memory_space<vmem>>
      %dma_wait3A_204 = tpu.memref_squeeze %dma_wait3A_203 : memref<1x128xi32, #tpu.memory_space<vmem>> -> memref<128xi32, #tpu.memory_space<vmem>>
      %dma_wait3A_205 = arith.constant 0 : i32
      %dma_wait3A_206 = tpu.memref_slice %arg9[%dma_wait3A_205] : memref<10112xf32, #tpu.memory_space<vmem_shared>> -> memref<10112xf32, #tpu.memory_space<vmem_shared>>
      tpu.wait_indirect_dma semaphore(%arg11 : memref<!tpu.dma_semaphore, #tpu.memory_space<semaphore_mem>>) src(%arg7 : memref<128xf32, #tpu.memory_space<vmem>>) dst(%dma_wait3A_206 : memref<10112xf32, #tpu.memory_space<vmem_shared>>)
      %dma_wait3A_207 = arith.constant 0 : i32
      %dma_wait3A_208 = tpu.memref_slice %arg6[%add3A_114, %dma_wait3A_207] : memref<80x128xi32, #tpu.memory_space<vmem>> -> memref<1x128xi32, #tpu.memory_space<vmem>>
      %dma_wait3A_209 = tpu.memref_squeeze %dma_wait3A_208 : memref<1x128xi32, #tpu.memory_space<vmem>> -> memref<128xi32, #tpu.memory_space<vmem>>
      %dma_wait3A_210 = arith.constant 0 : i32
      %dma_wait3A_211 = tpu.memref_slice %arg10[%dma_wait3A_210] : memref<10112xf32, #tpu.memory_space<vmem_shared>> -> memref<10112xf32, #tpu.memory_space<vmem_shared>>
      tpu.wait_indirect_dma semaphore(%arg11 : memref<!tpu.dma_semaphore, #tpu.memory_space<semaphore_mem>>) src(%arg7 : memref<128xf32, #tpu.memory_space<vmem>>) dst(%dma_wait3A_211 : memref<10112xf32, #tpu.memory_space<vmem_shared>>)
      %dma_wait3A_212 = arith.constant 0 : i32
      %dma_wait3A_213 = tpu.memref_slice %arg5[%add3A_128, %dma_wait3A_212] : memref<80x128xi32, #tpu.memory_space<vmem>> -> memref<1x128xi32, #tpu.memory_space<vmem>>
      %dma_wait3A_214 = tpu.memref_squeeze %dma_wait3A_213 : memref<1x128xi32, #tpu.memory_space<vmem>> -> memref<128xi32, #tpu.memory_space<vmem>>
      %dma_wait3A_215 = arith.constant 0 : i32
      %dma_wait3A_216 = tpu.memref_slice %arg9[%dma_wait3A_215] : memref<10112xf32, #tpu.memory_space<vmem_shared>> -> memref<10112xf32, #tpu.memory_space<vmem_shared>>
      tpu.wait_indirect_dma semaphore(%arg11 : memref<!tpu.dma_semaphore, #tpu.memory_space<semaphore_mem>>) src(%arg7 : memref<128xf32, #tpu.memory_space<vmem>>) dst(%dma_wait3A_216 : memref<10112xf32, #tpu.memory_space<vmem_shared>>)
      %dma_wait3A_217 = arith.constant 0 : i32
      %dma_wait3A_218 = tpu.memref_slice %arg6[%add3A_128, %dma_wait3A_217] : memref<80x128xi32, #tpu.memory_space<vmem>> -> memref<1x128xi32, #tpu.memory_space<vmem>>
      %dma_wait3A_219 = tpu.memref_squeeze %dma_wait3A_218 : memref<1x128xi32, #tpu.memory_space<vmem>> -> memref<128xi32, #tpu.memory_space<vmem>>
      %dma_wait3A_220 = arith.constant 0 : i32
      %dma_wait3A_221 = tpu.memref_slice %arg10[%dma_wait3A_220] : memref<10112xf32, #tpu.memory_space<vmem_shared>> -> memref<10112xf32, #tpu.memory_space<vmem_shared>>
      tpu.wait_indirect_dma semaphore(%arg11 : memref<!tpu.dma_semaphore, #tpu.memory_space<semaphore_mem>>) src(%arg7 : memref<128xf32, #tpu.memory_space<vmem>>) dst(%dma_wait3A_221 : memref<10112xf32, #tpu.memory_space<vmem_shared>>)
      %dma_wait3A_222 = arith.constant 0 : i32
      %dma_wait3A_223 = tpu.memref_slice %arg5[%add3A_142, %dma_wait3A_222] : memref<80x128xi32, #tpu.memory_space<vmem>> -> memref<1x128xi32, #tpu.memory_space<vmem>>
      %dma_wait3A_224 = tpu.memref_squeeze %dma_wait3A_223 : memref<1x128xi32, #tpu.memory_space<vmem>> -> memref<128xi32, #tpu.memory_space<vmem>>
      %dma_wait3A_225 = arith.constant 0 : i32
      %dma_wait3A_226 = tpu.memref_slice %arg9[%dma_wait3A_225] : memref<10112xf32, #tpu.memory_space<vmem_shared>> -> memref<10112xf32, #tpu.memory_space<vmem_shared>>
      tpu.wait_indirect_dma semaphore(%arg11 : memref<!tpu.dma_semaphore, #tpu.memory_space<semaphore_mem>>) src(%arg7 : memref<128xf32, #tpu.memory_space<vmem>>) dst(%dma_wait3A_226 : memref<10112xf32, #tpu.memory_space<vmem_shared>>)
      %dma_wait3A_227 = arith.constant 0 : i32
      %dma_wait3A_228 = tpu.memref_slice %arg6[%add3A_142, %dma_wait3A_227] : memref<80x128xi32, #tpu.memory_space<vmem>> -> memref<1x128xi32, #tpu.memory_space<vmem>>
      %dma_wait3A_229 = tpu.memref_squeeze %dma_wait3A_228 : memref<1x128xi32, #tpu.memory_space<vmem>> -> memref<128xi32, #tpu.memory_space<vmem>>
      %dma_wait3A_230 = arith.constant 0 : i32
      %dma_wait3A_231 = tpu.memref_slice %arg10[%dma_wait3A_230] : memref<10112xf32, #tpu.memory_space<vmem_shared>> -> memref<10112xf32, #tpu.memory_space<vmem_shared>>
      tpu.wait_indirect_dma semaphore(%arg11 : memref<!tpu.dma_semaphore, #tpu.memory_space<semaphore_mem>>) src(%arg7 : memref<128xf32, #tpu.memory_space<vmem>>) dst(%dma_wait3A_231 : memref<10112xf32, #tpu.memory_space<vmem_shared>>)
      %scan3A_232 = arith.constant 0 : i32
      scf.yield %scan3A_232 : i32
    }
    %scan3A_29 = arith.constant 10 : i32
    %barrier3A_30 = arith.constant 0 : index
    tpu.barrier barrier_id(%barrier3A_30)
    %eq3A_31 = arith.constant 0 : i32
    %eq3A_32 = arith.cmpi eq, %arg1, %eq3A_31 : i32
    %convert_element_type3A_33 = arith.extui %eq3A_32 : i1 to i32
    %cond3A_34 = arith.constant 0 : i32
    %cond3A_35 = arith.cmpi ne, %convert_element_type3A_33, %cond3A_34 : i32
    scf.if %cond3A_35 {
      "tpu.region"() ({
        %run_scoped3A = tpu.sem_alloc : memref<!tpu.dma_semaphore, #tpu.memory_space<semaphore_mem>>
        tpu.enqueue_dma source(%arg9 : memref<10112xf32, #tpu.memory_space<vmem_shared>>) target(%arg8 : memref<10112xf32, #tpu.memory_space<vmem>>) target_semaphore(%run_scoped3A : memref<!tpu.dma_semaphore, #tpu.memory_space<semaphore_mem>>)
        tpu.wait_dma2 semaphore(%run_scoped3A : memref<!tpu.dma_semaphore, #tpu.memory_space<semaphore_mem>>) src(%arg9 : memref<10112xf32, #tpu.memory_space<vmem_shared>>) dst(%arg8 : memref<10112xf32, #tpu.memory_space<vmem>>)
        tpu.yield
      }) : () -> ()
      %mul3A_41 = arith.constant 2 : i32
      %mul3A_42 = arith.muli %arg0, %mul3A_41 : i32
      %mul3A_43 = arith.constant 10112 : i32
      %mul3A_44 = arith.muli %mul3A_42, %mul3A_43 : i32
      "tpu.region"() ({
        %run_scoped3A = tpu.sem_alloc : memref<!tpu.dma_semaphore, #tpu.memory_space<semaphore_mem>>
        %dma_start3A = tpu.memref_slice %arg4[%mul3A_44] : memref<40448xf32, #tpu.memory_space<hbm>> -> memref<10112xf32, #tpu.memory_space<hbm>>
        %dma_start3A_45 = tpu.memref_slice %arg4[%mul3A_44] : memref<40448xf32, #tpu.memory_space<hbm>> -> memref<10112xf32, #tpu.memory_space<hbm>>
        tpu.enqueue_dma source(%arg8 : memref<10112xf32, #tpu.memory_space<vmem>>) target(%dma_start3A_45 : memref<10112xf32, #tpu.memory_space<hbm>>) target_semaphore(%run_scoped3A : memref<!tpu.dma_semaphore, #tpu.memory_space<semaphore_mem>>)
        %dma_wait3A = tpu.memref_slice %arg4[%mul3A_44] : memref<40448xf32, #tpu.memory_space<hbm>> -> memref<10112xf32, #tpu.memory_space<hbm>>
        %dma_wait3A_46 = tpu.memref_slice %arg4[%mul3A_44] : memref<40448xf32, #tpu.memory_space<hbm>> -> memref<10112xf32, #tpu.memory_space<hbm>>
        tpu.wait_dma2 semaphore(%run_scoped3A : memref<!tpu.dma_semaphore, #tpu.memory_space<semaphore_mem>>) src(%arg8 : memref<10112xf32, #tpu.memory_space<vmem>>) dst(%dma_wait3A_46 : memref<10112xf32, #tpu.memory_space<hbm>>)
        tpu.yield
      }) : () -> ()
    } else {
    }
    %eq3A_36 = arith.constant 1 : i32
    %eq3A_37 = arith.cmpi eq, %arg1, %eq3A_36 : i32
    %convert_element_type3A_38 = arith.extui %eq3A_37 : i1 to i32
    %cond3A_39 = arith.constant 0 : i32
    %cond3A_40 = arith.cmpi ne, %convert_element_type3A_38, %cond3A_39 : i32
    scf.if %cond3A_40 {
      "tpu.region"() ({
        %run_scoped3A = tpu.sem_alloc : memref<!tpu.dma_semaphore, #tpu.memory_space<semaphore_mem>>
        tpu.enqueue_dma source(%arg10 : memref<10112xf32, #tpu.memory_space<vmem_shared>>) target(%arg8 : memref<10112xf32, #tpu.memory_space<vmem>>) target_semaphore(%run_scoped3A : memref<!tpu.dma_semaphore, #tpu.memory_space<semaphore_mem>>)
        tpu.wait_dma2 semaphore(%run_scoped3A : memref<!tpu.dma_semaphore, #tpu.memory_space<semaphore_mem>>) src(%arg10 : memref<10112xf32, #tpu.memory_space<vmem_shared>>) dst(%arg8 : memref<10112xf32, #tpu.memory_space<vmem>>)
        tpu.yield
      }) : () -> ()
      %mul3A_41 = arith.constant 2 : i32
      %mul3A_42 = arith.muli %arg0, %mul3A_41 : i32
      %mul3A_43 = arith.constant 10112 : i32
      %mul3A_44 = arith.muli %mul3A_42, %mul3A_43 : i32
      %add3A = arith.constant 10112 : i32
      %add3A_45 = arith.addi %mul3A_44, %add3A : i32
      "tpu.region"() ({
        %run_scoped3A = tpu.sem_alloc : memref<!tpu.dma_semaphore, #tpu.memory_space<semaphore_mem>>
        %dma_start3A = tpu.memref_slice %arg4[%add3A_45] : memref<40448xf32, #tpu.memory_space<hbm>> -> memref<10112xf32, #tpu.memory_space<hbm>>
        %dma_start3A_46 = tpu.memref_slice %arg4[%add3A_45] : memref<40448xf32, #tpu.memory_space<hbm>> -> memref<10112xf32, #tpu.memory_space<hbm>>
        tpu.enqueue_dma source(%arg8 : memref<10112xf32, #tpu.memory_space<vmem>>) target(%dma_start3A_46 : memref<10112xf32, #tpu.memory_space<hbm>>) target_semaphore(%run_scoped3A : memref<!tpu.dma_semaphore, #tpu.memory_space<semaphore_mem>>)
        %dma_wait3A = tpu.memref_slice %arg4[%add3A_45] : memref<40448xf32, #tpu.memory_space<hbm>> -> memref<10112xf32, #tpu.memory_space<hbm>>
        %dma_wait3A_47 = tpu.memref_slice %arg4[%add3A_45] : memref<40448xf32, #tpu.memory_space<hbm>> -> memref<10112xf32, #tpu.memory_space<hbm>>
        tpu.wait_dma2 semaphore(%run_scoped3A : memref<!tpu.dma_semaphore, #tpu.memory_space<semaphore_mem>>) src(%arg8 : memref<10112xf32, #tpu.memory_space<vmem>>) dst(%dma_wait3A_47 : memref<10112xf32, #tpu.memory_space<hbm>>)
        tpu.yield
      }) : () -> ()
    } else {
    }
    return
  }
}

#map = affine_map<(d0, d1) -> (0, 0, 0)>
module attributes {stable_mosaic.version = 14 : i64} {
  func.func @_agg_kernel(%arg0: i32, %arg1: i32, %arg2: memref<2x10112x64xf32, #tpu.memory_space<hbm>>, %arg3: memref<16x160x128xi32, #tpu.memory_space<hbm>>, %arg4: memref<16x160x128xi32, #tpu.memory_space<hbm>>, %arg5: memref<2x10112x64xf32, #tpu.memory_space<hbm>>, %arg6: memref<8x128xi32, #tpu.memory_space<vmem>>, %arg7: memref<8x128xi32, #tpu.memory_space<vmem>>, %arg8: memref<8x128xi32, #tpu.memory_space<vmem>>, %arg9: memref<8x128xi32, #tpu.memory_space<vmem>>, %arg10: memref<128x64xf32, #tpu.memory_space<vmem>>, %arg11: memref<128x64xf32, #tpu.memory_space<vmem>>, %arg12: memref<10112x64xf32, #tpu.memory_space<vmem_shared>>, %arg13: memref<10112x64xf32, #tpu.memory_space<vmem_shared>>, %arg14: memref<!tpu.dma_semaphore, #tpu.memory_space<semaphore_mem>>, %arg15: memref<!tpu.dma_semaphore, #tpu.memory_space<semaphore_mem>>, %arg16: memref<!tpu.dma_semaphore, #tpu.memory_space<semaphore_mem>>, %arg17: memref<!tpu.dma_semaphore, #tpu.memory_space<semaphore_mem>>, %arg18: memref<!tpu.dma_semaphore, #tpu.memory_space<semaphore_mem>>) attributes {dimension_semantics = [#tpu.dimension_semantics<core_parallel>, #tpu.dimension_semantics<subcore_parallel>], iteration_bounds = array<i64: 2, 16>, scalar_prefetch = 0 : i64, scratch_operands = 13 : i64, tpu.core_type = #tpu.core_type<sc_vector_subcore>, window_params = [{transform_indices = #map}, {transform_indices = #map}, {transform_indices = #map}, {transform_indices = #map}]} {
    %mul3A = arith.constant 632 : i32
    %mul3A_0 = arith.muli %arg1, %mul3A : i32
    %dma_start3A = arith.constant 0 : i32
    %dma_start3A_1 = tpu.memref_slice %arg2[%arg0, %mul3A_0, %dma_start3A] : memref<2x10112x64xf32, #tpu.memory_space<hbm>> -> memref<1x128x64xf32, #tpu.memory_space<hbm>>
    %dma_start3A_2 = tpu.memref_squeeze %dma_start3A_1 : memref<1x128x64xf32, #tpu.memory_space<hbm>> -> memref<128x64xf32, #tpu.memory_space<hbm>>
    %dma_start3A_3 = arith.constant 0 : i32
    %dma_start3A_4 = tpu.memref_slice %arg2[%arg0, %mul3A_0, %dma_start3A_3] : memref<2x10112x64xf32, #tpu.memory_space<hbm>> -> memref<1x128x64xf32, #tpu.memory_space<hbm>>
    %dma_start3A_5 = tpu.memref_squeeze %dma_start3A_4 : memref<1x128x64xf32, #tpu.memory_space<hbm>> -> memref<128x64xf32, #tpu.memory_space<hbm>>
    tpu.enqueue_dma source(%dma_start3A_5 : memref<128x64xf32, #tpu.memory_space<hbm>>) target(%arg10 : memref<128x64xf32, #tpu.memory_space<vmem>>) target_semaphore(%arg14 : memref<!tpu.dma_semaphore, #tpu.memory_space<semaphore_mem>>)
    %add3A = arith.constant 0 : i32
    %add3A_6 = arith.addi %mul3A_0, %add3A : i32
    %add3A_7 = arith.constant 128 : i32
    %add3A_8 = arith.addi %add3A_6, %add3A_7 : i32
    %dma_start3A_9 = arith.constant 0 : i32
    %dma_start3A_10 = tpu.memref_slice %arg2[%arg0, %add3A_8, %dma_start3A_9] : memref<2x10112x64xf32, #tpu.memory_space<hbm>> -> memref<1x128x64xf32, #tpu.memory_space<hbm>>
    %dma_start3A_11 = tpu.memref_squeeze %dma_start3A_10 : memref<1x128x64xf32, #tpu.memory_space<hbm>> -> memref<128x64xf32, #tpu.memory_space<hbm>>
    %dma_start3A_12 = arith.constant 0 : i32
    %dma_start3A_13 = tpu.memref_slice %arg2[%arg0, %add3A_8, %dma_start3A_12] : memref<2x10112x64xf32, #tpu.memory_space<hbm>> -> memref<1x128x64xf32, #tpu.memory_space<hbm>>
    %dma_start3A_14 = tpu.memref_squeeze %dma_start3A_13 : memref<1x128x64xf32, #tpu.memory_space<hbm>> -> memref<128x64xf32, #tpu.memory_space<hbm>>
    tpu.enqueue_dma source(%dma_start3A_14 : memref<128x64xf32, #tpu.memory_space<hbm>>) target(%arg11 : memref<128x64xf32, #tpu.memory_space<vmem>>) target_semaphore(%arg15 : memref<!tpu.dma_semaphore, #tpu.memory_space<semaphore_mem>>)
    %dma_wait3A = arith.constant 0 : i32
    %dma_wait3A_15 = tpu.memref_slice %arg2[%arg0, %mul3A_0, %dma_wait3A] : memref<2x10112x64xf32, #tpu.memory_space<hbm>> -> memref<1x128x64xf32, #tpu.memory_space<hbm>>
    %dma_wait3A_16 = tpu.memref_squeeze %dma_wait3A_15 : memref<1x128x64xf32, #tpu.memory_space<hbm>> -> memref<128x64xf32, #tpu.memory_space<hbm>>
    %dma_wait3A_17 = arith.constant 0 : i32
    %dma_wait3A_18 = tpu.memref_slice %arg2[%arg0, %mul3A_0, %dma_wait3A_17] : memref<2x10112x64xf32, #tpu.memory_space<hbm>> -> memref<1x128x64xf32, #tpu.memory_space<hbm>>
    %dma_wait3A_19 = tpu.memref_squeeze %dma_wait3A_18 : memref<1x128x64xf32, #tpu.memory_space<hbm>> -> memref<128x64xf32, #tpu.memory_space<hbm>>
    tpu.wait_dma2 semaphore(%arg14 : memref<!tpu.dma_semaphore, #tpu.memory_space<semaphore_mem>>) src(%dma_wait3A_19 : memref<128x64xf32, #tpu.memory_space<hbm>>) dst(%arg10 : memref<128x64xf32, #tpu.memory_space<vmem>>)
    %add3A_20 = arith.constant 0 : i32
    %add3A_21 = arith.addi %mul3A_0, %add3A_20 : i32
    %dma_start3A_22 = arith.constant 0 : i32
    %dma_start3A_23 = tpu.memref_slice %arg12[%add3A_21, %dma_start3A_22] : memref<10112x64xf32, #tpu.memory_space<vmem_shared>> -> memref<128x64xf32, #tpu.memory_space<vmem_shared>>
    %dma_start3A_24 = arith.constant 0 : i32
    %dma_start3A_25 = tpu.memref_slice %arg12[%add3A_21, %dma_start3A_24] : memref<10112x64xf32, #tpu.memory_space<vmem_shared>> -> memref<128x64xf32, #tpu.memory_space<vmem_shared>>
    tpu.enqueue_dma source(%arg10 : memref<128x64xf32, #tpu.memory_space<vmem>>) target(%dma_start3A_25 : memref<128x64xf32, #tpu.memory_space<vmem_shared>>) target_semaphore(%arg16 : memref<!tpu.dma_semaphore, #tpu.memory_space<semaphore_mem>>)
    %dma_wait3A_26 = arith.constant 0 : i32
    %dma_wait3A_27 = tpu.memref_slice %arg12[%add3A_21, %dma_wait3A_26] : memref<10112x64xf32, #tpu.memory_space<vmem_shared>> -> memref<128x64xf32, #tpu.memory_space<vmem_shared>>
    %dma_wait3A_28 = arith.constant 0 : i32
    %dma_wait3A_29 = tpu.memref_slice %arg12[%add3A_21, %dma_wait3A_28] : memref<10112x64xf32, #tpu.memory_space<vmem_shared>> -> memref<128x64xf32, #tpu.memory_space<vmem_shared>>
    tpu.wait_dma2 semaphore(%arg16 : memref<!tpu.dma_semaphore, #tpu.memory_space<semaphore_mem>>) src(%arg10 : memref<128x64xf32, #tpu.memory_space<vmem>>) dst(%dma_wait3A_29 : memref<128x64xf32, #tpu.memory_space<vmem_shared>>)
    %add3A_30 = arith.constant 128 : i32
    %add3A_31 = arith.addi %mul3A_0, %add3A_30 : i32
    %add3A_32 = arith.constant 128 : i32
    %add3A_33 = arith.addi %add3A_31, %add3A_32 : i32
    %dma_start3A_34 = arith.constant 0 : i32
    %dma_start3A_35 = tpu.memref_slice %arg2[%arg0, %add3A_33, %dma_start3A_34] : memref<2x10112x64xf32, #tpu.memory_space<hbm>> -> memref<1x128x64xf32, #tpu.memory_space<hbm>>
    %dma_start3A_36 = tpu.memref_squeeze %dma_start3A_35 : memref<1x128x64xf32, #tpu.memory_space<hbm>> -> memref<128x64xf32, #tpu.memory_space<hbm>>
    %dma_start3A_37 = arith.constant 0 : i32
    %dma_start3A_38 = tpu.memref_slice %arg2[%arg0, %add3A_33, %dma_start3A_37] : memref<2x10112x64xf32, #tpu.memory_space<hbm>> -> memref<1x128x64xf32, #tpu.memory_space<hbm>>
    %dma_start3A_39 = tpu.memref_squeeze %dma_start3A_38 : memref<1x128x64xf32, #tpu.memory_space<hbm>> -> memref<128x64xf32, #tpu.memory_space<hbm>>
    tpu.enqueue_dma source(%dma_start3A_39 : memref<128x64xf32, #tpu.memory_space<hbm>>) target(%arg10 : memref<128x64xf32, #tpu.memory_space<vmem>>) target_semaphore(%arg14 : memref<!tpu.dma_semaphore, #tpu.memory_space<semaphore_mem>>)
    %dma_wait3A_40 = arith.constant 0 : i32
    %dma_wait3A_41 = tpu.memref_slice %arg2[%arg0, %add3A_8, %dma_wait3A_40] : memref<2x10112x64xf32, #tpu.memory_space<hbm>> -> memref<1x128x64xf32, #tpu.memory_space<hbm>>
    %dma_wait3A_42 = tpu.memref_squeeze %dma_wait3A_41 : memref<1x128x64xf32, #tpu.memory_space<hbm>> -> memref<128x64xf32, #tpu.memory_space<hbm>>
    %dma_wait3A_43 = arith.constant 0 : i32
    %dma_wait3A_44 = tpu.memref_slice %arg2[%arg0, %add3A_8, %dma_wait3A_43] : memref<2x10112x64xf32, #tpu.memory_space<hbm>> -> memref<1x128x64xf32, #tpu.memory_space<hbm>>
    %dma_wait3A_45 = tpu.memref_squeeze %dma_wait3A_44 : memref<1x128x64xf32, #tpu.memory_space<hbm>> -> memref<128x64xf32, #tpu.memory_space<hbm>>
    tpu.wait_dma2 semaphore(%arg15 : memref<!tpu.dma_semaphore, #tpu.memory_space<semaphore_mem>>) src(%dma_wait3A_45 : memref<128x64xf32, #tpu.memory_space<hbm>>) dst(%arg11 : memref<128x64xf32, #tpu.memory_space<vmem>>)
    %add3A_46 = arith.constant 128 : i32
    %add3A_47 = arith.addi %mul3A_0, %add3A_46 : i32
    %dma_start3A_48 = arith.constant 0 : i32
    %dma_start3A_49 = tpu.memref_slice %arg12[%add3A_47, %dma_start3A_48] : memref<10112x64xf32, #tpu.memory_space<vmem_shared>> -> memref<128x64xf32, #tpu.memory_space<vmem_shared>>
    %dma_start3A_50 = arith.constant 0 : i32
    %dma_start3A_51 = tpu.memref_slice %arg12[%add3A_47, %dma_start3A_50] : memref<10112x64xf32, #tpu.memory_space<vmem_shared>> -> memref<128x64xf32, #tpu.memory_space<vmem_shared>>
    tpu.enqueue_dma source(%arg11 : memref<128x64xf32, #tpu.memory_space<vmem>>) target(%dma_start3A_51 : memref<128x64xf32, #tpu.memory_space<vmem_shared>>) target_semaphore(%arg17 : memref<!tpu.dma_semaphore, #tpu.memory_space<semaphore_mem>>)
    %dma_wait3A_52 = arith.constant 0 : i32
    %dma_wait3A_53 = tpu.memref_slice %arg12[%add3A_47, %dma_wait3A_52] : memref<10112x64xf32, #tpu.memory_space<vmem_shared>> -> memref<128x64xf32, #tpu.memory_space<vmem_shared>>
    %dma_wait3A_54 = arith.constant 0 : i32
    %dma_wait3A_55 = tpu.memref_slice %arg12[%add3A_47, %dma_wait3A_54] : memref<10112x64xf32, #tpu.memory_space<vmem_shared>> -> memref<128x64xf32, #tpu.memory_space<vmem_shared>>
    tpu.wait_dma2 semaphore(%arg17 : memref<!tpu.dma_semaphore, #tpu.memory_space<semaphore_mem>>) src(%arg11 : memref<128x64xf32, #tpu.memory_space<vmem>>) dst(%dma_wait3A_55 : memref<128x64xf32, #tpu.memory_space<vmem_shared>>)
    %add3A_56 = arith.constant 256 : i32
    %add3A_57 = arith.addi %mul3A_0, %add3A_56 : i32
    %add3A_58 = arith.constant 128 : i32
    %add3A_59 = arith.addi %add3A_57, %add3A_58 : i32
    %dma_start3A_60 = arith.constant 0 : i32
    %dma_start3A_61 = tpu.memref_slice %arg2[%arg0, %add3A_59, %dma_start3A_60] : memref<2x10112x64xf32, #tpu.memory_space<hbm>> -> memref<1x128x64xf32, #tpu.memory_space<hbm>>
    %dma_start3A_62 = tpu.memref_squeeze %dma_start3A_61 : memref<1x128x64xf32, #tpu.memory_space<hbm>> -> memref<128x64xf32, #tpu.memory_space<hbm>>
    %dma_start3A_63 = arith.constant 0 : i32
    %dma_start3A_64 = tpu.memref_slice %arg2[%arg0, %add3A_59, %dma_start3A_63] : memref<2x10112x64xf32, #tpu.memory_space<hbm>> -> memref<1x128x64xf32, #tpu.memory_space<hbm>>
    %dma_start3A_65 = tpu.memref_squeeze %dma_start3A_64 : memref<1x128x64xf32, #tpu.memory_space<hbm>> -> memref<128x64xf32, #tpu.memory_space<hbm>>
    tpu.enqueue_dma source(%dma_start3A_65 : memref<128x64xf32, #tpu.memory_space<hbm>>) target(%arg11 : memref<128x64xf32, #tpu.memory_space<vmem>>) target_semaphore(%arg15 : memref<!tpu.dma_semaphore, #tpu.memory_space<semaphore_mem>>)
    %dma_wait3A_66 = arith.constant 0 : i32
    %dma_wait3A_67 = tpu.memref_slice %arg2[%arg0, %add3A_33, %dma_wait3A_66] : memref<2x10112x64xf32, #tpu.memory_space<hbm>> -> memref<1x128x64xf32, #tpu.memory_space<hbm>>
    %dma_wait3A_68 = tpu.memref_squeeze %dma_wait3A_67 : memref<1x128x64xf32, #tpu.memory_space<hbm>> -> memref<128x64xf32, #tpu.memory_space<hbm>>
    %dma_wait3A_69 = arith.constant 0 : i32
    %dma_wait3A_70 = tpu.memref_slice %arg2[%arg0, %add3A_33, %dma_wait3A_69] : memref<2x10112x64xf32, #tpu.memory_space<hbm>> -> memref<1x128x64xf32, #tpu.memory_space<hbm>>
    %dma_wait3A_71 = tpu.memref_squeeze %dma_wait3A_70 : memref<1x128x64xf32, #tpu.memory_space<hbm>> -> memref<128x64xf32, #tpu.memory_space<hbm>>
    tpu.wait_dma2 semaphore(%arg14 : memref<!tpu.dma_semaphore, #tpu.memory_space<semaphore_mem>>) src(%dma_wait3A_71 : memref<128x64xf32, #tpu.memory_space<hbm>>) dst(%arg10 : memref<128x64xf32, #tpu.memory_space<vmem>>)
    %add3A_72 = arith.constant 256 : i32
    %add3A_73 = arith.addi %mul3A_0, %add3A_72 : i32
    %dma_start3A_74 = arith.constant 0 : i32
    %dma_start3A_75 = tpu.memref_slice %arg12[%add3A_73, %dma_start3A_74] : memref<10112x64xf32, #tpu.memory_space<vmem_shared>> -> memref<128x64xf32, #tpu.memory_space<vmem_shared>>
    %dma_start3A_76 = arith.constant 0 : i32
    %dma_start3A_77 = tpu.memref_slice %arg12[%add3A_73, %dma_start3A_76] : memref<10112x64xf32, #tpu.memory_space<vmem_shared>> -> memref<128x64xf32, #tpu.memory_space<vmem_shared>>
    tpu.enqueue_dma source(%arg10 : memref<128x64xf32, #tpu.memory_space<vmem>>) target(%dma_start3A_77 : memref<128x64xf32, #tpu.memory_space<vmem_shared>>) target_semaphore(%arg16 : memref<!tpu.dma_semaphore, #tpu.memory_space<semaphore_mem>>)
    %dma_wait3A_78 = arith.constant 0 : i32
    %dma_wait3A_79 = tpu.memref_slice %arg12[%add3A_73, %dma_wait3A_78] : memref<10112x64xf32, #tpu.memory_space<vmem_shared>> -> memref<128x64xf32, #tpu.memory_space<vmem_shared>>
    %dma_wait3A_80 = arith.constant 0 : i32
    %dma_wait3A_81 = tpu.memref_slice %arg12[%add3A_73, %dma_wait3A_80] : memref<10112x64xf32, #tpu.memory_space<vmem_shared>> -> memref<128x64xf32, #tpu.memory_space<vmem_shared>>
    tpu.wait_dma2 semaphore(%arg16 : memref<!tpu.dma_semaphore, #tpu.memory_space<semaphore_mem>>) src(%arg10 : memref<128x64xf32, #tpu.memory_space<vmem>>) dst(%dma_wait3A_81 : memref<128x64xf32, #tpu.memory_space<vmem_shared>>)
    %add3A_82 = arith.constant 384 : i32
    %add3A_83 = arith.addi %mul3A_0, %add3A_82 : i32
    %add3A_84 = arith.constant 128 : i32
    %add3A_85 = arith.addi %add3A_83, %add3A_84 : i32
    %dma_start3A_86 = arith.constant 0 : i32
    %dma_start3A_87 = arith.constant 0 : i32
    %dma_start3A_88 = tpu.memref_slice %arg10[%dma_start3A_86, %dma_start3A_87] : memref<128x64xf32, #tpu.memory_space<vmem>> -> memref<120x64xf32, #tpu.memory_space<vmem>>
    %dma_start3A_89 = arith.constant 0 : i32
    %dma_start3A_90 = tpu.memref_slice %arg2[%arg0, %add3A_85, %dma_start3A_89] : memref<2x10112x64xf32, #tpu.memory_space<hbm>> -> memref<1x120x64xf32, #tpu.memory_space<hbm>>
    %dma_start3A_91 = tpu.memref_squeeze %dma_start3A_90 : memref<1x120x64xf32, #tpu.memory_space<hbm>> -> memref<120x64xf32, #tpu.memory_space<hbm>>
    %dma_start3A_92 = arith.constant 0 : i32
    %dma_start3A_93 = arith.constant 0 : i32
    %dma_start3A_94 = tpu.memref_slice %arg10[%dma_start3A_92, %dma_start3A_93] : memref<128x64xf32, #tpu.memory_space<vmem>> -> memref<120x64xf32, #tpu.memory_space<vmem>>
    %dma_start3A_95 = arith.constant 0 : i32
    %dma_start3A_96 = tpu.memref_slice %arg2[%arg0, %add3A_85, %dma_start3A_95] : memref<2x10112x64xf32, #tpu.memory_space<hbm>> -> memref<1x120x64xf32, #tpu.memory_space<hbm>>
    %dma_start3A_97 = tpu.memref_squeeze %dma_start3A_96 : memref<1x120x64xf32, #tpu.memory_space<hbm>> -> memref<120x64xf32, #tpu.memory_space<hbm>>
    tpu.enqueue_dma source(%dma_start3A_97 : memref<120x64xf32, #tpu.memory_space<hbm>>) target(%dma_start3A_94 : memref<120x64xf32, #tpu.memory_space<vmem>>) target_semaphore(%arg14 : memref<!tpu.dma_semaphore, #tpu.memory_space<semaphore_mem>>)
    %dma_wait3A_98 = arith.constant 0 : i32
    %dma_wait3A_99 = tpu.memref_slice %arg2[%arg0, %add3A_59, %dma_wait3A_98] : memref<2x10112x64xf32, #tpu.memory_space<hbm>> -> memref<1x128x64xf32, #tpu.memory_space<hbm>>
    %dma_wait3A_100 = tpu.memref_squeeze %dma_wait3A_99 : memref<1x128x64xf32, #tpu.memory_space<hbm>> -> memref<128x64xf32, #tpu.memory_space<hbm>>
    %dma_wait3A_101 = arith.constant 0 : i32
    %dma_wait3A_102 = tpu.memref_slice %arg2[%arg0, %add3A_59, %dma_wait3A_101] : memref<2x10112x64xf32, #tpu.memory_space<hbm>> -> memref<1x128x64xf32, #tpu.memory_space<hbm>>
    %dma_wait3A_103 = tpu.memref_squeeze %dma_wait3A_102 : memref<1x128x64xf32, #tpu.memory_space<hbm>> -> memref<128x64xf32, #tpu.memory_space<hbm>>
    tpu.wait_dma2 semaphore(%arg15 : memref<!tpu.dma_semaphore, #tpu.memory_space<semaphore_mem>>) src(%dma_wait3A_103 : memref<128x64xf32, #tpu.memory_space<hbm>>) dst(%arg11 : memref<128x64xf32, #tpu.memory_space<vmem>>)
    %add3A_104 = arith.constant 384 : i32
    %add3A_105 = arith.addi %mul3A_0, %add3A_104 : i32
    %dma_start3A_106 = arith.constant 0 : i32
    %dma_start3A_107 = tpu.memref_slice %arg12[%add3A_105, %dma_start3A_106] : memref<10112x64xf32, #tpu.memory_space<vmem_shared>> -> memref<128x64xf32, #tpu.memory_space<vmem_shared>>
    %dma_start3A_108 = arith.constant 0 : i32
    %dma_start3A_109 = tpu.memref_slice %arg12[%add3A_105, %dma_start3A_108] : memref<10112x64xf32, #tpu.memory_space<vmem_shared>> -> memref<128x64xf32, #tpu.memory_space<vmem_shared>>
    tpu.enqueue_dma source(%arg11 : memref<128x64xf32, #tpu.memory_space<vmem>>) target(%dma_start3A_109 : memref<128x64xf32, #tpu.memory_space<vmem_shared>>) target_semaphore(%arg17 : memref<!tpu.dma_semaphore, #tpu.memory_space<semaphore_mem>>)
    %dma_wait3A_110 = arith.constant 0 : i32
    %dma_wait3A_111 = arith.constant 0 : i32
    %dma_wait3A_112 = tpu.memref_slice %arg10[%dma_wait3A_110, %dma_wait3A_111] : memref<128x64xf32, #tpu.memory_space<vmem>> -> memref<120x64xf32, #tpu.memory_space<vmem>>
    %dma_wait3A_113 = arith.constant 0 : i32
    %dma_wait3A_114 = tpu.memref_slice %arg2[%arg0, %add3A_85, %dma_wait3A_113] : memref<2x10112x64xf32, #tpu.memory_space<hbm>> -> memref<1x120x64xf32, #tpu.memory_space<hbm>>
    %dma_wait3A_115 = tpu.memref_squeeze %dma_wait3A_114 : memref<1x120x64xf32, #tpu.memory_space<hbm>> -> memref<120x64xf32, #tpu.memory_space<hbm>>
    %dma_wait3A_116 = arith.constant 0 : i32
    %dma_wait3A_117 = arith.constant 0 : i32
    %dma_wait3A_118 = tpu.memref_slice %arg10[%dma_wait3A_116, %dma_wait3A_117] : memref<128x64xf32, #tpu.memory_space<vmem>> -> memref<120x64xf32, #tpu.memory_space<vmem>>
    %dma_wait3A_119 = arith.constant 0 : i32
    %dma_wait3A_120 = tpu.memref_slice %arg2[%arg0, %add3A_85, %dma_wait3A_119] : memref<2x10112x64xf32, #tpu.memory_space<hbm>> -> memref<1x120x64xf32, #tpu.memory_space<hbm>>
    %dma_wait3A_121 = tpu.memref_squeeze %dma_wait3A_120 : memref<1x120x64xf32, #tpu.memory_space<hbm>> -> memref<120x64xf32, #tpu.memory_space<hbm>>
    tpu.wait_dma2 semaphore(%arg14 : memref<!tpu.dma_semaphore, #tpu.memory_space<semaphore_mem>>) src(%dma_wait3A_121 : memref<120x64xf32, #tpu.memory_space<hbm>>) dst(%dma_wait3A_118 : memref<120x64xf32, #tpu.memory_space<vmem>>)
    %add3A_122 = arith.constant 512 : i32
    %add3A_123 = arith.addi %mul3A_0, %add3A_122 : i32
    %dma_start3A_124 = arith.constant 0 : i32
    %dma_start3A_125 = arith.constant 0 : i32
    %dma_start3A_126 = tpu.memref_slice %arg10[%dma_start3A_124, %dma_start3A_125] : memref<128x64xf32, #tpu.memory_space<vmem>> -> memref<120x64xf32, #tpu.memory_space<vmem>>
    %dma_start3A_127 = arith.constant 0 : i32
    %dma_start3A_128 = tpu.memref_slice %arg12[%add3A_123, %dma_start3A_127] : memref<10112x64xf32, #tpu.memory_space<vmem_shared>> -> memref<120x64xf32, #tpu.memory_space<vmem_shared>>
    %dma_start3A_129 = arith.constant 0 : i32
    %dma_start3A_130 = tpu.memref_slice %arg12[%add3A_123, %dma_start3A_129] : memref<10112x64xf32, #tpu.memory_space<vmem_shared>> -> memref<120x64xf32, #tpu.memory_space<vmem_shared>>
    %dma_start3A_131 = arith.constant 0 : i32
    %dma_start3A_132 = arith.constant 0 : i32
    %dma_start3A_133 = tpu.memref_slice %arg10[%dma_start3A_131, %dma_start3A_132] : memref<128x64xf32, #tpu.memory_space<vmem>> -> memref<120x64xf32, #tpu.memory_space<vmem>>
    tpu.enqueue_dma source(%dma_start3A_133 : memref<120x64xf32, #tpu.memory_space<vmem>>) target(%dma_start3A_130 : memref<120x64xf32, #tpu.memory_space<vmem_shared>>) target_semaphore(%arg16 : memref<!tpu.dma_semaphore, #tpu.memory_space<semaphore_mem>>)
    %dma_wait3A_134 = arith.constant 0 : i32
    %dma_wait3A_135 = arith.constant 0 : i32
    %dma_wait3A_136 = tpu.memref_slice %arg10[%dma_wait3A_134, %dma_wait3A_135] : memref<128x64xf32, #tpu.memory_space<vmem>> -> memref<120x64xf32, #tpu.memory_space<vmem>>
    %dma_wait3A_137 = arith.constant 0 : i32
    %dma_wait3A_138 = tpu.memref_slice %arg12[%add3A_123, %dma_wait3A_137] : memref<10112x64xf32, #tpu.memory_space<vmem_shared>> -> memref<120x64xf32, #tpu.memory_space<vmem_shared>>
    %dma_wait3A_139 = arith.constant 0 : i32
    %dma_wait3A_140 = tpu.memref_slice %arg12[%add3A_123, %dma_wait3A_139] : memref<10112x64xf32, #tpu.memory_space<vmem_shared>> -> memref<120x64xf32, #tpu.memory_space<vmem_shared>>
    %dma_wait3A_141 = arith.constant 0 : i32
    %dma_wait3A_142 = arith.constant 0 : i32
    %dma_wait3A_143 = tpu.memref_slice %arg10[%dma_wait3A_141, %dma_wait3A_142] : memref<128x64xf32, #tpu.memory_space<vmem>> -> memref<120x64xf32, #tpu.memory_space<vmem>>
    tpu.wait_dma2 semaphore(%arg16 : memref<!tpu.dma_semaphore, #tpu.memory_space<semaphore_mem>>) src(%dma_wait3A_143 : memref<120x64xf32, #tpu.memory_space<vmem>>) dst(%dma_wait3A_140 : memref<120x64xf32, #tpu.memory_space<vmem_shared>>)
    %dma_wait3A_144 = arith.constant 0 : i32
    %dma_wait3A_145 = tpu.memref_slice %arg12[%add3A_105, %dma_wait3A_144] : memref<10112x64xf32, #tpu.memory_space<vmem_shared>> -> memref<128x64xf32, #tpu.memory_space<vmem_shared>>
    %dma_wait3A_146 = arith.constant 0 : i32
    %dma_wait3A_147 = tpu.memref_slice %arg12[%add3A_105, %dma_wait3A_146] : memref<10112x64xf32, #tpu.memory_space<vmem_shared>> -> memref<128x64xf32, #tpu.memory_space<vmem_shared>>
    tpu.wait_dma2 semaphore(%arg17 : memref<!tpu.dma_semaphore, #tpu.memory_space<semaphore_mem>>) src(%arg11 : memref<128x64xf32, #tpu.memory_space<vmem>>) dst(%dma_wait3A_147 : memref<128x64xf32, #tpu.memory_space<vmem_shared>>)
    %scan3A = arith.constant 0 : i32
    %scan3A_148 = arith.constant 0 : i32
    %scan3A_149 = arith.constant 128 : i32
    %scan3A_150 = arith.addi %scan3A_148, %scan3A_149 : i32
    %scan3A_151 = arith.constant 1 : i32
    %scan3A_152 = scf.for %scan3A_374 = %scan3A_148 to %scan3A_150 step %scan3A_151 iter_args(%scan3A_375 = %scan3A) -> (i32)  : i32 {
      %broadcast_in_dim3A = arith.constant 0.000000e+00 : f32
      %broadcast_in_dim3A_376 = vector.broadcast %broadcast_in_dim3A : f32 to vector<16xf32>
      %swap3A = arith.index_cast %scan3A_374 : i32 to index
      %swap3A_377 = arith.constant 0 : index
      %swap3A_378 = tpu.vector_load %arg10[%swap3A, %swap3A_377] {strides = array<i32>} : memref<128x64xf32, #tpu.memory_space<vmem>>, vector<1x16xf32>,
      %swap3A_379 = vector.shape_cast %swap3A_378 : vector<1x16xf32> to vector<16xf32>
      %swap3A_380 = vector.shape_cast %broadcast_in_dim3A_376 : vector<16xf32> to vector<1x16xf32>
      tpu.vector_store %arg10[%swap3A, %swap3A_377], %swap3A_380 {strides = array<i32>} : memref<128x64xf32, #tpu.memory_space<vmem>>, vector<1x16xf32>,
      %broadcast_in_dim3A_381 = arith.constant 0.000000e+00 : f32
      %broadcast_in_dim3A_382 = vector.broadcast %broadcast_in_dim3A_381 : f32 to vector<16xf32>
      %swap3A_383 = arith.index_cast %scan3A_374 : i32 to index
      %swap3A_384 = arith.constant 16 : index
      %swap3A_385 = tpu.vector_load %arg10[%swap3A_383, %swap3A_384] {strides = array<i32>} : memref<128x64xf32, #tpu.memory_space<vmem>>, vector<1x16xf32>,
      %swap3A_386 = vector.shape_cast %swap3A_385 : vector<1x16xf32> to vector<16xf32>
      %swap3A_387 = vector.shape_cast %broadcast_in_dim3A_382 : vector<16xf32> to vector<1x16xf32>
      tpu.vector_store %arg10[%swap3A_383, %swap3A_384], %swap3A_387 {strides = array<i32>} : memref<128x64xf32, #tpu.memory_space<vmem>>, vector<1x16xf32>,
      %broadcast_in_dim3A_388 = arith.constant 0.000000e+00 : f32
      %broadcast_in_dim3A_389 = vector.broadcast %broadcast_in_dim3A_388 : f32 to vector<16xf32>
      %swap3A_390 = arith.index_cast %scan3A_374 : i32 to index
      %swap3A_391 = arith.constant 32 : index
      %swap3A_392 = tpu.vector_load %arg10[%swap3A_390, %swap3A_391] {strides = array<i32>} : memref<128x64xf32, #tpu.memory_space<vmem>>, vector<1x16xf32>,
      %swap3A_393 = vector.shape_cast %swap3A_392 : vector<1x16xf32> to vector<16xf32>
      %swap3A_394 = vector.shape_cast %broadcast_in_dim3A_389 : vector<16xf32> to vector<1x16xf32>
      tpu.vector_store %arg10[%swap3A_390, %swap3A_391], %swap3A_394 {strides = array<i32>} : memref<128x64xf32, #tpu.memory_space<vmem>>, vector<1x16xf32>,
      %broadcast_in_dim3A_395 = arith.constant 0.000000e+00 : f32
      %broadcast_in_dim3A_396 = vector.broadcast %broadcast_in_dim3A_395 : f32 to vector<16xf32>
      %swap3A_397 = arith.index_cast %scan3A_374 : i32 to index
      %swap3A_398 = arith.constant 48 : index
      %swap3A_399 = tpu.vector_load %arg10[%swap3A_397, %swap3A_398] {strides = array<i32>} : memref<128x64xf32, #tpu.memory_space<vmem>>, vector<1x16xf32>,
      %swap3A_400 = vector.shape_cast %swap3A_399 : vector<1x16xf32> to vector<16xf32>
      %swap3A_401 = vector.shape_cast %broadcast_in_dim3A_396 : vector<16xf32> to vector<1x16xf32>
      tpu.vector_store %arg10[%swap3A_397, %swap3A_398], %swap3A_401 {strides = array<i32>} : memref<128x64xf32, #tpu.memory_space<vmem>>, vector<1x16xf32>,
      %scan3A_402 = arith.constant 0 : i32
      scf.yield %scan3A_402 : i32
    }
    %scan3A_153 = arith.constant 128 : i32
    %add3A_154 = arith.constant 0 : i32
    %add3A_155 = arith.addi %mul3A_0, %add3A_154 : i32
    %dma_start3A_156 = arith.constant 0 : i32
    %dma_start3A_157 = tpu.memref_slice %arg13[%add3A_155, %dma_start3A_156] : memref<10112x64xf32, #tpu.memory_space<vmem_shared>> -> memref<128x64xf32, #tpu.memory_space<vmem_shared>>
    %dma_start3A_158 = arith.constant 0 : i32
    %dma_start3A_159 = tpu.memref_slice %arg13[%add3A_155, %dma_start3A_158] : memref<10112x64xf32, #tpu.memory_space<vmem_shared>> -> memref<128x64xf32, #tpu.memory_space<vmem_shared>>
    tpu.enqueue_dma source(%arg10 : memref<128x64xf32, #tpu.memory_space<vmem>>) target(%dma_start3A_159 : memref<128x64xf32, #tpu.memory_space<vmem_shared>>) target_semaphore(%arg16 : memref<!tpu.dma_semaphore, #tpu.memory_space<semaphore_mem>>)
    %add3A_160 = arith.constant 128 : i32
    %add3A_161 = arith.addi %mul3A_0, %add3A_160 : i32
    %dma_start3A_162 = arith.constant 0 : i32
    %dma_start3A_163 = tpu.memref_slice %arg13[%add3A_161, %dma_start3A_162] : memref<10112x64xf32, #tpu.memory_space<vmem_shared>> -> memref<128x64xf32, #tpu.memory_space<vmem_shared>>
    %dma_start3A_164 = arith.constant 0 : i32
    %dma_start3A_165 = tpu.memref_slice %arg13[%add3A_161, %dma_start3A_164] : memref<10112x64xf32, #tpu.memory_space<vmem_shared>> -> memref<128x64xf32, #tpu.memory_space<vmem_shared>>
    tpu.enqueue_dma source(%arg10 : memref<128x64xf32, #tpu.memory_space<vmem>>) target(%dma_start3A_165 : memref<128x64xf32, #tpu.memory_space<vmem_shared>>) target_semaphore(%arg16 : memref<!tpu.dma_semaphore, #tpu.memory_space<semaphore_mem>>)
    %add3A_166 = arith.constant 256 : i32
    %add3A_167 = arith.addi %mul3A_0, %add3A_166 : i32
    %dma_start3A_168 = arith.constant 0 : i32
    %dma_start3A_169 = tpu.memref_slice %arg13[%add3A_167, %dma_start3A_168] : memref<10112x64xf32, #tpu.memory_space<vmem_shared>> -> memref<128x64xf32, #tpu.memory_space<vmem_shared>>
    %dma_start3A_170 = arith.constant 0 : i32
    %dma_start3A_171 = tpu.memref_slice %arg13[%add3A_167, %dma_start3A_170] : memref<10112x64xf32, #tpu.memory_space<vmem_shared>> -> memref<128x64xf32, #tpu.memory_space<vmem_shared>>
    tpu.enqueue_dma source(%arg10 : memref<128x64xf32, #tpu.memory_space<vmem>>) target(%dma_start3A_171 : memref<128x64xf32, #tpu.memory_space<vmem_shared>>) target_semaphore(%arg16 : memref<!tpu.dma_semaphore, #tpu.memory_space<semaphore_mem>>)
    %add3A_172 = arith.constant 384 : i32
    %add3A_173 = arith.addi %mul3A_0, %add3A_172 : i32
    %dma_start3A_174 = arith.constant 0 : i32
    %dma_start3A_175 = tpu.memref_slice %arg13[%add3A_173, %dma_start3A_174] : memref<10112x64xf32, #tpu.memory_space<vmem_shared>> -> memref<128x64xf32, #tpu.memory_space<vmem_shared>>
    %dma_start3A_176 = arith.constant 0 : i32
    %dma_start3A_177 = tpu.memref_slice %arg13[%add3A_173, %dma_start3A_176] : memref<10112x64xf32, #tpu.memory_space<vmem_shared>> -> memref<128x64xf32, #tpu.memory_space<vmem_shared>>
    tpu.enqueue_dma source(%arg10 : memref<128x64xf32, #tpu.memory_space<vmem>>) target(%dma_start3A_177 : memref<128x64xf32, #tpu.memory_space<vmem_shared>>) target_semaphore(%arg16 : memref<!tpu.dma_semaphore, #tpu.memory_space<semaphore_mem>>)
    %add3A_178 = arith.constant 512 : i32
    %add3A_179 = arith.addi %mul3A_0, %add3A_178 : i32
    %dma_start3A_180 = arith.constant 0 : i32
    %dma_start3A_181 = arith.constant 0 : i32
    %dma_start3A_182 = tpu.memref_slice %arg10[%dma_start3A_180, %dma_start3A_181] : memref<128x64xf32, #tpu.memory_space<vmem>> -> memref<120x64xf32, #tpu.memory_space<vmem>>
    %dma_start3A_183 = arith.constant 0 : i32
    %dma_start3A_184 = tpu.memref_slice %arg13[%add3A_179, %dma_start3A_183] : memref<10112x64xf32, #tpu.memory_space<vmem_shared>> -> memref<120x64xf32, #tpu.memory_space<vmem_shared>>
    %dma_start3A_185 = arith.constant 0 : i32
    %dma_start3A_186 = tpu.memref_slice %arg13[%add3A_179, %dma_start3A_185] : memref<10112x64xf32, #tpu.memory_space<vmem_shared>> -> memref<120x64xf32, #tpu.memory_space<vmem_shared>>
    %dma_start3A_187 = arith.constant 0 : i32
    %dma_start3A_188 = arith.constant 0 : i32
    %dma_start3A_189 = tpu.memref_slice %arg10[%dma_start3A_187, %dma_start3A_188] : memref<128x64xf32, #tpu.memory_space<vmem>> -> memref<120x64xf32, #tpu.memory_space<vmem>>
    tpu.enqueue_dma source(%dma_start3A_189 : memref<120x64xf32, #tpu.memory_space<vmem>>) target(%dma_start3A_186 : memref<120x64xf32, #tpu.memory_space<vmem_shared>>) target_semaphore(%arg16 : memref<!tpu.dma_semaphore, #tpu.memory_space<semaphore_mem>>)
    %dma_wait3A_190 = arith.constant 0 : i32
    %dma_wait3A_191 = tpu.memref_slice %arg13[%add3A_155, %dma_wait3A_190] : memref<10112x64xf32, #tpu.memory_space<vmem_shared>> -> memref<128x64xf32, #tpu.memory_space<vmem_shared>>
    %dma_wait3A_192 = arith.constant 0 : i32
    %dma_wait3A_193 = tpu.memref_slice %arg13[%add3A_155, %dma_wait3A_192] : memref<10112x64xf32, #tpu.memory_space<vmem_shared>> -> memref<128x64xf32, #tpu.memory_space<vmem_shared>>
    tpu.wait_dma2 semaphore(%arg16 : memref<!tpu.dma_semaphore, #tpu.memory_space<semaphore_mem>>) src(%arg10 : memref<128x64xf32, #tpu.memory_space<vmem>>) dst(%dma_wait3A_193 : memref<128x64xf32, #tpu.memory_space<vmem_shared>>)
    %dma_wait3A_194 = arith.constant 0 : i32
    %dma_wait3A_195 = tpu.memref_slice %arg13[%add3A_161, %dma_wait3A_194] : memref<10112x64xf32, #tpu.memory_space<vmem_shared>> -> memref<128x64xf32, #tpu.memory_space<vmem_shared>>
    %dma_wait3A_196 = arith.constant 0 : i32
    %dma_wait3A_197 = tpu.memref_slice %arg13[%add3A_161, %dma_wait3A_196] : memref<10112x64xf32, #tpu.memory_space<vmem_shared>> -> memref<128x64xf32, #tpu.memory_space<vmem_shared>>
    tpu.wait_dma2 semaphore(%arg16 : memref<!tpu.dma_semaphore, #tpu.memory_space<semaphore_mem>>) src(%arg10 : memref<128x64xf32, #tpu.memory_space<vmem>>) dst(%dma_wait3A_197 : memref<128x64xf32, #tpu.memory_space<vmem_shared>>)
    %dma_wait3A_198 = arith.constant 0 : i32
    %dma_wait3A_199 = tpu.memref_slice %arg13[%add3A_167, %dma_wait3A_198] : memref<10112x64xf32, #tpu.memory_space<vmem_shared>> -> memref<128x64xf32, #tpu.memory_space<vmem_shared>>
    %dma_wait3A_200 = arith.constant 0 : i32
    %dma_wait3A_201 = tpu.memref_slice %arg13[%add3A_167, %dma_wait3A_200] : memref<10112x64xf32, #tpu.memory_space<vmem_shared>> -> memref<128x64xf32, #tpu.memory_space<vmem_shared>>
    tpu.wait_dma2 semaphore(%arg16 : memref<!tpu.dma_semaphore, #tpu.memory_space<semaphore_mem>>) src(%arg10 : memref<128x64xf32, #tpu.memory_space<vmem>>) dst(%dma_wait3A_201 : memref<128x64xf32, #tpu.memory_space<vmem_shared>>)
    %dma_wait3A_202 = arith.constant 0 : i32
    %dma_wait3A_203 = tpu.memref_slice %arg13[%add3A_173, %dma_wait3A_202] : memref<10112x64xf32, #tpu.memory_space<vmem_shared>> -> memref<128x64xf32, #tpu.memory_space<vmem_shared>>
    %dma_wait3A_204 = arith.constant 0 : i32
    %dma_wait3A_205 = tpu.memref_slice %arg13[%add3A_173, %dma_wait3A_204] : memref<10112x64xf32, #tpu.memory_space<vmem_shared>> -> memref<128x64xf32, #tpu.memory_space<vmem_shared>>
    tpu.wait_dma2 semaphore(%arg16 : memref<!tpu.dma_semaphore, #tpu.memory_space<semaphore_mem>>) src(%arg10 : memref<128x64xf32, #tpu.memory_space<vmem>>) dst(%dma_wait3A_205 : memref<128x64xf32, #tpu.memory_space<vmem_shared>>)
    %dma_wait3A_206 = arith.constant 0 : i32
    %dma_wait3A_207 = arith.constant 0 : i32
    %dma_wait3A_208 = tpu.memref_slice %arg10[%dma_wait3A_206, %dma_wait3A_207] : memref<128x64xf32, #tpu.memory_space<vmem>> -> memref<120x64xf32, #tpu.memory_space<vmem>>
    %dma_wait3A_209 = arith.constant 0 : i32
    %dma_wait3A_210 = tpu.memref_slice %arg13[%add3A_179, %dma_wait3A_209] : memref<10112x64xf32, #tpu.memory_space<vmem_shared>> -> memref<120x64xf32, #tpu.memory_space<vmem_shared>>
    %dma_wait3A_211 = arith.constant 0 : i32
    %dma_wait3A_212 = tpu.memref_slice %arg13[%add3A_179, %dma_wait3A_211] : memref<10112x64xf32, #tpu.memory_space<vmem_shared>> -> memref<120x64xf32, #tpu.memory_space<vmem_shared>>
    %dma_wait3A_213 = arith.constant 0 : i32
    %dma_wait3A_214 = arith.constant 0 : i32
    %dma_wait3A_215 = tpu.memref_slice %arg10[%dma_wait3A_213, %dma_wait3A_214] : memref<128x64xf32, #tpu.memory_space<vmem>> -> memref<120x64xf32, #tpu.memory_space<vmem>>
    tpu.wait_dma2 semaphore(%arg16 : memref<!tpu.dma_semaphore, #tpu.memory_space<semaphore_mem>>) src(%dma_wait3A_215 : memref<120x64xf32, #tpu.memory_space<vmem>>) dst(%dma_wait3A_212 : memref<120x64xf32, #tpu.memory_space<vmem_shared>>)
    %barrier3A = arith.constant 0 : index
    tpu.barrier barrier_id(%barrier3A)
    "tpu.region"() ({
      %run_scoped3A = tpu.sem_alloc : memref<!tpu.dma_semaphore, #tpu.memory_space<semaphore_mem>>
      %dma_start3A_374 = arith.constant 0 : i32
      %dma_start3A_375 = arith.constant 0 : i32
      %dma_start3A_376 = tpu.memref_slice %arg3[%arg1, %dma_start3A_374, %dma_start3A_375] : memref<16x160x128xi32, #tpu.memory_space<hbm>> -> memref<1x8x128xi32, #tpu.memory_space<hbm>>
      %dma_start3A_377 = tpu.memref_squeeze %dma_start3A_376 : memref<1x8x128xi32, #tpu.memory_space<hbm>> -> memref<8x128xi32, #tpu.memory_space<hbm>>
      %dma_start3A_378 = arith.constant 0 : i32
      %dma_start3A_379 = arith.constant 0 : i32
      %dma_start3A_380 = tpu.memref_slice %arg3[%arg1, %dma_start3A_378, %dma_start3A_379] : memref<16x160x128xi32, #tpu.memory_space<hbm>> -> memref<1x8x128xi32, #tpu.memory_space<hbm>>
      %dma_start3A_381 = tpu.memref_squeeze %dma_start3A_380 : memref<1x8x128xi32, #tpu.memory_space<hbm>> -> memref<8x128xi32, #tpu.memory_space<hbm>>
      tpu.enqueue_dma source(%dma_start3A_381 : memref<8x128xi32, #tpu.memory_space<hbm>>) target(%arg6 : memref<8x128xi32, #tpu.memory_space<vmem>>) target_semaphore(%run_scoped3A : memref<!tpu.dma_semaphore, #tpu.memory_space<semaphore_mem>>)
      %dma_wait3A_382 = arith.constant 0 : i32
      %dma_wait3A_383 = arith.constant 0 : i32
      %dma_wait3A_384 = tpu.memref_slice %arg3[%arg1, %dma_wait3A_382, %dma_wait3A_383] : memref<16x160x128xi32, #tpu.memory_space<hbm>> -> memref<1x8x128xi32, #tpu.memory_space<hbm>>
      %dma_wait3A_385 = tpu.memref_squeeze %dma_wait3A_384 : memref<1x8x128xi32, #tpu.memory_space<hbm>> -> memref<8x128xi32, #tpu.memory_space<hbm>>
      %dma_wait3A_386 = arith.constant 0 : i32
      %dma_wait3A_387 = arith.constant 0 : i32
      %dma_wait3A_388 = tpu.memref_slice %arg3[%arg1, %dma_wait3A_386, %dma_wait3A_387] : memref<16x160x128xi32, #tpu.memory_space<hbm>> -> memref<1x8x128xi32, #tpu.memory_space<hbm>>
      %dma_wait3A_389 = tpu.memref_squeeze %dma_wait3A_388 : memref<1x8x128xi32, #tpu.memory_space<hbm>> -> memref<8x128xi32, #tpu.memory_space<hbm>>
      tpu.wait_dma2 semaphore(%run_scoped3A : memref<!tpu.dma_semaphore, #tpu.memory_space<semaphore_mem>>) src(%dma_wait3A_389 : memref<8x128xi32, #tpu.memory_space<hbm>>) dst(%arg6 : memref<8x128xi32, #tpu.memory_space<vmem>>)
      tpu.yield
    }) : () -> ()
    "tpu.region"() ({
      %run_scoped3A = tpu.sem_alloc : memref<!tpu.dma_semaphore, #tpu.memory_space<semaphore_mem>>
      %dma_start3A_374 = arith.constant 0 : i32
      %dma_start3A_375 = arith.constant 0 : i32
      %dma_start3A_376 = tpu.memref_slice %arg4[%arg1, %dma_start3A_374, %dma_start3A_375] : memref<16x160x128xi32, #tpu.memory_space<hbm>> -> memref<1x8x128xi32, #tpu.memory_space<hbm>>
      %dma_start3A_377 = tpu.memref_squeeze %dma_start3A_376 : memref<1x8x128xi32, #tpu.memory_space<hbm>> -> memref<8x128xi32, #tpu.memory_space<hbm>>
      %dma_start3A_378 = arith.constant 0 : i32
      %dma_start3A_379 = arith.constant 0 : i32
      %dma_start3A_380 = tpu.memref_slice %arg4[%arg1, %dma_start3A_378, %dma_start3A_379] : memref<16x160x128xi32, #tpu.memory_space<hbm>> -> memref<1x8x128xi32, #tpu.memory_space<hbm>>
      %dma_start3A_381 = tpu.memref_squeeze %dma_start3A_380 : memref<1x8x128xi32, #tpu.memory_space<hbm>> -> memref<8x128xi32, #tpu.memory_space<hbm>>
      tpu.enqueue_dma source(%dma_start3A_381 : memref<8x128xi32, #tpu.memory_space<hbm>>) target(%arg7 : memref<8x128xi32, #tpu.memory_space<vmem>>) target_semaphore(%run_scoped3A : memref<!tpu.dma_semaphore, #tpu.memory_space<semaphore_mem>>)
      %dma_wait3A_382 = arith.constant 0 : i32
      %dma_wait3A_383 = arith.constant 0 : i32
      %dma_wait3A_384 = tpu.memref_slice %arg4[%arg1, %dma_wait3A_382, %dma_wait3A_383] : memref<16x160x128xi32, #tpu.memory_space<hbm>> -> memref<1x8x128xi32, #tpu.memory_space<hbm>>
      %dma_wait3A_385 = tpu.memref_squeeze %dma_wait3A_384 : memref<1x8x128xi32, #tpu.memory_space<hbm>> -> memref<8x128xi32, #tpu.memory_space<hbm>>
      %dma_wait3A_386 = arith.constant 0 : i32
      %dma_wait3A_387 = arith.constant 0 : i32
      %dma_wait3A_388 = tpu.memref_slice %arg4[%arg1, %dma_wait3A_386, %dma_wait3A_387] : memref<16x160x128xi32, #tpu.memory_space<hbm>> -> memref<1x8x128xi32, #tpu.memory_space<hbm>>
      %dma_wait3A_389 = tpu.memref_squeeze %dma_wait3A_388 : memref<1x8x128xi32, #tpu.memory_space<hbm>> -> memref<8x128xi32, #tpu.memory_space<hbm>>
      tpu.wait_dma2 semaphore(%run_scoped3A : memref<!tpu.dma_semaphore, #tpu.memory_space<semaphore_mem>>) src(%dma_wait3A_389 : memref<8x128xi32, #tpu.memory_space<hbm>>) dst(%arg7 : memref<8x128xi32, #tpu.memory_space<vmem>>)
      tpu.yield
    }) : () -> ()
    %scan3A_216 = arith.constant 0 : i32
    %scan3A_217 = arith.constant 0 : i32
    %scan3A_218 = arith.constant 10 : i32
    %scan3A_219 = arith.addi %scan3A_217, %scan3A_218 : i32
    %scan3A_220 = arith.constant 1 : i32
    %scan3A_221 = scf.for %scan3A_374 = %scan3A_217 to %scan3A_219 step %scan3A_220 iter_args(%scan3A_375 = %scan3A_216) -> (i32)  : i32 {
      %mul3A_376 = arith.constant 2 : i32
      %mul3A_377 = arith.muli %scan3A_374, %mul3A_376 : i32
      %add3A_378 = arith.constant 1 : i32
      %add3A_379 = arith.addi %mul3A_377, %add3A_378 : i32
      %mul3A_380 = arith.constant 8 : i32
      %mul3A_381 = arith.muli %add3A_379, %mul3A_380 : i32
      %dma_start3A_382 = arith.constant 0 : i32
      %dma_start3A_383 = tpu.memref_slice %arg3[%arg1, %mul3A_381, %dma_start3A_382] : memref<16x160x128xi32, #tpu.memory_space<hbm>> -> memref<1x8x128xi32, #tpu.memory_space<hbm>>
      %dma_start3A_384 = tpu.memref_squeeze %dma_start3A_383 : memref<1x8x128xi32, #tpu.memory_space<hbm>> -> memref<8x128xi32, #tpu.memory_space<hbm>>
      %dma_start3A_385 = arith.constant 0 : i32
      %dma_start3A_386 = tpu.memref_slice %arg3[%arg1, %mul3A_381, %dma_start3A_385] : memref<16x160x128xi32, #tpu.memory_space<hbm>> -> memref<1x8x128xi32, #tpu.memory_space<hbm>>
      %dma_start3A_387 = tpu.memref_squeeze %dma_start3A_386 : memref<1x8x128xi32, #tpu.memory_space<hbm>> -> memref<8x128xi32, #tpu.memory_space<hbm>>
      tpu.enqueue_dma source(%dma_start3A_387 : memref<8x128xi32, #tpu.memory_space<hbm>>) target(%arg8 : memref<8x128xi32, #tpu.memory_space<vmem>>) target_semaphore(%arg18 : memref<!tpu.dma_semaphore, #tpu.memory_space<semaphore_mem>>)
      %dma_start3A_388 = arith.constant 0 : i32
      %dma_start3A_389 = tpu.memref_slice %arg4[%arg1, %mul3A_381, %dma_start3A_388] : memref<16x160x128xi32, #tpu.memory_space<hbm>> -> memref<1x8x128xi32, #tpu.memory_space<hbm>>
      %dma_start3A_390 = tpu.memref_squeeze %dma_start3A_389 : memref<1x8x128xi32, #tpu.memory_space<hbm>> -> memref<8x128xi32, #tpu.memory_space<hbm>>
      %dma_start3A_391 = arith.constant 0 : i32
      %dma_start3A_392 = tpu.memref_slice %arg4[%arg1, %mul3A_381, %dma_start3A_391] : memref<16x160x128xi32, #tpu.memory_space<hbm>> -> memref<1x8x128xi32, #tpu.memory_space<hbm>>
      %dma_start3A_393 = tpu.memref_squeeze %dma_start3A_392 : memref<1x8x128xi32, #tpu.memory_space<hbm>> -> memref<8x128xi32, #tpu.memory_space<hbm>>
      tpu.enqueue_dma source(%dma_start3A_393 : memref<8x128xi32, #tpu.memory_space<hbm>>) target(%arg9 : memref<8x128xi32, #tpu.memory_space<vmem>>) target_semaphore(%arg18 : memref<!tpu.dma_semaphore, #tpu.memory_space<semaphore_mem>>)
      %dma_start3A_394 = arith.constant 0 : i32
      %dma_start3A_395 = arith.constant 0 : i32
      %dma_start3A_396 = tpu.memref_slice %arg6[%dma_start3A_394, %dma_start3A_395] : memref<8x128xi32, #tpu.memory_space<vmem>> -> memref<1x128xi32, #tpu.memory_space<vmem>>
      %dma_start3A_397 = tpu.memref_squeeze %dma_start3A_396 : memref<1x128xi32, #tpu.memory_space<vmem>> -> memref<128xi32, #tpu.memory_space<vmem>>
      %dma_start3A_398 = arith.constant 0 : i32
      %dma_start3A_399 = arith.constant 0 : i32
      %dma_start3A_400 = tpu.memref_slice %arg12[%dma_start3A_398, %dma_start3A_399] : memref<10112x64xf32, #tpu.memory_space<vmem_shared>> -> memref<10112x64xf32, #tpu.memory_space<vmem_shared>>
      tpu.enqueue_indirect_dma source(%dma_start3A_400 : memref<10112x64xf32, #tpu.memory_space<vmem_shared>>) target(%arg10 : memref<128x64xf32, #tpu.memory_space<vmem>>) offsets(%dma_start3A_397 : memref<128xi32, #tpu.memory_space<vmem>>) semaphore(%arg14 : memref<!tpu.dma_semaphore, #tpu.memory_space<semaphore_mem>>)
      %dma_start3A_401 = arith.constant 1 : i32
      %dma_start3A_402 = arith.constant 0 : i32
      %dma_start3A_403 = tpu.memref_slice %arg6[%dma_start3A_401, %dma_start3A_402] : memref<8x128xi32, #tpu.memory_space<vmem>> -> memref<1x128xi32, #tpu.memory_space<vmem>>
      %dma_start3A_404 = tpu.memref_squeeze %dma_start3A_403 : memref<1x128xi32, #tpu.memory_space<vmem>> -> memref<128xi32, #tpu.memory_space<vmem>>
      %dma_start3A_405 = arith.constant 0 : i32
      %dma_start3A_406 = arith.constant 0 : i32
      %dma_start3A_407 = tpu.memref_slice %arg12[%dma_start3A_405, %dma_start3A_406] : memref<10112x64xf32, #tpu.memory_space<vmem_shared>> -> memref<10112x64xf32, #tpu.memory_space<vmem_shared>>
      tpu.enqueue_indirect_dma source(%dma_start3A_407 : memref<10112x64xf32, #tpu.memory_space<vmem_shared>>) target(%arg11 : memref<128x64xf32, #tpu.memory_space<vmem>>) offsets(%dma_start3A_404 : memref<128xi32, #tpu.memory_space<vmem>>) semaphore(%arg15 : memref<!tpu.dma_semaphore, #tpu.memory_space<semaphore_mem>>)
      %dma_wait3A_408 = arith.constant 0 : i32
      %dma_wait3A_409 = arith.constant 0 : i32
      %dma_wait3A_410 = tpu.memref_slice %arg6[%dma_wait3A_408, %dma_wait3A_409] : memref<8x128xi32, #tpu.memory_space<vmem>> -> memref<1x128xi32, #tpu.memory_space<vmem>>
      %dma_wait3A_411 = tpu.memref_squeeze %dma_wait3A_410 : memref<1x128xi32, #tpu.memory_space<vmem>> -> memref<128xi32, #tpu.memory_space<vmem>>
      %dma_wait3A_412 = arith.constant 0 : i32
      %dma_wait3A_413 = arith.constant 0 : i32
      %dma_wait3A_414 = tpu.memref_slice %arg12[%dma_wait3A_412, %dma_wait3A_413] : memref<10112x64xf32, #tpu.memory_space<vmem_shared>> -> memref<10112x64xf32, #tpu.memory_space<vmem_shared>>
      tpu.wait_indirect_dma semaphore(%arg14 : memref<!tpu.dma_semaphore, #tpu.memory_space<semaphore_mem>>) src(%dma_wait3A_414 : memref<10112x64xf32, #tpu.memory_space<vmem_shared>>) dst(%arg10 : memref<128x64xf32, #tpu.memory_space<vmem>>)
      %dma_start3A_415 = arith.constant 0 : i32
      %dma_start3A_416 = arith.constant 0 : i32
      %dma_start3A_417 = tpu.memref_slice %arg7[%dma_start3A_415, %dma_start3A_416] : memref<8x128xi32, #tpu.memory_space<vmem>> -> memref<1x128xi32, #tpu.memory_space<vmem>>
      %dma_start3A_418 = tpu.memref_squeeze %dma_start3A_417 : memref<1x128xi32, #tpu.memory_space<vmem>> -> memref<128xi32, #tpu.memory_space<vmem>>
      %dma_start3A_419 = arith.constant 0 : i32
      %dma_start3A_420 = arith.constant 0 : i32
      %dma_start3A_421 = tpu.memref_slice %arg13[%dma_start3A_419, %dma_start3A_420] : memref<10112x64xf32, #tpu.memory_space<vmem_shared>> -> memref<10112x64xf32, #tpu.memory_space<vmem_shared>>
      tpu.enqueue_indirect_dma source(%arg10 : memref<128x64xf32, #tpu.memory_space<vmem>>) target(%dma_start3A_421 : memref<10112x64xf32, #tpu.memory_space<vmem_shared>>) offsets(%dma_start3A_418 : memref<128xi32, #tpu.memory_space<vmem>>) semaphore(%arg16 : memref<!tpu.dma_semaphore, #tpu.memory_space<semaphore_mem>>) {add = true}
      %dma_wait3A_422 = arith.constant 0 : i32
      %dma_wait3A_423 = arith.constant 0 : i32
      %dma_wait3A_424 = tpu.memref_slice %arg7[%dma_wait3A_422, %dma_wait3A_423] : memref<8x128xi32, #tpu.memory_space<vmem>> -> memref<1x128xi32, #tpu.memory_space<vmem>>
      %dma_wait3A_425 = tpu.memref_squeeze %dma_wait3A_424 : memref<1x128xi32, #tpu.memory_space<vmem>> -> memref<128xi32, #tpu.memory_space<vmem>>
      %dma_wait3A_426 = arith.constant 0 : i32
      %dma_wait3A_427 = arith.constant 0 : i32
      %dma_wait3A_428 = tpu.memref_slice %arg13[%dma_wait3A_426, %dma_wait3A_427] : memref<10112x64xf32, #tpu.memory_space<vmem_shared>> -> memref<10112x64xf32, #tpu.memory_space<vmem_shared>>
      tpu.wait_indirect_dma semaphore(%arg16 : memref<!tpu.dma_semaphore, #tpu.memory_space<semaphore_mem>>) src(%arg10 : memref<128x64xf32, #tpu.memory_space<vmem>>) dst(%dma_wait3A_428 : memref<10112x64xf32, #tpu.memory_space<vmem_shared>>)
      %dma_start3A_429 = arith.constant 2 : i32
      %dma_start3A_430 = arith.constant 0 : i32
      %dma_start3A_431 = tpu.memref_slice %arg6[%dma_start3A_429, %dma_start3A_430] : memref<8x128xi32, #tpu.memory_space<vmem>> -> memref<1x128xi32, #tpu.memory_space<vmem>>
      %dma_start3A_432 = tpu.memref_squeeze %dma_start3A_431 : memref<1x128xi32, #tpu.memory_space<vmem>> -> memref<128xi32, #tpu.memory_space<vmem>>
      %dma_start3A_433 = arith.constant 0 : i32
      %dma_start3A_434 = arith.constant 0 : i32
      %dma_start3A_435 = tpu.memref_slice %arg12[%dma_start3A_433, %dma_start3A_434] : memref<10112x64xf32, #tpu.memory_space<vmem_shared>> -> memref<10112x64xf32, #tpu.memory_space<vmem_shared>>
      tpu.enqueue_indirect_dma source(%dma_start3A_435 : memref<10112x64xf32, #tpu.memory_space<vmem_shared>>) target(%arg10 : memref<128x64xf32, #tpu.memory_space<vmem>>) offsets(%dma_start3A_432 : memref<128xi32, #tpu.memory_space<vmem>>) semaphore(%arg14 : memref<!tpu.dma_semaphore, #tpu.memory_space<semaphore_mem>>)
      %dma_wait3A_436 = arith.constant 1 : i32
      %dma_wait3A_437 = arith.constant 0 : i32
      %dma_wait3A_438 = tpu.memref_slice %arg6[%dma_wait3A_436, %dma_wait3A_437] : memref<8x128xi32, #tpu.memory_space<vmem>> -> memref<1x128xi32, #tpu.memory_space<vmem>>
      %dma_wait3A_439 = tpu.memref_squeeze %dma_wait3A_438 : memref<1x128xi32, #tpu.memory_space<vmem>> -> memref<128xi32, #tpu.memory_space<vmem>>
      %dma_wait3A_440 = arith.constant 0 : i32
      %dma_wait3A_441 = arith.constant 0 : i32
      %dma_wait3A_442 = tpu.memref_slice %arg12[%dma_wait3A_440, %dma_wait3A_441] : memref<10112x64xf32, #tpu.memory_space<vmem_shared>> -> memref<10112x64xf32, #tpu.memory_space<vmem_shared>>
      tpu.wait_indirect_dma semaphore(%arg15 : memref<!tpu.dma_semaphore, #tpu.memory_space<semaphore_mem>>) src(%dma_wait3A_442 : memref<10112x64xf32, #tpu.memory_space<vmem_shared>>) dst(%arg11 : memref<128x64xf32, #tpu.memory_space<vmem>>)
      %dma_start3A_443 = arith.constant 1 : i32
      %dma_start3A_444 = arith.constant 0 : i32
      %dma_start3A_445 = tpu.memref_slice %arg7[%dma_start3A_443, %dma_start3A_444] : memref<8x128xi32, #tpu.memory_space<vmem>> -> memref<1x128xi32, #tpu.memory_space<vmem>>
      %dma_start3A_446 = tpu.memref_squeeze %dma_start3A_445 : memref<1x128xi32, #tpu.memory_space<vmem>> -> memref<128xi32, #tpu.memory_space<vmem>>
      %dma_start3A_447 = arith.constant 0 : i32
      %dma_start3A_448 = arith.constant 0 : i32
      %dma_start3A_449 = tpu.memref_slice %arg13[%dma_start3A_447, %dma_start3A_448] : memref<10112x64xf32, #tpu.memory_space<vmem_shared>> -> memref<10112x64xf32, #tpu.memory_space<vmem_shared>>
      tpu.enqueue_indirect_dma source(%arg11 : memref<128x64xf32, #tpu.memory_space<vmem>>) target(%dma_start3A_449 : memref<10112x64xf32, #tpu.memory_space<vmem_shared>>) offsets(%dma_start3A_446 : memref<128xi32, #tpu.memory_space<vmem>>) semaphore(%arg17 : memref<!tpu.dma_semaphore, #tpu.memory_space<semaphore_mem>>) {add = true}
      %dma_wait3A_450 = arith.constant 1 : i32
      %dma_wait3A_451 = arith.constant 0 : i32
      %dma_wait3A_452 = tpu.memref_slice %arg7[%dma_wait3A_450, %dma_wait3A_451] : memref<8x128xi32, #tpu.memory_space<vmem>> -> memref<1x128xi32, #tpu.memory_space<vmem>>
      %dma_wait3A_453 = tpu.memref_squeeze %dma_wait3A_452 : memref<1x128xi32, #tpu.memory_space<vmem>> -> memref<128xi32, #tpu.memory_space<vmem>>
      %dma_wait3A_454 = arith.constant 0 : i32
      %dma_wait3A_455 = arith.constant 0 : i32
      %dma_wait3A_456 = tpu.memref_slice %arg13[%dma_wait3A_454, %dma_wait3A_455] : memref<10112x64xf32, #tpu.memory_space<vmem_shared>> -> memref<10112x64xf32, #tpu.memory_space<vmem_shared>>
      tpu.wait_indirect_dma semaphore(%arg17 : memref<!tpu.dma_semaphore, #tpu.memory_space<semaphore_mem>>) src(%arg11 : memref<128x64xf32, #tpu.memory_space<vmem>>) dst(%dma_wait3A_456 : memref<10112x64xf32, #tpu.memory_space<vmem_shared>>)
      %dma_start3A_457 = arith.constant 3 : i32
      %dma_start3A_458 = arith.constant 0 : i32
      %dma_start3A_459 = tpu.memref_slice %arg6[%dma_start3A_457, %dma_start3A_458] : memref<8x128xi32, #tpu.memory_space<vmem>> -> memref<1x128xi32, #tpu.memory_space<vmem>>
      %dma_start3A_460 = tpu.memref_squeeze %dma_start3A_459 : memref<1x128xi32, #tpu.memory_space<vmem>> -> memref<128xi32, #tpu.memory_space<vmem>>
      %dma_start3A_461 = arith.constant 0 : i32
      %dma_start3A_462 = arith.constant 0 : i32
      %dma_start3A_463 = tpu.memref_slice %arg12[%dma_start3A_461, %dma_start3A_462] : memref<10112x64xf32, #tpu.memory_space<vmem_shared>> -> memref<10112x64xf32, #tpu.memory_space<vmem_shared>>
      tpu.enqueue_indirect_dma source(%dma_start3A_463 : memref<10112x64xf32, #tpu.memory_space<vmem_shared>>) target(%arg11 : memref<128x64xf32, #tpu.memory_space<vmem>>) offsets(%dma_start3A_460 : memref<128xi32, #tpu.memory_space<vmem>>) semaphore(%arg15 : memref<!tpu.dma_semaphore, #tpu.memory_space<semaphore_mem>>)
      %dma_wait3A_464 = arith.constant 2 : i32
      %dma_wait3A_465 = arith.constant 0 : i32
      %dma_wait3A_466 = tpu.memref_slice %arg6[%dma_wait3A_464, %dma_wait3A_465] : memref<8x128xi32, #tpu.memory_space<vmem>> -> memref<1x128xi32, #tpu.memory_space<vmem>>
      %dma_wait3A_467 = tpu.memref_squeeze %dma_wait3A_466 : memref<1x128xi32, #tpu.memory_space<vmem>> -> memref<128xi32, #tpu.memory_space<vmem>>
      %dma_wait3A_468 = arith.constant 0 : i32
      %dma_wait3A_469 = arith.constant 0 : i32
      %dma_wait3A_470 = tpu.memref_slice %arg12[%dma_wait3A_468, %dma_wait3A_469] : memref<10112x64xf32, #tpu.memory_space<vmem_shared>> -> memref<10112x64xf32, #tpu.memory_space<vmem_shared>>
      tpu.wait_indirect_dma semaphore(%arg14 : memref<!tpu.dma_semaphore, #tpu.memory_space<semaphore_mem>>) src(%dma_wait3A_470 : memref<10112x64xf32, #tpu.memory_space<vmem_shared>>) dst(%arg10 : memref<128x64xf32, #tpu.memory_space<vmem>>)
      %dma_start3A_471 = arith.constant 2 : i32
      %dma_start3A_472 = arith.constant 0 : i32
      %dma_start3A_473 = tpu.memref_slice %arg7[%dma_start3A_471, %dma_start3A_472] : memref<8x128xi32, #tpu.memory_space<vmem>> -> memref<1x128xi32, #tpu.memory_space<vmem>>
      %dma_start3A_474 = tpu.memref_squeeze %dma_start3A_473 : memref<1x128xi32, #tpu.memory_space<vmem>> -> memref<128xi32, #tpu.memory_space<vmem>>
      %dma_start3A_475 = arith.constant 0 : i32
      %dma_start3A_476 = arith.constant 0 : i32
      %dma_start3A_477 = tpu.memref_slice %arg13[%dma_start3A_475, %dma_start3A_476] : memref<10112x64xf32, #tpu.memory_space<vmem_shared>> -> memref<10112x64xf32, #tpu.memory_space<vmem_shared>>
      tpu.enqueue_indirect_dma source(%arg10 : memref<128x64xf32, #tpu.memory_space<vmem>>) target(%dma_start3A_477 : memref<10112x64xf32, #tpu.memory_space<vmem_shared>>) offsets(%dma_start3A_474 : memref<128xi32, #tpu.memory_space<vmem>>) semaphore(%arg16 : memref<!tpu.dma_semaphore, #tpu.memory_space<semaphore_mem>>) {add = true}
      %dma_wait3A_478 = arith.constant 2 : i32
      %dma_wait3A_479 = arith.constant 0 : i32
      %dma_wait3A_480 = tpu.memref_slice %arg7[%dma_wait3A_478, %dma_wait3A_479] : memref<8x128xi32, #tpu.memory_space<vmem>> -> memref<1x128xi32, #tpu.memory_space<vmem>>
      %dma_wait3A_481 = tpu.memref_squeeze %dma_wait3A_480 : memref<1x128xi32, #tpu.memory_space<vmem>> -> memref<128xi32, #tpu.memory_space<vmem>>
      %dma_wait3A_482 = arith.constant 0 : i32
      %dma_wait3A_483 = arith.constant 0 : i32
      %dma_wait3A_484 = tpu.memref_slice %arg13[%dma_wait3A_482, %dma_wait3A_483] : memref<10112x64xf32, #tpu.memory_space<vmem_shared>> -> memref<10112x64xf32, #tpu.memory_space<vmem_shared>>
      tpu.wait_indirect_dma semaphore(%arg16 : memref<!tpu.dma_semaphore, #tpu.memory_space<semaphore_mem>>) src(%arg10 : memref<128x64xf32, #tpu.memory_space<vmem>>) dst(%dma_wait3A_484 : memref<10112x64xf32, #tpu.memory_space<vmem_shared>>)
      %dma_start3A_485 = arith.constant 4 : i32
      %dma_start3A_486 = arith.constant 0 : i32
      %dma_start3A_487 = tpu.memref_slice %arg6[%dma_start3A_485, %dma_start3A_486] : memref<8x128xi32, #tpu.memory_space<vmem>> -> memref<1x128xi32, #tpu.memory_space<vmem>>
      %dma_start3A_488 = tpu.memref_squeeze %dma_start3A_487 : memref<1x128xi32, #tpu.memory_space<vmem>> -> memref<128xi32, #tpu.memory_space<vmem>>
      %dma_start3A_489 = arith.constant 0 : i32
      %dma_start3A_490 = arith.constant 0 : i32
      %dma_start3A_491 = tpu.memref_slice %arg12[%dma_start3A_489, %dma_start3A_490] : memref<10112x64xf32, #tpu.memory_space<vmem_shared>> -> memref<10112x64xf32, #tpu.memory_space<vmem_shared>>
      tpu.enqueue_indirect_dma source(%dma_start3A_491 : memref<10112x64xf32, #tpu.memory_space<vmem_shared>>) target(%arg10 : memref<128x64xf32, #tpu.memory_space<vmem>>) offsets(%dma_start3A_488 : memref<128xi32, #tpu.memory_space<vmem>>) semaphore(%arg14 : memref<!tpu.dma_semaphore, #tpu.memory_space<semaphore_mem>>)
      %dma_wait3A_492 = arith.constant 3 : i32
      %dma_wait3A_493 = arith.constant 0 : i32
      %dma_wait3A_494 = tpu.memref_slice %arg6[%dma_wait3A_492, %dma_wait3A_493] : memref<8x128xi32, #tpu.memory_space<vmem>> -> memref<1x128xi32, #tpu.memory_space<vmem>>
      %dma_wait3A_495 = tpu.memref_squeeze %dma_wait3A_494 : memref<1x128xi32, #tpu.memory_space<vmem>> -> memref<128xi32, #tpu.memory_space<vmem>>
      %dma_wait3A_496 = arith.constant 0 : i32
      %dma_wait3A_497 = arith.constant 0 : i32
      %dma_wait3A_498 = tpu.memref_slice %arg12[%dma_wait3A_496, %dma_wait3A_497] : memref<10112x64xf32, #tpu.memory_space<vmem_shared>> -> memref<10112x64xf32, #tpu.memory_space<vmem_shared>>
      tpu.wait_indirect_dma semaphore(%arg15 : memref<!tpu.dma_semaphore, #tpu.memory_space<semaphore_mem>>) src(%dma_wait3A_498 : memref<10112x64xf32, #tpu.memory_space<vmem_shared>>) dst(%arg11 : memref<128x64xf32, #tpu.memory_space<vmem>>)
      %dma_start3A_499 = arith.constant 3 : i32
      %dma_start3A_500 = arith.constant 0 : i32
      %dma_start3A_501 = tpu.memref_slice %arg7[%dma_start3A_499, %dma_start3A_500] : memref<8x128xi32, #tpu.memory_space<vmem>> -> memref<1x128xi32, #tpu.memory_space<vmem>>
      %dma_start3A_502 = tpu.memref_squeeze %dma_start3A_501 : memref<1x128xi32, #tpu.memory_space<vmem>> -> memref<128xi32, #tpu.memory_space<vmem>>
      %dma_start3A_503 = arith.constant 0 : i32
      %dma_start3A_504 = arith.constant 0 : i32
      %dma_start3A_505 = tpu.memref_slice %arg13[%dma_start3A_503, %dma_start3A_504] : memref<10112x64xf32, #tpu.memory_space<vmem_shared>> -> memref<10112x64xf32, #tpu.memory_space<vmem_shared>>
      tpu.enqueue_indirect_dma source(%arg11 : memref<128x64xf32, #tpu.memory_space<vmem>>) target(%dma_start3A_505 : memref<10112x64xf32, #tpu.memory_space<vmem_shared>>) offsets(%dma_start3A_502 : memref<128xi32, #tpu.memory_space<vmem>>) semaphore(%arg17 : memref<!tpu.dma_semaphore, #tpu.memory_space<semaphore_mem>>) {add = true}
      %dma_wait3A_506 = arith.constant 3 : i32
      %dma_wait3A_507 = arith.constant 0 : i32
      %dma_wait3A_508 = tpu.memref_slice %arg7[%dma_wait3A_506, %dma_wait3A_507] : memref<8x128xi32, #tpu.memory_space<vmem>> -> memref<1x128xi32, #tpu.memory_space<vmem>>
      %dma_wait3A_509 = tpu.memref_squeeze %dma_wait3A_508 : memref<1x128xi32, #tpu.memory_space<vmem>> -> memref<128xi32, #tpu.memory_space<vmem>>
      %dma_wait3A_510 = arith.constant 0 : i32
      %dma_wait3A_511 = arith.constant 0 : i32
      %dma_wait3A_512 = tpu.memref_slice %arg13[%dma_wait3A_510, %dma_wait3A_511] : memref<10112x64xf32, #tpu.memory_space<vmem_shared>> -> memref<10112x64xf32, #tpu.memory_space<vmem_shared>>
      tpu.wait_indirect_dma semaphore(%arg17 : memref<!tpu.dma_semaphore, #tpu.memory_space<semaphore_mem>>) src(%arg11 : memref<128x64xf32, #tpu.memory_space<vmem>>) dst(%dma_wait3A_512 : memref<10112x64xf32, #tpu.memory_space<vmem_shared>>)
      %dma_start3A_513 = arith.constant 5 : i32
      %dma_start3A_514 = arith.constant 0 : i32
      %dma_start3A_515 = tpu.memref_slice %arg6[%dma_start3A_513, %dma_start3A_514] : memref<8x128xi32, #tpu.memory_space<vmem>> -> memref<1x128xi32, #tpu.memory_space<vmem>>
      %dma_start3A_516 = tpu.memref_squeeze %dma_start3A_515 : memref<1x128xi32, #tpu.memory_space<vmem>> -> memref<128xi32, #tpu.memory_space<vmem>>
      %dma_start3A_517 = arith.constant 0 : i32
      %dma_start3A_518 = arith.constant 0 : i32
      %dma_start3A_519 = tpu.memref_slice %arg12[%dma_start3A_517, %dma_start3A_518] : memref<10112x64xf32, #tpu.memory_space<vmem_shared>> -> memref<10112x64xf32, #tpu.memory_space<vmem_shared>>
      tpu.enqueue_indirect_dma source(%dma_start3A_519 : memref<10112x64xf32, #tpu.memory_space<vmem_shared>>) target(%arg11 : memref<128x64xf32, #tpu.memory_space<vmem>>) offsets(%dma_start3A_516 : memref<128xi32, #tpu.memory_space<vmem>>) semaphore(%arg15 : memref<!tpu.dma_semaphore, #tpu.memory_space<semaphore_mem>>)
      %dma_wait3A_520 = arith.constant 4 : i32
      %dma_wait3A_521 = arith.constant 0 : i32
      %dma_wait3A_522 = tpu.memref_slice %arg6[%dma_wait3A_520, %dma_wait3A_521] : memref<8x128xi32, #tpu.memory_space<vmem>> -> memref<1x128xi32, #tpu.memory_space<vmem>>
      %dma_wait3A_523 = tpu.memref_squeeze %dma_wait3A_522 : memref<1x128xi32, #tpu.memory_space<vmem>> -> memref<128xi32, #tpu.memory_space<vmem>>
      %dma_wait3A_524 = arith.constant 0 : i32
      %dma_wait3A_525 = arith.constant 0 : i32
      %dma_wait3A_526 = tpu.memref_slice %arg12[%dma_wait3A_524, %dma_wait3A_525] : memref<10112x64xf32, #tpu.memory_space<vmem_shared>> -> memref<10112x64xf32, #tpu.memory_space<vmem_shared>>
      tpu.wait_indirect_dma semaphore(%arg14 : memref<!tpu.dma_semaphore, #tpu.memory_space<semaphore_mem>>) src(%dma_wait3A_526 : memref<10112x64xf32, #tpu.memory_space<vmem_shared>>) dst(%arg10 : memref<128x64xf32, #tpu.memory_space<vmem>>)
      %dma_start3A_527 = arith.constant 4 : i32
      %dma_start3A_528 = arith.constant 0 : i32
      %dma_start3A_529 = tpu.memref_slice %arg7[%dma_start3A_527, %dma_start3A_528] : memref<8x128xi32, #tpu.memory_space<vmem>> -> memref<1x128xi32, #tpu.memory_space<vmem>>
      %dma_start3A_530 = tpu.memref_squeeze %dma_start3A_529 : memref<1x128xi32, #tpu.memory_space<vmem>> -> memref<128xi32, #tpu.memory_space<vmem>>
      %dma_start3A_531 = arith.constant 0 : i32
      %dma_start3A_532 = arith.constant 0 : i32
      %dma_start3A_533 = tpu.memref_slice %arg13[%dma_start3A_531, %dma_start3A_532] : memref<10112x64xf32, #tpu.memory_space<vmem_shared>> -> memref<10112x64xf32, #tpu.memory_space<vmem_shared>>
      tpu.enqueue_indirect_dma source(%arg10 : memref<128x64xf32, #tpu.memory_space<vmem>>) target(%dma_start3A_533 : memref<10112x64xf32, #tpu.memory_space<vmem_shared>>) offsets(%dma_start3A_530 : memref<128xi32, #tpu.memory_space<vmem>>) semaphore(%arg16 : memref<!tpu.dma_semaphore, #tpu.memory_space<semaphore_mem>>) {add = true}
      %dma_wait3A_534 = arith.constant 4 : i32
      %dma_wait3A_535 = arith.constant 0 : i32
      %dma_wait3A_536 = tpu.memref_slice %arg7[%dma_wait3A_534, %dma_wait3A_535] : memref<8x128xi32, #tpu.memory_space<vmem>> -> memref<1x128xi32, #tpu.memory_space<vmem>>
      %dma_wait3A_537 = tpu.memref_squeeze %dma_wait3A_536 : memref<1x128xi32, #tpu.memory_space<vmem>> -> memref<128xi32, #tpu.memory_space<vmem>>
      %dma_wait3A_538 = arith.constant 0 : i32
      %dma_wait3A_539 = arith.constant 0 : i32
      %dma_wait3A_540 = tpu.memref_slice %arg13[%dma_wait3A_538, %dma_wait3A_539] : memref<10112x64xf32, #tpu.memory_space<vmem_shared>> -> memref<10112x64xf32, #tpu.memory_space<vmem_shared>>
      tpu.wait_indirect_dma semaphore(%arg16 : memref<!tpu.dma_semaphore, #tpu.memory_space<semaphore_mem>>) src(%arg10 : memref<128x64xf32, #tpu.memory_space<vmem>>) dst(%dma_wait3A_540 : memref<10112x64xf32, #tpu.memory_space<vmem_shared>>)
      %dma_start3A_541 = arith.constant 6 : i32
      %dma_start3A_542 = arith.constant 0 : i32
      %dma_start3A_543 = tpu.memref_slice %arg6[%dma_start3A_541, %dma_start3A_542] : memref<8x128xi32, #tpu.memory_space<vmem>> -> memref<1x128xi32, #tpu.memory_space<vmem>>
      %dma_start3A_544 = tpu.memref_squeeze %dma_start3A_543 : memref<1x128xi32, #tpu.memory_space<vmem>> -> memref<128xi32, #tpu.memory_space<vmem>>
      %dma_start3A_545 = arith.constant 0 : i32
      %dma_start3A_546 = arith.constant 0 : i32
      %dma_start3A_547 = tpu.memref_slice %arg12[%dma_start3A_545, %dma_start3A_546] : memref<10112x64xf32, #tpu.memory_space<vmem_shared>> -> memref<10112x64xf32, #tpu.memory_space<vmem_shared>>
      tpu.enqueue_indirect_dma source(%dma_start3A_547 : memref<10112x64xf32, #tpu.memory_space<vmem_shared>>) target(%arg10 : memref<128x64xf32, #tpu.memory_space<vmem>>) offsets(%dma_start3A_544 : memref<128xi32, #tpu.memory_space<vmem>>) semaphore(%arg14 : memref<!tpu.dma_semaphore, #tpu.memory_space<semaphore_mem>>)
      %dma_wait3A_548 = arith.constant 5 : i32
      %dma_wait3A_549 = arith.constant 0 : i32
      %dma_wait3A_550 = tpu.memref_slice %arg6[%dma_wait3A_548, %dma_wait3A_549] : memref<8x128xi32, #tpu.memory_space<vmem>> -> memref<1x128xi32, #tpu.memory_space<vmem>>
      %dma_wait3A_551 = tpu.memref_squeeze %dma_wait3A_550 : memref<1x128xi32, #tpu.memory_space<vmem>> -> memref<128xi32, #tpu.memory_space<vmem>>
      %dma_wait3A_552 = arith.constant 0 : i32
      %dma_wait3A_553 = arith.constant 0 : i32
      %dma_wait3A_554 = tpu.memref_slice %arg12[%dma_wait3A_552, %dma_wait3A_553] : memref<10112x64xf32, #tpu.memory_space<vmem_shared>> -> memref<10112x64xf32, #tpu.memory_space<vmem_shared>>
      tpu.wait_indirect_dma semaphore(%arg15 : memref<!tpu.dma_semaphore, #tpu.memory_space<semaphore_mem>>) src(%dma_wait3A_554 : memref<10112x64xf32, #tpu.memory_space<vmem_shared>>) dst(%arg11 : memref<128x64xf32, #tpu.memory_space<vmem>>)
      %dma_start3A_555 = arith.constant 5 : i32
      %dma_start3A_556 = arith.constant 0 : i32
      %dma_start3A_557 = tpu.memref_slice %arg7[%dma_start3A_555, %dma_start3A_556] : memref<8x128xi32, #tpu.memory_space<vmem>> -> memref<1x128xi32, #tpu.memory_space<vmem>>
      %dma_start3A_558 = tpu.memref_squeeze %dma_start3A_557 : memref<1x128xi32, #tpu.memory_space<vmem>> -> memref<128xi32, #tpu.memory_space<vmem>>
      %dma_start3A_559 = arith.constant 0 : i32
      %dma_start3A_560 = arith.constant 0 : i32
      %dma_start3A_561 = tpu.memref_slice %arg13[%dma_start3A_559, %dma_start3A_560] : memref<10112x64xf32, #tpu.memory_space<vmem_shared>> -> memref<10112x64xf32, #tpu.memory_space<vmem_shared>>
      tpu.enqueue_indirect_dma source(%arg11 : memref<128x64xf32, #tpu.memory_space<vmem>>) target(%dma_start3A_561 : memref<10112x64xf32, #tpu.memory_space<vmem_shared>>) offsets(%dma_start3A_558 : memref<128xi32, #tpu.memory_space<vmem>>) semaphore(%arg17 : memref<!tpu.dma_semaphore, #tpu.memory_space<semaphore_mem>>) {add = true}
      %dma_wait3A_562 = arith.constant 5 : i32
      %dma_wait3A_563 = arith.constant 0 : i32
      %dma_wait3A_564 = tpu.memref_slice %arg7[%dma_wait3A_562, %dma_wait3A_563] : memref<8x128xi32, #tpu.memory_space<vmem>> -> memref<1x128xi32, #tpu.memory_space<vmem>>
      %dma_wait3A_565 = tpu.memref_squeeze %dma_wait3A_564 : memref<1x128xi32, #tpu.memory_space<vmem>> -> memref<128xi32, #tpu.memory_space<vmem>>
      %dma_wait3A_566 = arith.constant 0 : i32
      %dma_wait3A_567 = arith.constant 0 : i32
      %dma_wait3A_568 = tpu.memref_slice %arg13[%dma_wait3A_566, %dma_wait3A_567] : memref<10112x64xf32, #tpu.memory_space<vmem_shared>> -> memref<10112x64xf32, #tpu.memory_space<vmem_shared>>
      tpu.wait_indirect_dma semaphore(%arg17 : memref<!tpu.dma_semaphore, #tpu.memory_space<semaphore_mem>>) src(%arg11 : memref<128x64xf32, #tpu.memory_space<vmem>>) dst(%dma_wait3A_568 : memref<10112x64xf32, #tpu.memory_space<vmem_shared>>)
      %dma_start3A_569 = arith.constant 7 : i32
      %dma_start3A_570 = arith.constant 0 : i32
      %dma_start3A_571 = tpu.memref_slice %arg6[%dma_start3A_569, %dma_start3A_570] : memref<8x128xi32, #tpu.memory_space<vmem>> -> memref<1x128xi32, #tpu.memory_space<vmem>>
      %dma_start3A_572 = tpu.memref_squeeze %dma_start3A_571 : memref<1x128xi32, #tpu.memory_space<vmem>> -> memref<128xi32, #tpu.memory_space<vmem>>
      %dma_start3A_573 = arith.constant 0 : i32
      %dma_start3A_574 = arith.constant 0 : i32
      %dma_start3A_575 = tpu.memref_slice %arg12[%dma_start3A_573, %dma_start3A_574] : memref<10112x64xf32, #tpu.memory_space<vmem_shared>> -> memref<10112x64xf32, #tpu.memory_space<vmem_shared>>
      tpu.enqueue_indirect_dma source(%dma_start3A_575 : memref<10112x64xf32, #tpu.memory_space<vmem_shared>>) target(%arg11 : memref<128x64xf32, #tpu.memory_space<vmem>>) offsets(%dma_start3A_572 : memref<128xi32, #tpu.memory_space<vmem>>) semaphore(%arg15 : memref<!tpu.dma_semaphore, #tpu.memory_space<semaphore_mem>>)
      %dma_wait3A_576 = arith.constant 6 : i32
      %dma_wait3A_577 = arith.constant 0 : i32
      %dma_wait3A_578 = tpu.memref_slice %arg6[%dma_wait3A_576, %dma_wait3A_577] : memref<8x128xi32, #tpu.memory_space<vmem>> -> memref<1x128xi32, #tpu.memory_space<vmem>>
      %dma_wait3A_579 = tpu.memref_squeeze %dma_wait3A_578 : memref<1x128xi32, #tpu.memory_space<vmem>> -> memref<128xi32, #tpu.memory_space<vmem>>
      %dma_wait3A_580 = arith.constant 0 : i32
      %dma_wait3A_581 = arith.constant 0 : i32
      %dma_wait3A_582 = tpu.memref_slice %arg12[%dma_wait3A_580, %dma_wait3A_581] : memref<10112x64xf32, #tpu.memory_space<vmem_shared>> -> memref<10112x64xf32, #tpu.memory_space<vmem_shared>>
      tpu.wait_indirect_dma semaphore(%arg14 : memref<!tpu.dma_semaphore, #tpu.memory_space<semaphore_mem>>) src(%dma_wait3A_582 : memref<10112x64xf32, #tpu.memory_space<vmem_shared>>) dst(%arg10 : memref<128x64xf32, #tpu.memory_space<vmem>>)
      %dma_start3A_583 = arith.constant 6 : i32
      %dma_start3A_584 = arith.constant 0 : i32
      %dma_start3A_585 = tpu.memref_slice %arg7[%dma_start3A_583, %dma_start3A_584] : memref<8x128xi32, #tpu.memory_space<vmem>> -> memref<1x128xi32, #tpu.memory_space<vmem>>
      %dma_start3A_586 = tpu.memref_squeeze %dma_start3A_585 : memref<1x128xi32, #tpu.memory_space<vmem>> -> memref<128xi32, #tpu.memory_space<vmem>>
      %dma_start3A_587 = arith.constant 0 : i32
      %dma_start3A_588 = arith.constant 0 : i32
      %dma_start3A_589 = tpu.memref_slice %arg13[%dma_start3A_587, %dma_start3A_588] : memref<10112x64xf32, #tpu.memory_space<vmem_shared>> -> memref<10112x64xf32, #tpu.memory_space<vmem_shared>>
      tpu.enqueue_indirect_dma source(%arg10 : memref<128x64xf32, #tpu.memory_space<vmem>>) target(%dma_start3A_589 : memref<10112x64xf32, #tpu.memory_space<vmem_shared>>) offsets(%dma_start3A_586 : memref<128xi32, #tpu.memory_space<vmem>>) semaphore(%arg16 : memref<!tpu.dma_semaphore, #tpu.memory_space<semaphore_mem>>) {add = true}
      %dma_wait3A_590 = arith.constant 7 : i32
      %dma_wait3A_591 = arith.constant 0 : i32
      %dma_wait3A_592 = tpu.memref_slice %arg6[%dma_wait3A_590, %dma_wait3A_591] : memref<8x128xi32, #tpu.memory_space<vmem>> -> memref<1x128xi32, #tpu.memory_space<vmem>>
      %dma_wait3A_593 = tpu.memref_squeeze %dma_wait3A_592 : memref<1x128xi32, #tpu.memory_space<vmem>> -> memref<128xi32, #tpu.memory_space<vmem>>
      %dma_wait3A_594 = arith.constant 0 : i32
      %dma_wait3A_595 = arith.constant 0 : i32
      %dma_wait3A_596 = tpu.memref_slice %arg12[%dma_wait3A_594, %dma_wait3A_595] : memref<10112x64xf32, #tpu.memory_space<vmem_shared>> -> memref<10112x64xf32, #tpu.memory_space<vmem_shared>>
      tpu.wait_indirect_dma semaphore(%arg15 : memref<!tpu.dma_semaphore, #tpu.memory_space<semaphore_mem>>) src(%dma_wait3A_596 : memref<10112x64xf32, #tpu.memory_space<vmem_shared>>) dst(%arg11 : memref<128x64xf32, #tpu.memory_space<vmem>>)
      %dma_start3A_597 = arith.constant 7 : i32
      %dma_start3A_598 = arith.constant 0 : i32
      %dma_start3A_599 = tpu.memref_slice %arg7[%dma_start3A_597, %dma_start3A_598] : memref<8x128xi32, #tpu.memory_space<vmem>> -> memref<1x128xi32, #tpu.memory_space<vmem>>
      %dma_start3A_600 = tpu.memref_squeeze %dma_start3A_599 : memref<1x128xi32, #tpu.memory_space<vmem>> -> memref<128xi32, #tpu.memory_space<vmem>>
      %dma_start3A_601 = arith.constant 0 : i32
      %dma_start3A_602 = arith.constant 0 : i32
      %dma_start3A_603 = tpu.memref_slice %arg13[%dma_start3A_601, %dma_start3A_602] : memref<10112x64xf32, #tpu.memory_space<vmem_shared>> -> memref<10112x64xf32, #tpu.memory_space<vmem_shared>>
      tpu.enqueue_indirect_dma source(%arg11 : memref<128x64xf32, #tpu.memory_space<vmem>>) target(%dma_start3A_603 : memref<10112x64xf32, #tpu.memory_space<vmem_shared>>) offsets(%dma_start3A_600 : memref<128xi32, #tpu.memory_space<vmem>>) semaphore(%arg17 : memref<!tpu.dma_semaphore, #tpu.memory_space<semaphore_mem>>) {add = true}
      %dma_wait3A_604 = arith.constant 6 : i32
      %dma_wait3A_605 = arith.constant 0 : i32
      %dma_wait3A_606 = tpu.memref_slice %arg7[%dma_wait3A_604, %dma_wait3A_605] : memref<8x128xi32, #tpu.memory_space<vmem>> -> memref<1x128xi32, #tpu.memory_space<vmem>>
      %dma_wait3A_607 = tpu.memref_squeeze %dma_wait3A_606 : memref<1x128xi32, #tpu.memory_space<vmem>> -> memref<128xi32, #tpu.memory_space<vmem>>
      %dma_wait3A_608 = arith.constant 0 : i32
      %dma_wait3A_609 = arith.constant 0 : i32
      %dma_wait3A_610 = tpu.memref_slice %arg13[%dma_wait3A_608, %dma_wait3A_609] : memref<10112x64xf32, #tpu.memory_space<vmem_shared>> -> memref<10112x64xf32, #tpu.memory_space<vmem_shared>>
      tpu.wait_indirect_dma semaphore(%arg16 : memref<!tpu.dma_semaphore, #tpu.memory_space<semaphore_mem>>) src(%arg10 : memref<128x64xf32, #tpu.memory_space<vmem>>) dst(%dma_wait3A_610 : memref<10112x64xf32, #tpu.memory_space<vmem_shared>>)
      %dma_wait3A_611 = arith.constant 7 : i32
      %dma_wait3A_612 = arith.constant 0 : i32
      %dma_wait3A_613 = tpu.memref_slice %arg7[%dma_wait3A_611, %dma_wait3A_612] : memref<8x128xi32, #tpu.memory_space<vmem>> -> memref<1x128xi32, #tpu.memory_space<vmem>>
      %dma_wait3A_614 = tpu.memref_squeeze %dma_wait3A_613 : memref<1x128xi32, #tpu.memory_space<vmem>> -> memref<128xi32, #tpu.memory_space<vmem>>
      %dma_wait3A_615 = arith.constant 0 : i32
      %dma_wait3A_616 = arith.constant 0 : i32
      %dma_wait3A_617 = tpu.memref_slice %arg13[%dma_wait3A_615, %dma_wait3A_616] : memref<10112x64xf32, #tpu.memory_space<vmem_shared>> -> memref<10112x64xf32, #tpu.memory_space<vmem_shared>>
      tpu.wait_indirect_dma semaphore(%arg17 : memref<!tpu.dma_semaphore, #tpu.memory_space<semaphore_mem>>) src(%arg11 : memref<128x64xf32, #tpu.memory_space<vmem>>) dst(%dma_wait3A_617 : memref<10112x64xf32, #tpu.memory_space<vmem_shared>>)
      %dma_wait3A_618 = arith.constant 0 : i32
      %dma_wait3A_619 = tpu.memref_slice %arg3[%arg1, %mul3A_381, %dma_wait3A_618] : memref<16x160x128xi32, #tpu.memory_space<hbm>> -> memref<1x8x128xi32, #tpu.memory_space<hbm>>
      %dma_wait3A_620 = tpu.memref_squeeze %dma_wait3A_619 : memref<1x8x128xi32, #tpu.memory_space<hbm>> -> memref<8x128xi32, #tpu.memory_space<hbm>>
      %dma_wait3A_621 = arith.constant 0 : i32
      %dma_wait3A_622 = tpu.memref_slice %arg3[%arg1, %mul3A_381, %dma_wait3A_621] : memref<16x160x128xi32, #tpu.memory_space<hbm>> -> memref<1x8x128xi32, #tpu.memory_space<hbm>>
      %dma_wait3A_623 = tpu.memref_squeeze %dma_wait3A_622 : memref<1x8x128xi32, #tpu.memory_space<hbm>> -> memref<8x128xi32, #tpu.memory_space<hbm>>
      tpu.wait_dma2 semaphore(%arg18 : memref<!tpu.dma_semaphore, #tpu.memory_space<semaphore_mem>>) src(%dma_wait3A_623 : memref<8x128xi32, #tpu.memory_space<hbm>>) dst(%arg8 : memref<8x128xi32, #tpu.memory_space<vmem>>)
      %dma_wait3A_624 = arith.constant 0 : i32
      %dma_wait3A_625 = tpu.memref_slice %arg4[%arg1, %mul3A_381, %dma_wait3A_624] : memref<16x160x128xi32, #tpu.memory_space<hbm>> -> memref<1x8x128xi32, #tpu.memory_space<hbm>>
      %dma_wait3A_626 = tpu.memref_squeeze %dma_wait3A_625 : memref<1x8x128xi32, #tpu.memory_space<hbm>> -> memref<8x128xi32, #tpu.memory_space<hbm>>
      %dma_wait3A_627 = arith.constant 0 : i32
      %dma_wait3A_628 = tpu.memref_slice %arg4[%arg1, %mul3A_381, %dma_wait3A_627] : memref<16x160x128xi32, #tpu.memory_space<hbm>> -> memref<1x8x128xi32, #tpu.memory_space<hbm>>
      %dma_wait3A_629 = tpu.memref_squeeze %dma_wait3A_628 : memref<1x8x128xi32, #tpu.memory_space<hbm>> -> memref<8x128xi32, #tpu.memory_space<hbm>>
      tpu.wait_dma2 semaphore(%arg18 : memref<!tpu.dma_semaphore, #tpu.memory_space<semaphore_mem>>) src(%dma_wait3A_629 : memref<8x128xi32, #tpu.memory_space<hbm>>) dst(%arg9 : memref<8x128xi32, #tpu.memory_space<vmem>>)
      %add3A_630 = arith.constant 2 : i32
      %add3A_631 = arith.addi %mul3A_377, %add3A_630 : i32
      %mul3A_632 = arith.constant 8 : i32
      %mul3A_633 = arith.muli %add3A_631, %mul3A_632 : i32
      %min3A = arith.constant 152 : i32
      %min3A_634 = arith.minsi %mul3A_633, %min3A : i32
      %dma_start3A_635 = arith.constant 0 : i32
      %dma_start3A_636 = tpu.memref_slice %arg3[%arg1, %min3A_634, %dma_start3A_635] : memref<16x160x128xi32, #tpu.memory_space<hbm>> -> memref<1x8x128xi32, #tpu.memory_space<hbm>>
      %dma_start3A_637 = tpu.memref_squeeze %dma_start3A_636 : memref<1x8x128xi32, #tpu.memory_space<hbm>> -> memref<8x128xi32, #tpu.memory_space<hbm>>
      %dma_start3A_638 = arith.constant 0 : i32
      %dma_start3A_639 = tpu.memref_slice %arg3[%arg1, %min3A_634, %dma_start3A_638] : memref<16x160x128xi32, #tpu.memory_space<hbm>> -> memref<1x8x128xi32, #tpu.memory_space<hbm>>
      %dma_start3A_640 = tpu.memref_squeeze %dma_start3A_639 : memref<1x8x128xi32, #tpu.memory_space<hbm>> -> memref<8x128xi32, #tpu.memory_space<hbm>>
      tpu.enqueue_dma source(%dma_start3A_640 : memref<8x128xi32, #tpu.memory_space<hbm>>) target(%arg6 : memref<8x128xi32, #tpu.memory_space<vmem>>) target_semaphore(%arg18 : memref<!tpu.dma_semaphore, #tpu.memory_space<semaphore_mem>>)
      %dma_start3A_641 = arith.constant 0 : i32
      %dma_start3A_642 = tpu.memref_slice %arg4[%arg1, %min3A_634, %dma_start3A_641] : memref<16x160x128xi32, #tpu.memory_space<hbm>> -> memref<1x8x128xi32, #tpu.memory_space<hbm>>
      %dma_start3A_643 = tpu.memref_squeeze %dma_start3A_642 : memref<1x8x128xi32, #tpu.memory_space<hbm>> -> memref<8x128xi32, #tpu.memory_space<hbm>>
      %dma_start3A_644 = arith.constant 0 : i32
      %dma_start3A_645 = tpu.memref_slice %arg4[%arg1, %min3A_634, %dma_start3A_644] : memref<16x160x128xi32, #tpu.memory_space<hbm>> -> memref<1x8x128xi32, #tpu.memory_space<hbm>>
      %dma_start3A_646 = tpu.memref_squeeze %dma_start3A_645 : memref<1x8x128xi32, #tpu.memory_space<hbm>> -> memref<8x128xi32, #tpu.memory_space<hbm>>
      tpu.enqueue_dma source(%dma_start3A_646 : memref<8x128xi32, #tpu.memory_space<hbm>>) target(%arg7 : memref<8x128xi32, #tpu.memory_space<vmem>>) target_semaphore(%arg18 : memref<!tpu.dma_semaphore, #tpu.memory_space<semaphore_mem>>)
      %dma_start3A_647 = arith.constant 0 : i32
      %dma_start3A_648 = arith.constant 0 : i32
      %dma_start3A_649 = tpu.memref_slice %arg8[%dma_start3A_647, %dma_start3A_648] : memref<8x128xi32, #tpu.memory_space<vmem>> -> memref<1x128xi32, #tpu.memory_space<vmem>>
      %dma_start3A_650 = tpu.memref_squeeze %dma_start3A_649 : memref<1x128xi32, #tpu.memory_space<vmem>> -> memref<128xi32, #tpu.memory_space<vmem>>
      %dma_start3A_651 = arith.constant 0 : i32
      %dma_start3A_652 = arith.constant 0 : i32
      %dma_start3A_653 = tpu.memref_slice %arg12[%dma_start3A_651, %dma_start3A_652] : memref<10112x64xf32, #tpu.memory_space<vmem_shared>> -> memref<10112x64xf32, #tpu.memory_space<vmem_shared>>
      tpu.enqueue_indirect_dma source(%dma_start3A_653 : memref<10112x64xf32, #tpu.memory_space<vmem_shared>>) target(%arg10 : memref<128x64xf32, #tpu.memory_space<vmem>>) offsets(%dma_start3A_650 : memref<128xi32, #tpu.memory_space<vmem>>) semaphore(%arg14 : memref<!tpu.dma_semaphore, #tpu.memory_space<semaphore_mem>>)
      %dma_start3A_654 = arith.constant 1 : i32
      %dma_start3A_655 = arith.constant 0 : i32
      %dma_start3A_656 = tpu.memref_slice %arg8[%dma_start3A_654, %dma_start3A_655] : memref<8x128xi32, #tpu.memory_space<vmem>> -> memref<1x128xi32, #tpu.memory_space<vmem>>
      %dma_start3A_657 = tpu.memref_squeeze %dma_start3A_656 : memref<1x128xi32, #tpu.memory_space<vmem>> -> memref<128xi32, #tpu.memory_space<vmem>>
      %dma_start3A_658 = arith.constant 0 : i32
      %dma_start3A_659 = arith.constant 0 : i32
      %dma_start3A_660 = tpu.memref_slice %arg12[%dma_start3A_658, %dma_start3A_659] : memref<10112x64xf32, #tpu.memory_space<vmem_shared>> -> memref<10112x64xf32, #tpu.memory_space<vmem_shared>>
      tpu.enqueue_indirect_dma source(%dma_start3A_660 : memref<10112x64xf32, #tpu.memory_space<vmem_shared>>) target(%arg11 : memref<128x64xf32, #tpu.memory_space<vmem>>) offsets(%dma_start3A_657 : memref<128xi32, #tpu.memory_space<vmem>>) semaphore(%arg15 : memref<!tpu.dma_semaphore, #tpu.memory_space<semaphore_mem>>)
      %dma_wait3A_661 = arith.constant 0 : i32
      %dma_wait3A_662 = arith.constant 0 : i32
      %dma_wait3A_663 = tpu.memref_slice %arg8[%dma_wait3A_661, %dma_wait3A_662] : memref<8x128xi32, #tpu.memory_space<vmem>> -> memref<1x128xi32, #tpu.memory_space<vmem>>
      %dma_wait3A_664 = tpu.memref_squeeze %dma_wait3A_663 : memref<1x128xi32, #tpu.memory_space<vmem>> -> memref<128xi32, #tpu.memory_space<vmem>>
      %dma_wait3A_665 = arith.constant 0 : i32
      %dma_wait3A_666 = arith.constant 0 : i32
      %dma_wait3A_667 = tpu.memref_slice %arg12[%dma_wait3A_665, %dma_wait3A_666] : memref<10112x64xf32, #tpu.memory_space<vmem_shared>> -> memref<10112x64xf32, #tpu.memory_space<vmem_shared>>
      tpu.wait_indirect_dma semaphore(%arg14 : memref<!tpu.dma_semaphore, #tpu.memory_space<semaphore_mem>>) src(%dma_wait3A_667 : memref<10112x64xf32, #tpu.memory_space<vmem_shared>>) dst(%arg10 : memref<128x64xf32, #tpu.memory_space<vmem>>)
      %dma_start3A_668 = arith.constant 0 : i32
      %dma_start3A_669 = arith.constant 0 : i32
      %dma_start3A_670 = tpu.memref_slice %arg9[%dma_start3A_668, %dma_start3A_669] : memref<8x128xi32, #tpu.memory_space<vmem>> -> memref<1x128xi32, #tpu.memory_space<vmem>>
      %dma_start3A_671 = tpu.memref_squeeze %dma_start3A_670 : memref<1x128xi32, #tpu.memory_space<vmem>> -> memref<128xi32, #tpu.memory_space<vmem>>
      %dma_start3A_672 = arith.constant 0 : i32
      %dma_start3A_673 = arith.constant 0 : i32
      %dma_start3A_674 = tpu.memref_slice %arg13[%dma_start3A_672, %dma_start3A_673] : memref<10112x64xf32, #tpu.memory_space<vmem_shared>> -> memref<10112x64xf32, #tpu.memory_space<vmem_shared>>
      tpu.enqueue_indirect_dma source(%arg10 : memref<128x64xf32, #tpu.memory_space<vmem>>) target(%dma_start3A_674 : memref<10112x64xf32, #tpu.memory_space<vmem_shared>>) offsets(%dma_start3A_671 : memref<128xi32, #tpu.memory_space<vmem>>) semaphore(%arg16 : memref<!tpu.dma_semaphore, #tpu.memory_space<semaphore_mem>>) {add = true}
      %dma_wait3A_675 = arith.constant 0 : i32
      %dma_wait3A_676 = arith.constant 0 : i32
      %dma_wait3A_677 = tpu.memref_slice %arg9[%dma_wait3A_675, %dma_wait3A_676] : memref<8x128xi32, #tpu.memory_space<vmem>> -> memref<1x128xi32, #tpu.memory_space<vmem>>
      %dma_wait3A_678 = tpu.memref_squeeze %dma_wait3A_677 : memref<1x128xi32, #tpu.memory_space<vmem>> -> memref<128xi32, #tpu.memory_space<vmem>>
      %dma_wait3A_679 = arith.constant 0 : i32
      %dma_wait3A_680 = arith.constant 0 : i32
      %dma_wait3A_681 = tpu.memref_slice %arg13[%dma_wait3A_679, %dma_wait3A_680] : memref<10112x64xf32, #tpu.memory_space<vmem_shared>> -> memref<10112x64xf32, #tpu.memory_space<vmem_shared>>
      tpu.wait_indirect_dma semaphore(%arg16 : memref<!tpu.dma_semaphore, #tpu.memory_space<semaphore_mem>>) src(%arg10 : memref<128x64xf32, #tpu.memory_space<vmem>>) dst(%dma_wait3A_681 : memref<10112x64xf32, #tpu.memory_space<vmem_shared>>)
      %dma_start3A_682 = arith.constant 2 : i32
      %dma_start3A_683 = arith.constant 0 : i32
      %dma_start3A_684 = tpu.memref_slice %arg8[%dma_start3A_682, %dma_start3A_683] : memref<8x128xi32, #tpu.memory_space<vmem>> -> memref<1x128xi32, #tpu.memory_space<vmem>>
      %dma_start3A_685 = tpu.memref_squeeze %dma_start3A_684 : memref<1x128xi32, #tpu.memory_space<vmem>> -> memref<128xi32, #tpu.memory_space<vmem>>
      %dma_start3A_686 = arith.constant 0 : i32
      %dma_start3A_687 = arith.constant 0 : i32
      %dma_start3A_688 = tpu.memref_slice %arg12[%dma_start3A_686, %dma_start3A_687] : memref<10112x64xf32, #tpu.memory_space<vmem_shared>> -> memref<10112x64xf32, #tpu.memory_space<vmem_shared>>
      tpu.enqueue_indirect_dma source(%dma_start3A_688 : memref<10112x64xf32, #tpu.memory_space<vmem_shared>>) target(%arg10 : memref<128x64xf32, #tpu.memory_space<vmem>>) offsets(%dma_start3A_685 : memref<128xi32, #tpu.memory_space<vmem>>) semaphore(%arg14 : memref<!tpu.dma_semaphore, #tpu.memory_space<semaphore_mem>>)
      %dma_wait3A_689 = arith.constant 1 : i32
      %dma_wait3A_690 = arith.constant 0 : i32
      %dma_wait3A_691 = tpu.memref_slice %arg8[%dma_wait3A_689, %dma_wait3A_690] : memref<8x128xi32, #tpu.memory_space<vmem>> -> memref<1x128xi32, #tpu.memory_space<vmem>>
      %dma_wait3A_692 = tpu.memref_squeeze %dma_wait3A_691 : memref<1x128xi32, #tpu.memory_space<vmem>> -> memref<128xi32, #tpu.memory_space<vmem>>
      %dma_wait3A_693 = arith.constant 0 : i32
      %dma_wait3A_694 = arith.constant 0 : i32
      %dma_wait3A_695 = tpu.memref_slice %arg12[%dma_wait3A_693, %dma_wait3A_694] : memref<10112x64xf32, #tpu.memory_space<vmem_shared>> -> memref<10112x64xf32, #tpu.memory_space<vmem_shared>>
      tpu.wait_indirect_dma semaphore(%arg15 : memref<!tpu.dma_semaphore, #tpu.memory_space<semaphore_mem>>) src(%dma_wait3A_695 : memref<10112x64xf32, #tpu.memory_space<vmem_shared>>) dst(%arg11 : memref<128x64xf32, #tpu.memory_space<vmem>>)
      %dma_start3A_696 = arith.constant 1 : i32
      %dma_start3A_697 = arith.constant 0 : i32
      %dma_start3A_698 = tpu.memref_slice %arg9[%dma_start3A_696, %dma_start3A_697] : memref<8x128xi32, #tpu.memory_space<vmem>> -> memref<1x128xi32, #tpu.memory_space<vmem>>
      %dma_start3A_699 = tpu.memref_squeeze %dma_start3A_698 : memref<1x128xi32, #tpu.memory_space<vmem>> -> memref<128xi32, #tpu.memory_space<vmem>>
      %dma_start3A_700 = arith.constant 0 : i32
      %dma_start3A_701 = arith.constant 0 : i32
      %dma_start3A_702 = tpu.memref_slice %arg13[%dma_start3A_700, %dma_start3A_701] : memref<10112x64xf32, #tpu.memory_space<vmem_shared>> -> memref<10112x64xf32, #tpu.memory_space<vmem_shared>>
      tpu.enqueue_indirect_dma source(%arg11 : memref<128x64xf32, #tpu.memory_space<vmem>>) target(%dma_start3A_702 : memref<10112x64xf32, #tpu.memory_space<vmem_shared>>) offsets(%dma_start3A_699 : memref<128xi32, #tpu.memory_space<vmem>>) semaphore(%arg17 : memref<!tpu.dma_semaphore, #tpu.memory_space<semaphore_mem>>) {add = true}
      %dma_wait3A_703 = arith.constant 1 : i32
      %dma_wait3A_704 = arith.constant 0 : i32
      %dma_wait3A_705 = tpu.memref_slice %arg9[%dma_wait3A_703, %dma_wait3A_704] : memref<8x128xi32, #tpu.memory_space<vmem>> -> memref<1x128xi32, #tpu.memory_space<vmem>>
      %dma_wait3A_706 = tpu.memref_squeeze %dma_wait3A_705 : memref<1x128xi32, #tpu.memory_space<vmem>> -> memref<128xi32, #tpu.memory_space<vmem>>
      %dma_wait3A_707 = arith.constant 0 : i32
      %dma_wait3A_708 = arith.constant 0 : i32
      %dma_wait3A_709 = tpu.memref_slice %arg13[%dma_wait3A_707, %dma_wait3A_708] : memref<10112x64xf32, #tpu.memory_space<vmem_shared>> -> memref<10112x64xf32, #tpu.memory_space<vmem_shared>>
      tpu.wait_indirect_dma semaphore(%arg17 : memref<!tpu.dma_semaphore, #tpu.memory_space<semaphore_mem>>) src(%arg11 : memref<128x64xf32, #tpu.memory_space<vmem>>) dst(%dma_wait3A_709 : memref<10112x64xf32, #tpu.memory_space<vmem_shared>>)
      %dma_start3A_710 = arith.constant 3 : i32
      %dma_start3A_711 = arith.constant 0 : i32
      %dma_start3A_712 = tpu.memref_slice %arg8[%dma_start3A_710, %dma_start3A_711] : memref<8x128xi32, #tpu.memory_space<vmem>> -> memref<1x128xi32, #tpu.memory_space<vmem>>
      %dma_start3A_713 = tpu.memref_squeeze %dma_start3A_712 : memref<1x128xi32, #tpu.memory_space<vmem>> -> memref<128xi32, #tpu.memory_space<vmem>>
      %dma_start3A_714 = arith.constant 0 : i32
      %dma_start3A_715 = arith.constant 0 : i32
      %dma_start3A_716 = tpu.memref_slice %arg12[%dma_start3A_714, %dma_start3A_715] : memref<10112x64xf32, #tpu.memory_space<vmem_shared>> -> memref<10112x64xf32, #tpu.memory_space<vmem_shared>>
      tpu.enqueue_indirect_dma source(%dma_start3A_716 : memref<10112x64xf32, #tpu.memory_space<vmem_shared>>) target(%arg11 : memref<128x64xf32, #tpu.memory_space<vmem>>) offsets(%dma_start3A_713 : memref<128xi32, #tpu.memory_space<vmem>>) semaphore(%arg15 : memref<!tpu.dma_semaphore, #tpu.memory_space<semaphore_mem>>)
      %dma_wait3A_717 = arith.constant 2 : i32
      %dma_wait3A_718 = arith.constant 0 : i32
      %dma_wait3A_719 = tpu.memref_slice %arg8[%dma_wait3A_717, %dma_wait3A_718] : memref<8x128xi32, #tpu.memory_space<vmem>> -> memref<1x128xi32, #tpu.memory_space<vmem>>
      %dma_wait3A_720 = tpu.memref_squeeze %dma_wait3A_719 : memref<1x128xi32, #tpu.memory_space<vmem>> -> memref<128xi32, #tpu.memory_space<vmem>>
      %dma_wait3A_721 = arith.constant 0 : i32
      %dma_wait3A_722 = arith.constant 0 : i32
      %dma_wait3A_723 = tpu.memref_slice %arg12[%dma_wait3A_721, %dma_wait3A_722] : memref<10112x64xf32, #tpu.memory_space<vmem_shared>> -> memref<10112x64xf32, #tpu.memory_space<vmem_shared>>
      tpu.wait_indirect_dma semaphore(%arg14 : memref<!tpu.dma_semaphore, #tpu.memory_space<semaphore_mem>>) src(%dma_wait3A_723 : memref<10112x64xf32, #tpu.memory_space<vmem_shared>>) dst(%arg10 : memref<128x64xf32, #tpu.memory_space<vmem>>)
      %dma_start3A_724 = arith.constant 2 : i32
      %dma_start3A_725 = arith.constant 0 : i32
      %dma_start3A_726 = tpu.memref_slice %arg9[%dma_start3A_724, %dma_start3A_725] : memref<8x128xi32, #tpu.memory_space<vmem>> -> memref<1x128xi32, #tpu.memory_space<vmem>>
      %dma_start3A_727 = tpu.memref_squeeze %dma_start3A_726 : memref<1x128xi32, #tpu.memory_space<vmem>> -> memref<128xi32, #tpu.memory_space<vmem>>
      %dma_start3A_728 = arith.constant 0 : i32
      %dma_start3A_729 = arith.constant 0 : i32
      %dma_start3A_730 = tpu.memref_slice %arg13[%dma_start3A_728, %dma_start3A_729] : memref<10112x64xf32, #tpu.memory_space<vmem_shared>> -> memref<10112x64xf32, #tpu.memory_space<vmem_shared>>
      tpu.enqueue_indirect_dma source(%arg10 : memref<128x64xf32, #tpu.memory_space<vmem>>) target(%dma_start3A_730 : memref<10112x64xf32, #tpu.memory_space<vmem_shared>>) offsets(%dma_start3A_727 : memref<128xi32, #tpu.memory_space<vmem>>) semaphore(%arg16 : memref<!tpu.dma_semaphore, #tpu.memory_space<semaphore_mem>>) {add = true}
      %dma_wait3A_731 = arith.constant 2 : i32
      %dma_wait3A_732 = arith.constant 0 : i32
      %dma_wait3A_733 = tpu.memref_slice %arg9[%dma_wait3A_731, %dma_wait3A_732] : memref<8x128xi32, #tpu.memory_space<vmem>> -> memref<1x128xi32, #tpu.memory_space<vmem>>
      %dma_wait3A_734 = tpu.memref_squeeze %dma_wait3A_733 : memref<1x128xi32, #tpu.memory_space<vmem>> -> memref<128xi32, #tpu.memory_space<vmem>>
      %dma_wait3A_735 = arith.constant 0 : i32
      %dma_wait3A_736 = arith.constant 0 : i32
      %dma_wait3A_737 = tpu.memref_slice %arg13[%dma_wait3A_735, %dma_wait3A_736] : memref<10112x64xf32, #tpu.memory_space<vmem_shared>> -> memref<10112x64xf32, #tpu.memory_space<vmem_shared>>
      tpu.wait_indirect_dma semaphore(%arg16 : memref<!tpu.dma_semaphore, #tpu.memory_space<semaphore_mem>>) src(%arg10 : memref<128x64xf32, #tpu.memory_space<vmem>>) dst(%dma_wait3A_737 : memref<10112x64xf32, #tpu.memory_space<vmem_shared>>)
      %dma_start3A_738 = arith.constant 4 : i32
      %dma_start3A_739 = arith.constant 0 : i32
      %dma_start3A_740 = tpu.memref_slice %arg8[%dma_start3A_738, %dma_start3A_739] : memref<8x128xi32, #tpu.memory_space<vmem>> -> memref<1x128xi32, #tpu.memory_space<vmem>>
      %dma_start3A_741 = tpu.memref_squeeze %dma_start3A_740 : memref<1x128xi32, #tpu.memory_space<vmem>> -> memref<128xi32, #tpu.memory_space<vmem>>
      %dma_start3A_742 = arith.constant 0 : i32
      %dma_start3A_743 = arith.constant 0 : i32
      %dma_start3A_744 = tpu.memref_slice %arg12[%dma_start3A_742, %dma_start3A_743] : memref<10112x64xf32, #tpu.memory_space<vmem_shared>> -> memref<10112x64xf32, #tpu.memory_space<vmem_shared>>
      tpu.enqueue_indirect_dma source(%dma_start3A_744 : memref<10112x64xf32, #tpu.memory_space<vmem_shared>>) target(%arg10 : memref<128x64xf32, #tpu.memory_space<vmem>>) offsets(%dma_start3A_741 : memref<128xi32, #tpu.memory_space<vmem>>) semaphore(%arg14 : memref<!tpu.dma_semaphore, #tpu.memory_space<semaphore_mem>>)
      %dma_wait3A_745 = arith.constant 3 : i32
      %dma_wait3A_746 = arith.constant 0 : i32
      %dma_wait3A_747 = tpu.memref_slice %arg8[%dma_wait3A_745, %dma_wait3A_746] : memref<8x128xi32, #tpu.memory_space<vmem>> -> memref<1x128xi32, #tpu.memory_space<vmem>>
      %dma_wait3A_748 = tpu.memref_squeeze %dma_wait3A_747 : memref<1x128xi32, #tpu.memory_space<vmem>> -> memref<128xi32, #tpu.memory_space<vmem>>
      %dma_wait3A_749 = arith.constant 0 : i32
      %dma_wait3A_750 = arith.constant 0 : i32
      %dma_wait3A_751 = tpu.memref_slice %arg12[%dma_wait3A_749, %dma_wait3A_750] : memref<10112x64xf32, #tpu.memory_space<vmem_shared>> -> memref<10112x64xf32, #tpu.memory_space<vmem_shared>>
      tpu.wait_indirect_dma semaphore(%arg15 : memref<!tpu.dma_semaphore, #tpu.memory_space<semaphore_mem>>) src(%dma_wait3A_751 : memref<10112x64xf32, #tpu.memory_space<vmem_shared>>) dst(%arg11 : memref<128x64xf32, #tpu.memory_space<vmem>>)
      %dma_start3A_752 = arith.constant 3 : i32
      %dma_start3A_753 = arith.constant 0 : i32
      %dma_start3A_754 = tpu.memref_slice %arg9[%dma_start3A_752, %dma_start3A_753] : memref<8x128xi32, #tpu.memory_space<vmem>> -> memref<1x128xi32, #tpu.memory_space<vmem>>
      %dma_start3A_755 = tpu.memref_squeeze %dma_start3A_754 : memref<1x128xi32, #tpu.memory_space<vmem>> -> memref<128xi32, #tpu.memory_space<vmem>>
      %dma_start3A_756 = arith.constant 0 : i32
      %dma_start3A_757 = arith.constant 0 : i32
      %dma_start3A_758 = tpu.memref_slice %arg13[%dma_start3A_756, %dma_start3A_757] : memref<10112x64xf32, #tpu.memory_space<vmem_shared>> -> memref<10112x64xf32, #tpu.memory_space<vmem_shared>>
      tpu.enqueue_indirect_dma source(%arg11 : memref<128x64xf32, #tpu.memory_space<vmem>>) target(%dma_start3A_758 : memref<10112x64xf32, #tpu.memory_space<vmem_shared>>) offsets(%dma_start3A_755 : memref<128xi32, #tpu.memory_space<vmem>>) semaphore(%arg17 : memref<!tpu.dma_semaphore, #tpu.memory_space<semaphore_mem>>) {add = true}
      %dma_wait3A_759 = arith.constant 3 : i32
      %dma_wait3A_760 = arith.constant 0 : i32
      %dma_wait3A_761 = tpu.memref_slice %arg9[%dma_wait3A_759, %dma_wait3A_760] : memref<8x128xi32, #tpu.memory_space<vmem>> -> memref<1x128xi32, #tpu.memory_space<vmem>>
      %dma_wait3A_762 = tpu.memref_squeeze %dma_wait3A_761 : memref<1x128xi32, #tpu.memory_space<vmem>> -> memref<128xi32, #tpu.memory_space<vmem>>
      %dma_wait3A_763 = arith.constant 0 : i32
      %dma_wait3A_764 = arith.constant 0 : i32
      %dma_wait3A_765 = tpu.memref_slice %arg13[%dma_wait3A_763, %dma_wait3A_764] : memref<10112x64xf32, #tpu.memory_space<vmem_shared>> -> memref<10112x64xf32, #tpu.memory_space<vmem_shared>>
      tpu.wait_indirect_dma semaphore(%arg17 : memref<!tpu.dma_semaphore, #tpu.memory_space<semaphore_mem>>) src(%arg11 : memref<128x64xf32, #tpu.memory_space<vmem>>) dst(%dma_wait3A_765 : memref<10112x64xf32, #tpu.memory_space<vmem_shared>>)
      %dma_start3A_766 = arith.constant 5 : i32
      %dma_start3A_767 = arith.constant 0 : i32
      %dma_start3A_768 = tpu.memref_slice %arg8[%dma_start3A_766, %dma_start3A_767] : memref<8x128xi32, #tpu.memory_space<vmem>> -> memref<1x128xi32, #tpu.memory_space<vmem>>
      %dma_start3A_769 = tpu.memref_squeeze %dma_start3A_768 : memref<1x128xi32, #tpu.memory_space<vmem>> -> memref<128xi32, #tpu.memory_space<vmem>>
      %dma_start3A_770 = arith.constant 0 : i32
      %dma_start3A_771 = arith.constant 0 : i32
      %dma_start3A_772 = tpu.memref_slice %arg12[%dma_start3A_770, %dma_start3A_771] : memref<10112x64xf32, #tpu.memory_space<vmem_shared>> -> memref<10112x64xf32, #tpu.memory_space<vmem_shared>>
      tpu.enqueue_indirect_dma source(%dma_start3A_772 : memref<10112x64xf32, #tpu.memory_space<vmem_shared>>) target(%arg11 : memref<128x64xf32, #tpu.memory_space<vmem>>) offsets(%dma_start3A_769 : memref<128xi32, #tpu.memory_space<vmem>>) semaphore(%arg15 : memref<!tpu.dma_semaphore, #tpu.memory_space<semaphore_mem>>)
      %dma_wait3A_773 = arith.constant 4 : i32
      %dma_wait3A_774 = arith.constant 0 : i32
      %dma_wait3A_775 = tpu.memref_slice %arg8[%dma_wait3A_773, %dma_wait3A_774] : memref<8x128xi32, #tpu.memory_space<vmem>> -> memref<1x128xi32, #tpu.memory_space<vmem>>
      %dma_wait3A_776 = tpu.memref_squeeze %dma_wait3A_775 : memref<1x128xi32, #tpu.memory_space<vmem>> -> memref<128xi32, #tpu.memory_space<vmem>>
      %dma_wait3A_777 = arith.constant 0 : i32
      %dma_wait3A_778 = arith.constant 0 : i32
      %dma_wait3A_779 = tpu.memref_slice %arg12[%dma_wait3A_777, %dma_wait3A_778] : memref<10112x64xf32, #tpu.memory_space<vmem_shared>> -> memref<10112x64xf32, #tpu.memory_space<vmem_shared>>
      tpu.wait_indirect_dma semaphore(%arg14 : memref<!tpu.dma_semaphore, #tpu.memory_space<semaphore_mem>>) src(%dma_wait3A_779 : memref<10112x64xf32, #tpu.memory_space<vmem_shared>>) dst(%arg10 : memref<128x64xf32, #tpu.memory_space<vmem>>)
      %dma_start3A_780 = arith.constant 4 : i32
      %dma_start3A_781 = arith.constant 0 : i32
      %dma_start3A_782 = tpu.memref_slice %arg9[%dma_start3A_780, %dma_start3A_781] : memref<8x128xi32, #tpu.memory_space<vmem>> -> memref<1x128xi32, #tpu.memory_space<vmem>>
      %dma_start3A_783 = tpu.memref_squeeze %dma_start3A_782 : memref<1x128xi32, #tpu.memory_space<vmem>> -> memref<128xi32, #tpu.memory_space<vmem>>
      %dma_start3A_784 = arith.constant 0 : i32
      %dma_start3A_785 = arith.constant 0 : i32
      %dma_start3A_786 = tpu.memref_slice %arg13[%dma_start3A_784, %dma_start3A_785] : memref<10112x64xf32, #tpu.memory_space<vmem_shared>> -> memref<10112x64xf32, #tpu.memory_space<vmem_shared>>
      tpu.enqueue_indirect_dma source(%arg10 : memref<128x64xf32, #tpu.memory_space<vmem>>) target(%dma_start3A_786 : memref<10112x64xf32, #tpu.memory_space<vmem_shared>>) offsets(%dma_start3A_783 : memref<128xi32, #tpu.memory_space<vmem>>) semaphore(%arg16 : memref<!tpu.dma_semaphore, #tpu.memory_space<semaphore_mem>>) {add = true}
      %dma_wait3A_787 = arith.constant 4 : i32
      %dma_wait3A_788 = arith.constant 0 : i32
      %dma_wait3A_789 = tpu.memref_slice %arg9[%dma_wait3A_787, %dma_wait3A_788] : memref<8x128xi32, #tpu.memory_space<vmem>> -> memref<1x128xi32, #tpu.memory_space<vmem>>
      %dma_wait3A_790 = tpu.memref_squeeze %dma_wait3A_789 : memref<1x128xi32, #tpu.memory_space<vmem>> -> memref<128xi32, #tpu.memory_space<vmem>>
      %dma_wait3A_791 = arith.constant 0 : i32
      %dma_wait3A_792 = arith.constant 0 : i32
      %dma_wait3A_793 = tpu.memref_slice %arg13[%dma_wait3A_791, %dma_wait3A_792] : memref<10112x64xf32, #tpu.memory_space<vmem_shared>> -> memref<10112x64xf32, #tpu.memory_space<vmem_shared>>
      tpu.wait_indirect_dma semaphore(%arg16 : memref<!tpu.dma_semaphore, #tpu.memory_space<semaphore_mem>>) src(%arg10 : memref<128x64xf32, #tpu.memory_space<vmem>>) dst(%dma_wait3A_793 : memref<10112x64xf32, #tpu.memory_space<vmem_shared>>)
      %dma_start3A_794 = arith.constant 6 : i32
      %dma_start3A_795 = arith.constant 0 : i32
      %dma_start3A_796 = tpu.memref_slice %arg8[%dma_start3A_794, %dma_start3A_795] : memref<8x128xi32, #tpu.memory_space<vmem>> -> memref<1x128xi32, #tpu.memory_space<vmem>>
      %dma_start3A_797 = tpu.memref_squeeze %dma_start3A_796 : memref<1x128xi32, #tpu.memory_space<vmem>> -> memref<128xi32, #tpu.memory_space<vmem>>
      %dma_start3A_798 = arith.constant 0 : i32
      %dma_start3A_799 = arith.constant 0 : i32
      %dma_start3A_800 = tpu.memref_slice %arg12[%dma_start3A_798, %dma_start3A_799] : memref<10112x64xf32, #tpu.memory_space<vmem_shared>> -> memref<10112x64xf32, #tpu.memory_space<vmem_shared>>
      tpu.enqueue_indirect_dma source(%dma_start3A_800 : memref<10112x64xf32, #tpu.memory_space<vmem_shared>>) target(%arg10 : memref<128x64xf32, #tpu.memory_space<vmem>>) offsets(%dma_start3A_797 : memref<128xi32, #tpu.memory_space<vmem>>) semaphore(%arg14 : memref<!tpu.dma_semaphore, #tpu.memory_space<semaphore_mem>>)
      %dma_wait3A_801 = arith.constant 5 : i32
      %dma_wait3A_802 = arith.constant 0 : i32
      %dma_wait3A_803 = tpu.memref_slice %arg8[%dma_wait3A_801, %dma_wait3A_802] : memref<8x128xi32, #tpu.memory_space<vmem>> -> memref<1x128xi32, #tpu.memory_space<vmem>>
      %dma_wait3A_804 = tpu.memref_squeeze %dma_wait3A_803 : memref<1x128xi32, #tpu.memory_space<vmem>> -> memref<128xi32, #tpu.memory_space<vmem>>
      %dma_wait3A_805 = arith.constant 0 : i32
      %dma_wait3A_806 = arith.constant 0 : i32
      %dma_wait3A_807 = tpu.memref_slice %arg12[%dma_wait3A_805, %dma_wait3A_806] : memref<10112x64xf32, #tpu.memory_space<vmem_shared>> -> memref<10112x64xf32, #tpu.memory_space<vmem_shared>>
      tpu.wait_indirect_dma semaphore(%arg15 : memref<!tpu.dma_semaphore, #tpu.memory_space<semaphore_mem>>) src(%dma_wait3A_807 : memref<10112x64xf32, #tpu.memory_space<vmem_shared>>) dst(%arg11 : memref<128x64xf32, #tpu.memory_space<vmem>>)
      %dma_start3A_808 = arith.constant 5 : i32
      %dma_start3A_809 = arith.constant 0 : i32
      %dma_start3A_810 = tpu.memref_slice %arg9[%dma_start3A_808, %dma_start3A_809] : memref<8x128xi32, #tpu.memory_space<vmem>> -> memref<1x128xi32, #tpu.memory_space<vmem>>
      %dma_start3A_811 = tpu.memref_squeeze %dma_start3A_810 : memref<1x128xi32, #tpu.memory_space<vmem>> -> memref<128xi32, #tpu.memory_space<vmem>>
      %dma_start3A_812 = arith.constant 0 : i32
      %dma_start3A_813 = arith.constant 0 : i32
      %dma_start3A_814 = tpu.memref_slice %arg13[%dma_start3A_812, %dma_start3A_813] : memref<10112x64xf32, #tpu.memory_space<vmem_shared>> -> memref<10112x64xf32, #tpu.memory_space<vmem_shared>>
      tpu.enqueue_indirect_dma source(%arg11 : memref<128x64xf32, #tpu.memory_space<vmem>>) target(%dma_start3A_814 : memref<10112x64xf32, #tpu.memory_space<vmem_shared>>) offsets(%dma_start3A_811 : memref<128xi32, #tpu.memory_space<vmem>>) semaphore(%arg17 : memref<!tpu.dma_semaphore, #tpu.memory_space<semaphore_mem>>) {add = true}
      %dma_wait3A_815 = arith.constant 5 : i32
      %dma_wait3A_816 = arith.constant 0 : i32
      %dma_wait3A_817 = tpu.memref_slice %arg9[%dma_wait3A_815, %dma_wait3A_816] : memref<8x128xi32, #tpu.memory_space<vmem>> -> memref<1x128xi32, #tpu.memory_space<vmem>>
      %dma_wait3A_818 = tpu.memref_squeeze %dma_wait3A_817 : memref<1x128xi32, #tpu.memory_space<vmem>> -> memref<128xi32, #tpu.memory_space<vmem>>
      %dma_wait3A_819 = arith.constant 0 : i32
      %dma_wait3A_820 = arith.constant 0 : i32
      %dma_wait3A_821 = tpu.memref_slice %arg13[%dma_wait3A_819, %dma_wait3A_820] : memref<10112x64xf32, #tpu.memory_space<vmem_shared>> -> memref<10112x64xf32, #tpu.memory_space<vmem_shared>>
      tpu.wait_indirect_dma semaphore(%arg17 : memref<!tpu.dma_semaphore, #tpu.memory_space<semaphore_mem>>) src(%arg11 : memref<128x64xf32, #tpu.memory_space<vmem>>) dst(%dma_wait3A_821 : memref<10112x64xf32, #tpu.memory_space<vmem_shared>>)
      %dma_start3A_822 = arith.constant 7 : i32
      %dma_start3A_823 = arith.constant 0 : i32
      %dma_start3A_824 = tpu.memref_slice %arg8[%dma_start3A_822, %dma_start3A_823] : memref<8x128xi32, #tpu.memory_space<vmem>> -> memref<1x128xi32, #tpu.memory_space<vmem>>
      %dma_start3A_825 = tpu.memref_squeeze %dma_start3A_824 : memref<1x128xi32, #tpu.memory_space<vmem>> -> memref<128xi32, #tpu.memory_space<vmem>>
      %dma_start3A_826 = arith.constant 0 : i32
      %dma_start3A_827 = arith.constant 0 : i32
      %dma_start3A_828 = tpu.memref_slice %arg12[%dma_start3A_826, %dma_start3A_827] : memref<10112x64xf32, #tpu.memory_space<vmem_shared>> -> memref<10112x64xf32, #tpu.memory_space<vmem_shared>>
      tpu.enqueue_indirect_dma source(%dma_start3A_828 : memref<10112x64xf32, #tpu.memory_space<vmem_shared>>) target(%arg11 : memref<128x64xf32, #tpu.memory_space<vmem>>) offsets(%dma_start3A_825 : memref<128xi32, #tpu.memory_space<vmem>>) semaphore(%arg15 : memref<!tpu.dma_semaphore, #tpu.memory_space<semaphore_mem>>)
      %dma_wait3A_829 = arith.constant 6 : i32
      %dma_wait3A_830 = arith.constant 0 : i32
      %dma_wait3A_831 = tpu.memref_slice %arg8[%dma_wait3A_829, %dma_wait3A_830] : memref<8x128xi32, #tpu.memory_space<vmem>> -> memref<1x128xi32, #tpu.memory_space<vmem>>
      %dma_wait3A_832 = tpu.memref_squeeze %dma_wait3A_831 : memref<1x128xi32, #tpu.memory_space<vmem>> -> memref<128xi32, #tpu.memory_space<vmem>>
      %dma_wait3A_833 = arith.constant 0 : i32
      %dma_wait3A_834 = arith.constant 0 : i32
      %dma_wait3A_835 = tpu.memref_slice %arg12[%dma_wait3A_833, %dma_wait3A_834] : memref<10112x64xf32, #tpu.memory_space<vmem_shared>> -> memref<10112x64xf32, #tpu.memory_space<vmem_shared>>
      tpu.wait_indirect_dma semaphore(%arg14 : memref<!tpu.dma_semaphore, #tpu.memory_space<semaphore_mem>>) src(%dma_wait3A_835 : memref<10112x64xf32, #tpu.memory_space<vmem_shared>>) dst(%arg10 : memref<128x64xf32, #tpu.memory_space<vmem>>)
      %dma_start3A_836 = arith.constant 6 : i32
      %dma_start3A_837 = arith.constant 0 : i32
      %dma_start3A_838 = tpu.memref_slice %arg9[%dma_start3A_836, %dma_start3A_837] : memref<8x128xi32, #tpu.memory_space<vmem>> -> memref<1x128xi32, #tpu.memory_space<vmem>>
      %dma_start3A_839 = tpu.memref_squeeze %dma_start3A_838 : memref<1x128xi32, #tpu.memory_space<vmem>> -> memref<128xi32, #tpu.memory_space<vmem>>
      %dma_start3A_840 = arith.constant 0 : i32
      %dma_start3A_841 = arith.constant 0 : i32
      %dma_start3A_842 = tpu.memref_slice %arg13[%dma_start3A_840, %dma_start3A_841] : memref<10112x64xf32, #tpu.memory_space<vmem_shared>> -> memref<10112x64xf32, #tpu.memory_space<vmem_shared>>
      tpu.enqueue_indirect_dma source(%arg10 : memref<128x64xf32, #tpu.memory_space<vmem>>) target(%dma_start3A_842 : memref<10112x64xf32, #tpu.memory_space<vmem_shared>>) offsets(%dma_start3A_839 : memref<128xi32, #tpu.memory_space<vmem>>) semaphore(%arg16 : memref<!tpu.dma_semaphore, #tpu.memory_space<semaphore_mem>>) {add = true}
      %dma_wait3A_843 = arith.constant 7 : i32
      %dma_wait3A_844 = arith.constant 0 : i32
      %dma_wait3A_845 = tpu.memref_slice %arg8[%dma_wait3A_843, %dma_wait3A_844] : memref<8x128xi32, #tpu.memory_space<vmem>> -> memref<1x128xi32, #tpu.memory_space<vmem>>
      %dma_wait3A_846 = tpu.memref_squeeze %dma_wait3A_845 : memref<1x128xi32, #tpu.memory_space<vmem>> -> memref<128xi32, #tpu.memory_space<vmem>>
      %dma_wait3A_847 = arith.constant 0 : i32
      %dma_wait3A_848 = arith.constant 0 : i32
      %dma_wait3A_849 = tpu.memref_slice %arg12[%dma_wait3A_847, %dma_wait3A_848] : memref<10112x64xf32, #tpu.memory_space<vmem_shared>> -> memref<10112x64xf32, #tpu.memory_space<vmem_shared>>
      tpu.wait_indirect_dma semaphore(%arg15 : memref<!tpu.dma_semaphore, #tpu.memory_space<semaphore_mem>>) src(%dma_wait3A_849 : memref<10112x64xf32, #tpu.memory_space<vmem_shared>>) dst(%arg11 : memref<128x64xf32, #tpu.memory_space<vmem>>)
      %dma_start3A_850 = arith.constant 7 : i32
      %dma_start3A_851 = arith.constant 0 : i32
      %dma_start3A_852 = tpu.memref_slice %arg9[%dma_start3A_850, %dma_start3A_851] : memref<8x128xi32, #tpu.memory_space<vmem>> -> memref<1x128xi32, #tpu.memory_space<vmem>>
      %dma_start3A_853 = tpu.memref_squeeze %dma_start3A_852 : memref<1x128xi32, #tpu.memory_space<vmem>> -> memref<128xi32, #tpu.memory_space<vmem>>
      %dma_start3A_854 = arith.constant 0 : i32
      %dma_start3A_855 = arith.constant 0 : i32
      %dma_start3A_856 = tpu.memref_slice %arg13[%dma_start3A_854, %dma_start3A_855] : memref<10112x64xf32, #tpu.memory_space<vmem_shared>> -> memref<10112x64xf32, #tpu.memory_space<vmem_shared>>
      tpu.enqueue_indirect_dma source(%arg11 : memref<128x64xf32, #tpu.memory_space<vmem>>) target(%dma_start3A_856 : memref<10112x64xf32, #tpu.memory_space<vmem_shared>>) offsets(%dma_start3A_853 : memref<128xi32, #tpu.memory_space<vmem>>) semaphore(%arg17 : memref<!tpu.dma_semaphore, #tpu.memory_space<semaphore_mem>>) {add = true}
      %dma_wait3A_857 = arith.constant 6 : i32
      %dma_wait3A_858 = arith.constant 0 : i32
      %dma_wait3A_859 = tpu.memref_slice %arg9[%dma_wait3A_857, %dma_wait3A_858] : memref<8x128xi32, #tpu.memory_space<vmem>> -> memref<1x128xi32, #tpu.memory_space<vmem>>
      %dma_wait3A_860 = tpu.memref_squeeze %dma_wait3A_859 : memref<1x128xi32, #tpu.memory_space<vmem>> -> memref<128xi32, #tpu.memory_space<vmem>>
      %dma_wait3A_861 = arith.constant 0 : i32
      %dma_wait3A_862 = arith.constant 0 : i32
      %dma_wait3A_863 = tpu.memref_slice %arg13[%dma_wait3A_861, %dma_wait3A_862] : memref<10112x64xf32, #tpu.memory_space<vmem_shared>> -> memref<10112x64xf32, #tpu.memory_space<vmem_shared>>
      tpu.wait_indirect_dma semaphore(%arg16 : memref<!tpu.dma_semaphore, #tpu.memory_space<semaphore_mem>>) src(%arg10 : memref<128x64xf32, #tpu.memory_space<vmem>>) dst(%dma_wait3A_863 : memref<10112x64xf32, #tpu.memory_space<vmem_shared>>)
      %dma_wait3A_864 = arith.constant 7 : i32
      %dma_wait3A_865 = arith.constant 0 : i32
      %dma_wait3A_866 = tpu.memref_slice %arg9[%dma_wait3A_864, %dma_wait3A_865] : memref<8x128xi32, #tpu.memory_space<vmem>> -> memref<1x128xi32, #tpu.memory_space<vmem>>
      %dma_wait3A_867 = tpu.memref_squeeze %dma_wait3A_866 : memref<1x128xi32, #tpu.memory_space<vmem>> -> memref<128xi32, #tpu.memory_space<vmem>>
      %dma_wait3A_868 = arith.constant 0 : i32
      %dma_wait3A_869 = arith.constant 0 : i32
      %dma_wait3A_870 = tpu.memref_slice %arg13[%dma_wait3A_868, %dma_wait3A_869] : memref<10112x64xf32, #tpu.memory_space<vmem_shared>> -> memref<10112x64xf32, #tpu.memory_space<vmem_shared>>
      tpu.wait_indirect_dma semaphore(%arg17 : memref<!tpu.dma_semaphore, #tpu.memory_space<semaphore_mem>>) src(%arg11 : memref<128x64xf32, #tpu.memory_space<vmem>>) dst(%dma_wait3A_870 : memref<10112x64xf32, #tpu.memory_space<vmem_shared>>)
      %dma_wait3A_871 = arith.constant 0 : i32
      %dma_wait3A_872 = tpu.memref_slice %arg3[%arg1, %min3A_634, %dma_wait3A_871] : memref<16x160x128xi32, #tpu.memory_space<hbm>> -> memref<1x8x128xi32, #tpu.memory_space<hbm>>
      %dma_wait3A_873 = tpu.memref_squeeze %dma_wait3A_872 : memref<1x8x128xi32, #tpu.memory_space<hbm>> -> memref<8x128xi32, #tpu.memory_space<hbm>>
      %dma_wait3A_874 = arith.constant 0 : i32
      %dma_wait3A_875 = tpu.memref_slice %arg3[%arg1, %min3A_634, %dma_wait3A_874] : memref<16x160x128xi32, #tpu.memory_space<hbm>> -> memref<1x8x128xi32, #tpu.memory_space<hbm>>
      %dma_wait3A_876 = tpu.memref_squeeze %dma_wait3A_875 : memref<1x8x128xi32, #tpu.memory_space<hbm>> -> memref<8x128xi32, #tpu.memory_space<hbm>>
      tpu.wait_dma2 semaphore(%arg18 : memref<!tpu.dma_semaphore, #tpu.memory_space<semaphore_mem>>) src(%dma_wait3A_876 : memref<8x128xi32, #tpu.memory_space<hbm>>) dst(%arg6 : memref<8x128xi32, #tpu.memory_space<vmem>>)
      %dma_wait3A_877 = arith.constant 0 : i32
      %dma_wait3A_878 = tpu.memref_slice %arg4[%arg1, %min3A_634, %dma_wait3A_877] : memref<16x160x128xi32, #tpu.memory_space<hbm>> -> memref<1x8x128xi32, #tpu.memory_space<hbm>>
      %dma_wait3A_879 = tpu.memref_squeeze %dma_wait3A_878 : memref<1x8x128xi32, #tpu.memory_space<hbm>> -> memref<8x128xi32, #tpu.memory_space<hbm>>
      %dma_wait3A_880 = arith.constant 0 : i32
      %dma_wait3A_881 = tpu.memref_slice %arg4[%arg1, %min3A_634, %dma_wait3A_880] : memref<16x160x128xi32, #tpu.memory_space<hbm>> -> memref<1x8x128xi32, #tpu.memory_space<hbm>>
      %dma_wait3A_882 = tpu.memref_squeeze %dma_wait3A_881 : memref<1x8x128xi32, #tpu.memory_space<hbm>> -> memref<8x128xi32, #tpu.memory_space<hbm>>
      tpu.wait_dma2 semaphore(%arg18 : memref<!tpu.dma_semaphore, #tpu.memory_space<semaphore_mem>>) src(%dma_wait3A_882 : memref<8x128xi32, #tpu.memory_space<hbm>>) dst(%arg7 : memref<8x128xi32, #tpu.memory_space<vmem>>)
      %scan3A_883 = arith.constant 0 : i32
      scf.yield %scan3A_883 : i32
    }
    %scan3A_222 = arith.constant 10 : i32
    %barrier3A_223 = arith.constant 0 : index
    tpu.barrier barrier_id(%barrier3A_223)
    %dma_start3A_224 = arith.constant 0 : i32
    %dma_start3A_225 = tpu.memref_slice %arg13[%mul3A_0, %dma_start3A_224] : memref<10112x64xf32, #tpu.memory_space<vmem_shared>> -> memref<128x64xf32, #tpu.memory_space<vmem_shared>>
    %dma_start3A_226 = arith.constant 0 : i32
    %dma_start3A_227 = tpu.memref_slice %arg13[%mul3A_0, %dma_start3A_226] : memref<10112x64xf32, #tpu.memory_space<vmem_shared>> -> memref<128x64xf32, #tpu.memory_space<vmem_shared>>
    tpu.enqueue_dma source(%dma_start3A_227 : memref<128x64xf32, #tpu.memory_space<vmem_shared>>) target(%arg10 : memref<128x64xf32, #tpu.memory_space<vmem>>) target_semaphore(%arg14 : memref<!tpu.dma_semaphore, #tpu.memory_space<semaphore_mem>>)
    %add3A_228 = arith.constant 0 : i32
    %add3A_229 = arith.addi %mul3A_0, %add3A_228 : i32
    %add3A_230 = arith.constant 128 : i32
    %add3A_231 = arith.addi %add3A_229, %add3A_230 : i32
    %dma_start3A_232 = arith.constant 0 : i32
    %dma_start3A_233 = tpu.memref_slice %arg13[%add3A_231, %dma_start3A_232] : memref<10112x64xf32, #tpu.memory_space<vmem_shared>> -> memref<128x64xf32, #tpu.memory_space<vmem_shared>>
    %dma_start3A_234 = arith.constant 0 : i32
    %dma_start3A_235 = tpu.memref_slice %arg13[%add3A_231, %dma_start3A_234] : memref<10112x64xf32, #tpu.memory_space<vmem_shared>> -> memref<128x64xf32, #tpu.memory_space<vmem_shared>>
    tpu.enqueue_dma source(%dma_start3A_235 : memref<128x64xf32, #tpu.memory_space<vmem_shared>>) target(%arg11 : memref<128x64xf32, #tpu.memory_space<vmem>>) target_semaphore(%arg15 : memref<!tpu.dma_semaphore, #tpu.memory_space<semaphore_mem>>)
    %dma_wait3A_236 = arith.constant 0 : i32
    %dma_wait3A_237 = tpu.memref_slice %arg13[%mul3A_0, %dma_wait3A_236] : memref<10112x64xf32, #tpu.memory_space<vmem_shared>> -> memref<128x64xf32, #tpu.memory_space<vmem_shared>>
    %dma_wait3A_238 = arith.constant 0 : i32
    %dma_wait3A_239 = tpu.memref_slice %arg13[%mul3A_0, %dma_wait3A_238] : memref<10112x64xf32, #tpu.memory_space<vmem_shared>> -> memref<128x64xf32, #tpu.memory_space<vmem_shared>>
    tpu.wait_dma2 semaphore(%arg14 : memref<!tpu.dma_semaphore, #tpu.memory_space<semaphore_mem>>) src(%dma_wait3A_239 : memref<128x64xf32, #tpu.memory_space<vmem_shared>>) dst(%arg10 : memref<128x64xf32, #tpu.memory_space<vmem>>)
    %add3A_240 = arith.constant 0 : i32
    %add3A_241 = arith.addi %mul3A_0, %add3A_240 : i32
    %dma_start3A_242 = arith.constant 0 : i32
    %dma_start3A_243 = tpu.memref_slice %arg5[%arg0, %add3A_241, %dma_start3A_242] : memref<2x10112x64xf32, #tpu.memory_space<hbm>> -> memref<1x128x64xf32, #tpu.memory_space<hbm>>
    %dma_start3A_244 = tpu.memref_squeeze %dma_start3A_243 : memref<1x128x64xf32, #tpu.memory_space<hbm>> -> memref<128x64xf32, #tpu.memory_space<hbm>>
    %dma_start3A_245 = arith.constant 0 : i32
    %dma_start3A_246 = tpu.memref_slice %arg5[%arg0, %add3A_241, %dma_start3A_245] : memref<2x10112x64xf32, #tpu.memory_space<hbm>> -> memref<1x128x64xf32, #tpu.memory_space<hbm>>
    %dma_start3A_247 = tpu.memref_squeeze %dma_start3A_246 : memref<1x128x64xf32, #tpu.memory_space<hbm>> -> memref<128x64xf32, #tpu.memory_space<hbm>>
    tpu.enqueue_dma source(%arg10 : memref<128x64xf32, #tpu.memory_space<vmem>>) target(%dma_start3A_247 : memref<128x64xf32, #tpu.memory_space<hbm>>) target_semaphore(%arg16 : memref<!tpu.dma_semaphore, #tpu.memory_space<semaphore_mem>>)
    %dma_wait3A_248 = arith.constant 0 : i32
    %dma_wait3A_249 = tpu.memref_slice %arg5[%arg0, %add3A_241, %dma_wait3A_248] : memref<2x10112x64xf32, #tpu.memory_space<hbm>> -> memref<1x128x64xf32, #tpu.memory_space<hbm>>
    %dma_wait3A_250 = tpu.memref_squeeze %dma_wait3A_249 : memref<1x128x64xf32, #tpu.memory_space<hbm>> -> memref<128x64xf32, #tpu.memory_space<hbm>>
    %dma_wait3A_251 = arith.constant 0 : i32
    %dma_wait3A_252 = tpu.memref_slice %arg5[%arg0, %add3A_241, %dma_wait3A_251] : memref<2x10112x64xf32, #tpu.memory_space<hbm>> -> memref<1x128x64xf32, #tpu.memory_space<hbm>>
    %dma_wait3A_253 = tpu.memref_squeeze %dma_wait3A_252 : memref<1x128x64xf32, #tpu.memory_space<hbm>> -> memref<128x64xf32, #tpu.memory_space<hbm>>
    tpu.wait_dma2 semaphore(%arg16 : memref<!tpu.dma_semaphore, #tpu.memory_space<semaphore_mem>>) src(%arg10 : memref<128x64xf32, #tpu.memory_space<vmem>>) dst(%dma_wait3A_253 : memref<128x64xf32, #tpu.memory_space<hbm>>)
    %add3A_254 = arith.constant 128 : i32
    %add3A_255 = arith.addi %mul3A_0, %add3A_254 : i32
    %add3A_256 = arith.constant 128 : i32
    %add3A_257 = arith.addi %add3A_255, %add3A_256 : i32
    %dma_start3A_258 = arith.constant 0 : i32
    %dma_start3A_259 = tpu.memref_slice %arg13[%add3A_257, %dma_start3A_258] : memref<10112x64xf32, #tpu.memory_space<vmem_shared>> -> memref<128x64xf32, #tpu.memory_space<vmem_shared>>
    %dma_start3A_260 = arith.constant 0 : i32
    %dma_start3A_261 = tpu.memref_slice %arg13[%add3A_257, %dma_start3A_260] : memref<10112x64xf32, #tpu.memory_space<vmem_shared>> -> memref<128x64xf32, #tpu.memory_space<vmem_shared>>
    tpu.enqueue_dma source(%dma_start3A_261 : memref<128x64xf32, #tpu.memory_space<vmem_shared>>) target(%arg10 : memref<128x64xf32, #tpu.memory_space<vmem>>) target_semaphore(%arg14 : memref<!tpu.dma_semaphore, #tpu.memory_space<semaphore_mem>>)
    %dma_wait3A_262 = arith.constant 0 : i32
    %dma_wait3A_263 = tpu.memref_slice %arg13[%add3A_231, %dma_wait3A_262] : memref<10112x64xf32, #tpu.memory_space<vmem_shared>> -> memref<128x64xf32, #tpu.memory_space<vmem_shared>>
    %dma_wait3A_264 = arith.constant 0 : i32
    %dma_wait3A_265 = tpu.memref_slice %arg13[%add3A_231, %dma_wait3A_264] : memref<10112x64xf32, #tpu.memory_space<vmem_shared>> -> memref<128x64xf32, #tpu.memory_space<vmem_shared>>
    tpu.wait_dma2 semaphore(%arg15 : memref<!tpu.dma_semaphore, #tpu.memory_space<semaphore_mem>>) src(%dma_wait3A_265 : memref<128x64xf32, #tpu.memory_space<vmem_shared>>) dst(%arg11 : memref<128x64xf32, #tpu.memory_space<vmem>>)
    %add3A_266 = arith.constant 128 : i32
    %add3A_267 = arith.addi %mul3A_0, %add3A_266 : i32
    %dma_start3A_268 = arith.constant 0 : i32
    %dma_start3A_269 = tpu.memref_slice %arg5[%arg0, %add3A_267, %dma_start3A_268] : memref<2x10112x64xf32, #tpu.memory_space<hbm>> -> memref<1x128x64xf32, #tpu.memory_space<hbm>>
    %dma_start3A_270 = tpu.memref_squeeze %dma_start3A_269 : memref<1x128x64xf32, #tpu.memory_space<hbm>> -> memref<128x64xf32, #tpu.memory_space<hbm>>
    %dma_start3A_271 = arith.constant 0 : i32
    %dma_start3A_272 = tpu.memref_slice %arg5[%arg0, %add3A_267, %dma_start3A_271] : memref<2x10112x64xf32, #tpu.memory_space<hbm>> -> memref<1x128x64xf32, #tpu.memory_space<hbm>>
    %dma_start3A_273 = tpu.memref_squeeze %dma_start3A_272 : memref<1x128x64xf32, #tpu.memory_space<hbm>> -> memref<128x64xf32, #tpu.memory_space<hbm>>
    tpu.enqueue_dma source(%arg11 : memref<128x64xf32, #tpu.memory_space<vmem>>) target(%dma_start3A_273 : memref<128x64xf32, #tpu.memory_space<hbm>>) target_semaphore(%arg17 : memref<!tpu.dma_semaphore, #tpu.memory_space<semaphore_mem>>)
    %dma_wait3A_274 = arith.constant 0 : i32
    %dma_wait3A_275 = tpu.memref_slice %arg5[%arg0, %add3A_267, %dma_wait3A_274] : memref<2x10112x64xf32, #tpu.memory_space<hbm>> -> memref<1x128x64xf32, #tpu.memory_space<hbm>>
    %dma_wait3A_276 = tpu.memref_squeeze %dma_wait3A_275 : memref<1x128x64xf32, #tpu.memory_space<hbm>> -> memref<128x64xf32, #tpu.memory_space<hbm>>
    %dma_wait3A_277 = arith.constant 0 : i32
    %dma_wait3A_278 = tpu.memref_slice %arg5[%arg0, %add3A_267, %dma_wait3A_277] : memref<2x10112x64xf32, #tpu.memory_space<hbm>> -> memref<1x128x64xf32, #tpu.memory_space<hbm>>
    %dma_wait3A_279 = tpu.memref_squeeze %dma_wait3A_278 : memref<1x128x64xf32, #tpu.memory_space<hbm>> -> memref<128x64xf32, #tpu.memory_space<hbm>>
    tpu.wait_dma2 semaphore(%arg17 : memref<!tpu.dma_semaphore, #tpu.memory_space<semaphore_mem>>) src(%arg11 : memref<128x64xf32, #tpu.memory_space<vmem>>) dst(%dma_wait3A_279 : memref<128x64xf32, #tpu.memory_space<hbm>>)
    %add3A_280 = arith.constant 256 : i32
    %add3A_281 = arith.addi %mul3A_0, %add3A_280 : i32
    %add3A_282 = arith.constant 128 : i32
    %add3A_283 = arith.addi %add3A_281, %add3A_282 : i32
    %dma_start3A_284 = arith.constant 0 : i32
    %dma_start3A_285 = tpu.memref_slice %arg13[%add3A_283, %dma_start3A_284] : memref<10112x64xf32, #tpu.memory_space<vmem_shared>> -> memref<128x64xf32, #tpu.memory_space<vmem_shared>>
    %dma_start3A_286 = arith.constant 0 : i32
    %dma_start3A_287 = tpu.memref_slice %arg13[%add3A_283, %dma_start3A_286] : memref<10112x64xf32, #tpu.memory_space<vmem_shared>> -> memref<128x64xf32, #tpu.memory_space<vmem_shared>>
    tpu.enqueue_dma source(%dma_start3A_287 : memref<128x64xf32, #tpu.memory_space<vmem_shared>>) target(%arg11 : memref<128x64xf32, #tpu.memory_space<vmem>>) target_semaphore(%arg15 : memref<!tpu.dma_semaphore, #tpu.memory_space<semaphore_mem>>)
    %dma_wait3A_288 = arith.constant 0 : i32
    %dma_wait3A_289 = tpu.memref_slice %arg13[%add3A_257, %dma_wait3A_288] : memref<10112x64xf32, #tpu.memory_space<vmem_shared>> -> memref<128x64xf32, #tpu.memory_space<vmem_shared>>
    %dma_wait3A_290 = arith.constant 0 : i32
    %dma_wait3A_291 = tpu.memref_slice %arg13[%add3A_257, %dma_wait3A_290] : memref<10112x64xf32, #tpu.memory_space<vmem_shared>> -> memref<128x64xf32, #tpu.memory_space<vmem_shared>>
    tpu.wait_dma2 semaphore(%arg14 : memref<!tpu.dma_semaphore, #tpu.memory_space<semaphore_mem>>) src(%dma_wait3A_291 : memref<128x64xf32, #tpu.memory_space<vmem_shared>>) dst(%arg10 : memref<128x64xf32, #tpu.memory_space<vmem>>)
    %add3A_292 = arith.constant 256 : i32
    %add3A_293 = arith.addi %mul3A_0, %add3A_292 : i32
    %dma_start3A_294 = arith.constant 0 : i32
    %dma_start3A_295 = tpu.memref_slice %arg5[%arg0, %add3A_293, %dma_start3A_294] : memref<2x10112x64xf32, #tpu.memory_space<hbm>> -> memref<1x128x64xf32, #tpu.memory_space<hbm>>
    %dma_start3A_296 = tpu.memref_squeeze %dma_start3A_295 : memref<1x128x64xf32, #tpu.memory_space<hbm>> -> memref<128x64xf32, #tpu.memory_space<hbm>>
    %dma_start3A_297 = arith.constant 0 : i32
    %dma_start3A_298 = tpu.memref_slice %arg5[%arg0, %add3A_293, %dma_start3A_297] : memref<2x10112x64xf32, #tpu.memory_space<hbm>> -> memref<1x128x64xf32, #tpu.memory_space<hbm>>
    %dma_start3A_299 = tpu.memref_squeeze %dma_start3A_298 : memref<1x128x64xf32, #tpu.memory_space<hbm>> -> memref<128x64xf32, #tpu.memory_space<hbm>>
    tpu.enqueue_dma source(%arg10 : memref<128x64xf32, #tpu.memory_space<vmem>>) target(%dma_start3A_299 : memref<128x64xf32, #tpu.memory_space<hbm>>) target_semaphore(%arg16 : memref<!tpu.dma_semaphore, #tpu.memory_space<semaphore_mem>>)
    %dma_wait3A_300 = arith.constant 0 : i32
    %dma_wait3A_301 = tpu.memref_slice %arg5[%arg0, %add3A_293, %dma_wait3A_300] : memref<2x10112x64xf32, #tpu.memory_space<hbm>> -> memref<1x128x64xf32, #tpu.memory_space<hbm>>
    %dma_wait3A_302 = tpu.memref_squeeze %dma_wait3A_301 : memref<1x128x64xf32, #tpu.memory_space<hbm>> -> memref<128x64xf32, #tpu.memory_space<hbm>>
    %dma_wait3A_303 = arith.constant 0 : i32
    %dma_wait3A_304 = tpu.memref_slice %arg5[%arg0, %add3A_293, %dma_wait3A_303] : memref<2x10112x64xf32, #tpu.memory_space<hbm>> -> memref<1x128x64xf32, #tpu.memory_space<hbm>>
    %dma_wait3A_305 = tpu.memref_squeeze %dma_wait3A_304 : memref<1x128x64xf32, #tpu.memory_space<hbm>> -> memref<128x64xf32, #tpu.memory_space<hbm>>
    tpu.wait_dma2 semaphore(%arg16 : memref<!tpu.dma_semaphore, #tpu.memory_space<semaphore_mem>>) src(%arg10 : memref<128x64xf32, #tpu.memory_space<vmem>>) dst(%dma_wait3A_305 : memref<128x64xf32, #tpu.memory_space<hbm>>)
    %add3A_306 = arith.constant 384 : i32
    %add3A_307 = arith.addi %mul3A_0, %add3A_306 : i32
    %add3A_308 = arith.constant 128 : i32
    %add3A_309 = arith.addi %add3A_307, %add3A_308 : i32
    %dma_start3A_310 = arith.constant 0 : i32
    %dma_start3A_311 = arith.constant 0 : i32
    %dma_start3A_312 = tpu.memref_slice %arg10[%dma_start3A_310, %dma_start3A_311] : memref<128x64xf32, #tpu.memory_space<vmem>> -> memref<120x64xf32, #tpu.memory_space<vmem>>
    %dma_start3A_313 = arith.constant 0 : i32
    %dma_start3A_314 = tpu.memref_slice %arg13[%add3A_309, %dma_start3A_313] : memref<10112x64xf32, #tpu.memory_space<vmem_shared>> -> memref<120x64xf32, #tpu.memory_space<vmem_shared>>
    %dma_start3A_315 = arith.constant 0 : i32
    %dma_start3A_316 = arith.constant 0 : i32
    %dma_start3A_317 = tpu.memref_slice %arg10[%dma_start3A_315, %dma_start3A_316] : memref<128x64xf32, #tpu.memory_space<vmem>> -> memref<120x64xf32, #tpu.memory_space<vmem>>
    %dma_start3A_318 = arith.constant 0 : i32
    %dma_start3A_319 = tpu.memref_slice %arg13[%add3A_309, %dma_start3A_318] : memref<10112x64xf32, #tpu.memory_space<vmem_shared>> -> memref<120x64xf32, #tpu.memory_space<vmem_shared>>
    tpu.enqueue_dma source(%dma_start3A_319 : memref<120x64xf32, #tpu.memory_space<vmem_shared>>) target(%dma_start3A_317 : memref<120x64xf32, #tpu.memory_space<vmem>>) target_semaphore(%arg14 : memref<!tpu.dma_semaphore, #tpu.memory_space<semaphore_mem>>)
    %dma_wait3A_320 = arith.constant 0 : i32
    %dma_wait3A_321 = tpu.memref_slice %arg13[%add3A_283, %dma_wait3A_320] : memref<10112x64xf32, #tpu.memory_space<vmem_shared>> -> memref<128x64xf32, #tpu.memory_space<vmem_shared>>
    %dma_wait3A_322 = arith.constant 0 : i32
    %dma_wait3A_323 = tpu.memref_slice %arg13[%add3A_283, %dma_wait3A_322] : memref<10112x64xf32, #tpu.memory_space<vmem_shared>> -> memref<128x64xf32, #tpu.memory_space<vmem_shared>>
    tpu.wait_dma2 semaphore(%arg15 : memref<!tpu.dma_semaphore, #tpu.memory_space<semaphore_mem>>) src(%dma_wait3A_323 : memref<128x64xf32, #tpu.memory_space<vmem_shared>>) dst(%arg11 : memref<128x64xf32, #tpu.memory_space<vmem>>)
    %add3A_324 = arith.constant 384 : i32
    %add3A_325 = arith.addi %mul3A_0, %add3A_324 : i32
    %dma_start3A_326 = arith.constant 0 : i32
    %dma_start3A_327 = tpu.memref_slice %arg5[%arg0, %add3A_325, %dma_start3A_326] : memref<2x10112x64xf32, #tpu.memory_space<hbm>> -> memref<1x128x64xf32, #tpu.memory_space<hbm>>
    %dma_start3A_328 = tpu.memref_squeeze %dma_start3A_327 : memref<1x128x64xf32, #tpu.memory_space<hbm>> -> memref<128x64xf32, #tpu.memory_space<hbm>>
    %dma_start3A_329 = arith.constant 0 : i32
    %dma_start3A_330 = tpu.memref_slice %arg5[%arg0, %add3A_325, %dma_start3A_329] : memref<2x10112x64xf32, #tpu.memory_space<hbm>> -> memref<1x128x64xf32, #tpu.memory_space<hbm>>
    %dma_start3A_331 = tpu.memref_squeeze %dma_start3A_330 : memref<1x128x64xf32, #tpu.memory_space<hbm>> -> memref<128x64xf32, #tpu.memory_space<hbm>>
    tpu.enqueue_dma source(%arg11 : memref<128x64xf32, #tpu.memory_space<vmem>>) target(%dma_start3A_331 : memref<128x64xf32, #tpu.memory_space<hbm>>) target_semaphore(%arg17 : memref<!tpu.dma_semaphore, #tpu.memory_space<semaphore_mem>>)
    %dma_wait3A_332 = arith.constant 0 : i32
    %dma_wait3A_333 = arith.constant 0 : i32
    %dma_wait3A_334 = tpu.memref_slice %arg10[%dma_wait3A_332, %dma_wait3A_333] : memref<128x64xf32, #tpu.memory_space<vmem>> -> memref<120x64xf32, #tpu.memory_space<vmem>>
    %dma_wait3A_335 = arith.constant 0 : i32
    %dma_wait3A_336 = tpu.memref_slice %arg13[%add3A_309, %dma_wait3A_335] : memref<10112x64xf32, #tpu.memory_space<vmem_shared>> -> memref<120x64xf32, #tpu.memory_space<vmem_shared>>
    %dma_wait3A_337 = arith.constant 0 : i32
    %dma_wait3A_338 = arith.constant 0 : i32
    %dma_wait3A_339 = tpu.memref_slice %arg10[%dma_wait3A_337, %dma_wait3A_338] : memref<128x64xf32, #tpu.memory_space<vmem>> -> memref<120x64xf32, #tpu.memory_space<vmem>>
    %dma_wait3A_340 = arith.constant 0 : i32
    %dma_wait3A_341 = tpu.memref_slice %arg13[%add3A_309, %dma_wait3A_340] : memref<10112x64xf32, #tpu.memory_space<vmem_shared>> -> memref<120x64xf32, #tpu.memory_space<vmem_shared>>
    tpu.wait_dma2 semaphore(%arg14 : memref<!tpu.dma_semaphore, #tpu.memory_space<semaphore_mem>>) src(%dma_wait3A_341 : memref<120x64xf32, #tpu.memory_space<vmem_shared>>) dst(%dma_wait3A_339 : memref<120x64xf32, #tpu.memory_space<vmem>>)
    %add3A_342 = arith.constant 512 : i32
    %add3A_343 = arith.addi %mul3A_0, %add3A_342 : i32
    %dma_start3A_344 = arith.constant 0 : i32
    %dma_start3A_345 = arith.constant 0 : i32
    %dma_start3A_346 = tpu.memref_slice %arg10[%dma_start3A_344, %dma_start3A_345] : memref<128x64xf32, #tpu.memory_space<vmem>> -> memref<120x64xf32, #tpu.memory_space<vmem>>
    %dma_start3A_347 = arith.constant 0 : i32
    %dma_start3A_348 = tpu.memref_slice %arg5[%arg0, %add3A_343, %dma_start3A_347] : memref<2x10112x64xf32, #tpu.memory_space<hbm>> -> memref<1x120x64xf32, #tpu.memory_space<hbm>>
    %dma_start3A_349 = tpu.memref_squeeze %dma_start3A_348 : memref<1x120x64xf32, #tpu.memory_space<hbm>> -> memref<120x64xf32, #tpu.memory_space<hbm>>
    %dma_start3A_350 = arith.constant 0 : i32
    %dma_start3A_351 = tpu.memref_slice %arg5[%arg0, %add3A_343, %dma_start3A_350] : memref<2x10112x64xf32, #tpu.memory_space<hbm>> -> memref<1x120x64xf32, #tpu.memory_space<hbm>>
    %dma_start3A_352 = tpu.memref_squeeze %dma_start3A_351 : memref<1x120x64xf32, #tpu.memory_space<hbm>> -> memref<120x64xf32, #tpu.memory_space<hbm>>
    %dma_start3A_353 = arith.constant 0 : i32
    %dma_start3A_354 = arith.constant 0 : i32
    %dma_start3A_355 = tpu.memref_slice %arg10[%dma_start3A_353, %dma_start3A_354] : memref<128x64xf32, #tpu.memory_space<vmem>> -> memref<120x64xf32, #tpu.memory_space<vmem>>
    tpu.enqueue_dma source(%dma_start3A_355 : memref<120x64xf32, #tpu.memory_space<vmem>>) target(%dma_start3A_352 : memref<120x64xf32, #tpu.memory_space<hbm>>) target_semaphore(%arg16 : memref<!tpu.dma_semaphore, #tpu.memory_space<semaphore_mem>>)
    %dma_wait3A_356 = arith.constant 0 : i32
    %dma_wait3A_357 = arith.constant 0 : i32
    %dma_wait3A_358 = tpu.memref_slice %arg10[%dma_wait3A_356, %dma_wait3A_357] : memref<128x64xf32, #tpu.memory_space<vmem>> -> memref<120x64xf32, #tpu.memory_space<vmem>>
    %dma_wait3A_359 = arith.constant 0 : i32
    %dma_wait3A_360 = tpu.memref_slice %arg5[%arg0, %add3A_343, %dma_wait3A_359] : memref<2x10112x64xf32, #tpu.memory_space<hbm>> -> memref<1x120x64xf32, #tpu.memory_space<hbm>>
    %dma_wait3A_361 = tpu.memref_squeeze %dma_wait3A_360 : memref<1x120x64xf32, #tpu.memory_space<hbm>> -> memref<120x64xf32, #tpu.memory_space<hbm>>
    %dma_wait3A_362 = arith.constant 0 : i32
    %dma_wait3A_363 = tpu.memref_slice %arg5[%arg0, %add3A_343, %dma_wait3A_362] : memref<2x10112x64xf32, #tpu.memory_space<hbm>> -> memref<1x120x64xf32, #tpu.memory_space<hbm>>
    %dma_wait3A_364 = tpu.memref_squeeze %dma_wait3A_363 : memref<1x120x64xf32, #tpu.memory_space<hbm>> -> memref<120x64xf32, #tpu.memory_space<hbm>>
    %dma_wait3A_365 = arith.constant 0 : i32
    %dma_wait3A_366 = arith.constant 0 : i32
    %dma_wait3A_367 = tpu.memref_slice %arg10[%dma_wait3A_365, %dma_wait3A_366] : memref<128x64xf32, #tpu.memory_space<vmem>> -> memref<120x64xf32, #tpu.memory_space<vmem>>
    tpu.wait_dma2 semaphore(%arg16 : memref<!tpu.dma_semaphore, #tpu.memory_space<semaphore_mem>>) src(%dma_wait3A_367 : memref<120x64xf32, #tpu.memory_space<vmem>>) dst(%dma_wait3A_364 : memref<120x64xf32, #tpu.memory_space<hbm>>)
    %dma_wait3A_368 = arith.constant 0 : i32
    %dma_wait3A_369 = tpu.memref_slice %arg5[%arg0, %add3A_325, %dma_wait3A_368] : memref<2x10112x64xf32, #tpu.memory_space<hbm>> -> memref<1x128x64xf32, #tpu.memory_space<hbm>>
    %dma_wait3A_370 = tpu.memref_squeeze %dma_wait3A_369 : memref<1x128x64xf32, #tpu.memory_space<hbm>> -> memref<128x64xf32, #tpu.memory_space<hbm>>
    %dma_wait3A_371 = arith.constant 0 : i32
    %dma_wait3A_372 = tpu.memref_slice %arg5[%arg0, %add3A_325, %dma_wait3A_371] : memref<2x10112x64xf32, #tpu.memory_space<hbm>> -> memref<1x128x64xf32, #tpu.memory_space<hbm>>
    %dma_wait3A_373 = tpu.memref_squeeze %dma_wait3A_372 : memref<1x128x64xf32, #tpu.memory_space<hbm>> -> memref<128x64xf32, #tpu.memory_space<hbm>>
    tpu.wait_dma2 semaphore(%arg17 : memref<!tpu.dma_semaphore, #tpu.memory_space<semaphore_mem>>) src(%arg11 : memref<128x64xf32, #tpu.memory_space<vmem>>) dst(%dma_wait3A_373 : memref<128x64xf32, #tpu.memory_space<hbm>>)
    return
  }
}

module attributes {stable_mosaic.version = 14 : i64} {
  func.func @_dense_body(%arg0: memref<10000x128xf32, #tpu.memory_space<vmem>>, %arg1: memref<128x128xf32, #tpu.memory_space<vmem>>, %arg2: memref<4x10112xf32, #tpu.memory_space<vmem>>, %arg3: memref<2x10112x64xf32, #tpu.memory_space<vmem>>, %arg4: memref<10112xf32, #tpu.memory_space<vmem>>) attributes {dimension_semantics = [], scalar_prefetch = 0 : i64, scratch_operands = 0 : i64, tpu.core_type = #tpu.core_type<tc>} {
    %get3A = arith.constant 0 : index
    %get3A_0 = arith.constant 0 : index
    %get3A_1 = vector.load %arg2[%get3A, %get3A_0] : memref<4x10112xf32, #tpu.memory_space<vmem>>, vector<1x10112xf32>
    %get3A_2 = vector.shape_cast %get3A_1 : vector<1x10112xf32> to vector<10112xf32>
    %get3A_3 = arith.constant 2 : index
    %get3A_4 = arith.constant 0 : index
    %get3A_5 = vector.load %arg2[%get3A_3, %get3A_4] : memref<4x10112xf32, #tpu.memory_space<vmem>>, vector<1x10112xf32>
    %get3A_6 = vector.shape_cast %get3A_5 : vector<1x10112xf32> to vector<10112xf32>
    %add3A = arith.addf %get3A_2, %get3A_6 : vector<10112xf32>
    %get3A_7 = arith.constant 1 : index
    %get3A_8 = arith.constant 0 : index
    %get3A_9 = vector.load %arg2[%get3A_7, %get3A_8] : memref<4x10112xf32, #tpu.memory_space<vmem>>, vector<1x10112xf32>
    %get3A_10 = vector.shape_cast %get3A_9 : vector<1x10112xf32> to vector<10112xf32>
    %get3A_11 = arith.constant 3 : index
    %get3A_12 = arith.constant 0 : index
    %get3A_13 = vector.load %arg2[%get3A_11, %get3A_12] : memref<4x10112xf32, #tpu.memory_space<vmem>>, vector<1x10112xf32>
    %get3A_14 = vector.shape_cast %get3A_13 : vector<1x10112xf32> to vector<10112xf32>
    %add3A_15 = arith.addf %get3A_10, %get3A_14 : vector<10112xf32>
    %gt3A = arith.constant 0.000000e+00 : f32
    %gt3A_16 = vector.broadcast %gt3A : f32 to vector<10112xf32>
    %gt3A_17 = arith.cmpf ogt, %add3A, %gt3A_16 : vector<10112xf32>
    %max3A = arith.constant 1.000000e+00 : f32
    %max3A_18 = vector.broadcast %max3A : f32 to vector<10112xf32>
    %max3A_19 = arith.maximumf %add3A, %max3A_18 : vector<10112xf32>
    %sqrt3A = math.sqrt %max3A_19 : vector<10112xf32>
    %div3A = arith.constant 1.000000e+00 : f32
    %div3A_20 = vector.broadcast %div3A : f32 to vector<10112xf32>
    %div3A_21 = arith.divf %div3A_20, %sqrt3A : vector<10112xf32>
    %jit3A = arith.constant 0.000000e+00 : f32
    %broadcast_in_dim3A = vector.broadcast %jit3A : f32 to vector<10112xf32>
    %select_n3A = arith.select %gt3A_17, %div3A_21, %broadcast_in_dim3A : vector<10112xi1>, vector<10112xf32>
    %gt3A_22 = arith.constant 0.000000e+00 : f32
    %gt3A_23 = vector.broadcast %gt3A_22 : f32 to vector<10112xf32>
    %gt3A_24 = arith.cmpf ogt, %add3A_15, %gt3A_23 : vector<10112xf32>
    %max3A_25 = arith.constant 1.000000e+00 : f32
    %max3A_26 = vector.broadcast %max3A_25 : f32 to vector<10112xf32>
    %max3A_27 = arith.maximumf %add3A_15, %max3A_26 : vector<10112xf32>
    %sqrt3A_28 = math.sqrt %max3A_27 : vector<10112xf32>
    %div3A_29 = arith.constant 1.000000e+00 : f32
    %div3A_30 = vector.broadcast %div3A_29 : f32 to vector<10112xf32>
    %div3A_31 = arith.divf %div3A_30, %sqrt3A_28 : vector<10112xf32>
    %jit3A_32 = arith.constant 0.000000e+00 : f32
    %broadcast_in_dim3A_33 = vector.broadcast %jit3A_32 : f32 to vector<10112xf32>
    %select_n3A_34 = arith.select %gt3A_24, %div3A_31, %broadcast_in_dim3A_33 : vector<10112xi1>, vector<10112xf32>
    %swap3A = arith.constant 0 : index
    %swap3A_35 = vector.load %arg4[%swap3A] : memref<10112xf32, #tpu.memory_space<vmem>>, vector<10112xf32>
    tpu.vector_store %arg4[%swap3A], %select_n3A_34 {strides = array<i32>} : memref<10112xf32, #tpu.memory_space<vmem>>, vector<10112xf32>,
    %get3A_36 = arith.constant 0 : index
    %get3A_37 = arith.constant 0 : index
    %get3A_38 = vector.load %arg0[%get3A_36, %get3A_37] : memref<10000x128xf32, #tpu.memory_space<vmem>>, vector<10000x128xf32>
    %get3A_39 = arith.constant 0 : index
    %get3A_40 = arith.constant 0 : index
    %get3A_41 = vector.load %arg1[%get3A_39, %get3A_40] : memref<128x128xf32, #tpu.memory_space<vmem>>, vector<128x128xf32>
    %dot_general3A = arith.constant dense<0.000000e+00> : vector<10000x128xf32>
    %dot_general3A_42 = tpu.matmul %get3A_38, %get3A_41, %dot_general3A {dimension_numbers = #tpu.dot_dimension_numbers<[1], [0], [0], [1], [0, 0, 1, 1], [], []>, transpose_lhs_hint = false} : vector<10000x128xf32>, vector<128x128xf32>, vector<10000x128xf32> -> vector<10000x128xf32>
    %slice3A = vector.extract_strided_slice %select_n3A {offsets = [0], sizes = [10000], strides = [1]} : vector<10112xf32> to vector<10000xf32>
    %broadcast_in_dim3A_43 = vector.shape_cast %slice3A : vector<10000xf32> to vector<10000x1xf32>
    %mul3A = vector.broadcast %broadcast_in_dim3A_43 : vector<10000x1xf32> to vector<10000x128xf32>
    %mul3A_44 = arith.mulf %dot_general3A_42, %mul3A : vector<10000x128xf32>
    %slice3A_45 = vector.extract_strided_slice %mul3A_44 {offsets = [0, 0], sizes = [10000, 64], strides = [1, 1]} : vector<10000x128xf32> to vector<10000x64xf32>
    %swap3A_46 = arith.constant 0 : index
    %swap3A_47 = arith.constant 0 : index
    %swap3A_48 = arith.constant 0 : index
    %swap3A_49 = vector.load %arg3[%swap3A_46, %swap3A_47, %swap3A_48] : memref<2x10112x64xf32, #tpu.memory_space<vmem>>, vector<1x10000x64xf32>
    %swap3A_50 = vector.shape_cast %swap3A_49 : vector<1x10000x64xf32> to vector<10000x64xf32>
    %swap3A_51 = vector.shape_cast %slice3A_45 : vector<10000x64xf32> to vector<1x10000x64xf32>
    tpu.vector_store %arg3[%swap3A_46, %swap3A_47, %swap3A_48], %swap3A_51 {strides = array<i32>} : memref<2x10112x64xf32, #tpu.memory_space<vmem>>, vector<1x10000x64xf32>,
    %slice3A_52 = vector.extract_strided_slice %mul3A_44 {offsets = [0, 64], sizes = [10000, 64], strides = [1, 1]} : vector<10000x128xf32> to vector<10000x64xf32>
    %swap3A_53 = arith.constant 1 : index
    %swap3A_54 = arith.constant 0 : index
    %swap3A_55 = arith.constant 0 : index
    %swap3A_56 = vector.load %arg3[%swap3A_53, %swap3A_54, %swap3A_55] : memref<2x10112x64xf32, #tpu.memory_space<vmem>>, vector<1x10000x64xf32>
    %swap3A_57 = vector.shape_cast %swap3A_56 : vector<1x10000x64xf32> to vector<10000x64xf32>
    %swap3A_58 = vector.shape_cast %slice3A_52 : vector<10000x64xf32> to vector<1x10000x64xf32>
    tpu.vector_store %arg3[%swap3A_53, %swap3A_54, %swap3A_55], %swap3A_58 {strides = array<i32>} : memref<2x10112x64xf32, #tpu.memory_space<vmem>>, vector<1x10000x64xf32>,
    %broadcast_in_dim3A_59 = arith.constant 0.000000e+00 : f32
    %broadcast_in_dim3A_60 = vector.broadcast %broadcast_in_dim3A_59 : f32 to vector<112x64xf32>
    %swap3A_61 = arith.constant 0 : index
    %swap3A_62 = arith.constant 10000 : index
    %swap3A_63 = arith.constant 0 : index
    %swap3A_64 = vector.load %arg3[%swap3A_61, %swap3A_62, %swap3A_63] : memref<2x10112x64xf32, #tpu.memory_space<vmem>>, vector<1x112x64xf32>
    %swap3A_65 = vector.shape_cast %swap3A_64 : vector<1x112x64xf32> to vector<112x64xf32>
    %swap3A_66 = vector.shape_cast %broadcast_in_dim3A_60 : vector<112x64xf32> to vector<1x112x64xf32>
    tpu.vector_store %arg3[%swap3A_61, %swap3A_62, %swap3A_63], %swap3A_66 {strides = array<i32>} : memref<2x10112x64xf32, #tpu.memory_space<vmem>>, vector<1x112x64xf32>,
    %swap3A_67 = arith.constant 1 : index
    %swap3A_68 = arith.constant 10000 : index
    %swap3A_69 = arith.constant 0 : index
    %swap3A_70 = vector.load %arg3[%swap3A_67, %swap3A_68, %swap3A_69] : memref<2x10112x64xf32, #tpu.memory_space<vmem>>, vector<1x112x64xf32>
    %swap3A_71 = vector.shape_cast %swap3A_70 : vector<1x112x64xf32> to vector<112x64xf32>
    %swap3A_72 = vector.shape_cast %broadcast_in_dim3A_60 : vector<112x64xf32> to vector<1x112x64xf32>
    tpu.vector_store %arg3[%swap3A_67, %swap3A_68, %swap3A_69], %swap3A_72 {strides = array<i32>} : memref<2x10112x64xf32, #tpu.memory_space<vmem>>, vector<1x112x64xf32>,
    return
  }
}

module attributes {stable_mosaic.version = 14 : i64} {
  func.func @_final_body(%arg0: memref<2x10112x64xf32, #tpu.memory_space<vmem>>, %arg1: memref<10112xf32, #tpu.memory_space<vmem>>, %arg2: memref<128xf32, #tpu.memory_space<vmem>>, %arg3: memref<10000x128xf32, #tpu.memory_space<vmem>>) attributes {dimension_semantics = [], scalar_prefetch = 0 : i64, scratch_operands = 0 : i64, tpu.core_type = #tpu.core_type<tc>} {
    %get3A = arith.constant 0 : index
    %get3A_0 = arith.constant 0 : index
    %get3A_1 = arith.constant 0 : index
    %get3A_2 = vector.load %arg0[%get3A, %get3A_0, %get3A_1] : memref<2x10112x64xf32, #tpu.memory_space<vmem>>, vector<1x10000x64xf32>
    %get3A_3 = vector.shape_cast %get3A_2 : vector<1x10000x64xf32> to vector<10000x64xf32>
    %get3A_4 = arith.constant 1 : index
    %get3A_5 = arith.constant 0 : index
    %get3A_6 = arith.constant 0 : index
    %get3A_7 = vector.load %arg0[%get3A_4, %get3A_5, %get3A_6] : memref<2x10112x64xf32, #tpu.memory_space<vmem>>, vector<1x10000x64xf32>
    %get3A_8 = vector.shape_cast %get3A_7 : vector<1x10000x64xf32> to vector<10000x64xf32>
    %concatenate3A = tpu.concatenate %get3A_3, %get3A_8 in 1 : vector<10000x64xf32>, vector<10000x64xf32> -> vector<10000x128xf32>
    %get3A_9 = arith.constant 0 : index
    %get3A_10 = vector.load %arg1[%get3A_9] : memref<10112xf32, #tpu.memory_space<vmem>>, vector<10000xf32>
    %broadcast_in_dim3A = vector.shape_cast %get3A_10 : vector<10000xf32> to vector<10000x1xf32>
    %mul3A = vector.broadcast %broadcast_in_dim3A : vector<10000x1xf32> to vector<10000x128xf32>
    %mul3A_11 = arith.mulf %concatenate3A, %mul3A : vector<10000x128xf32>
    %get3A_12 = arith.constant 0 : index
    %get3A_13 = vector.load %arg2[%get3A_12] : memref<128xf32, #tpu.memory_space<vmem>>, vector<128xf32>
    %broadcast_in_dim3A_14 = vector.shape_cast %get3A_13 : vector<128xf32> to vector<1x128xf32>
    %add3A = vector.broadcast %broadcast_in_dim3A_14 : vector<1x128xf32> to vector<10000x128xf32>
    %add3A_15 = arith.addf %mul3A_11, %add3A : vector<10000x128xf32>
    %swap3A = arith.constant 0 : index
    %swap3A_16 = arith.constant 0 : index
    %swap3A_17 = vector.load %arg3[%swap3A, %swap3A_16] : memref<10000x128xf32, #tpu.memory_space<vmem>>, vector<10000x128xf32>
    tpu.vector_store %arg3[%swap3A, %swap3A_16], %add3A_15 {strides = array<i32>} : memref<10000x128xf32, #tpu.memory_space<vmem>>, vector<10000x128xf32>,
    return
  }
}

</mosaic_0001>

<sc_bundles>
// kernel: kernel.6.cloned.1.call-start
scs
__scs_entry_jumppad:
0x0: {  	(pc) =	sbr.rel $0x88, $3  }
0x1: {  	(tag) =	ssettag $0x0;
	lr =	simm.s32 $0x1  }
0x2: {  	[smem:$0x3F9D] =	sst lr;
	_ =	strace $0xD0000000  }
0x3: {  	_ = 	snop  }
0x4: {  	_ = 	snop  }
0x5: {  	_ = 	snop  }
0x6: {  	_ = 	snop  }
0x7: {  	_ = 	snop  }
__scs_overlays_trampoline_lowered:
0x8: {  	[smem:$0x3FAC] =	sst s0  }
0x9: {  	[smem:$0x3FAD] =	sst s1  }
0xa: {  	[smem:$0x3FAE] =	sst s2  }
0xb: {  	[smem:$0x3FAF] =	sst s3  }
0xc: {  	[smem:$0x3FB0] =	sst s4  }
0xd: {  	[smem:$0x3FB1] =	sst s5  }
0xe: {  	[smem:$0x3FB2] =	sst s6  }
0xf: {  	[smem:$0x3FB3] =	sst s7  }
0x10: {  	[smem:$0x3FB4] =	sst s8  }
0x11: {  	[smem:$0x3FB5] =	sst s9;
	s0 =	simm.s32 @!p0 $0x0  }
0x12: {  	s1 =	sld [smem:$0x3F9B];
	s0 =	simm.s32 @p0 $0x1  }
0x13: {  	[smem:$0x3FB6] =	sst s0;
	s0 =	simm.s32 @!p1 $0x0  }
0x14: {  	s2 =	sld [smem:$0x3F9A];
	s0 =	simm.s32 @p1 $0x1  }
0x15: {  	[smem:$0x3FB7] =	sst s0;
	s0 =	simm.s32 @!p2 $0x0  }
0x16: {  	s3 =	sld [smem:$0x3FDB];
	s0 =	simm.s32 @p2 $0x1  }
0x17: {  	s4 =	simm.s32 $0x1BF5;
	[smem:$0x3FB9] =	sst s0  }
0x18: {  	s0 =	sld [smem:$0x3F9C];
	_ =	swait.ge [sflag:s4], $0x0  }
0x19: {  	s7 =	sld [smem:$0x3F9D]  }
0x1a: {  	s8 =	sadd.s32 $0xFFFFE003, lr  }
0x1b: {  	s9 =	sadd.s32 $0xFFFFFEF7, lr;
	s5 =	simm.s32 $0xFFFFFFFF;
	p2 =	slt.u32 s8, $0xFFFFF086  }
0x1c: {  	p1 =	slt.u32 s9, $0xF7A;
	s5 =	simm.s32 @!p2 $0x0  }
0x1d: {  	s5 =	simm.s32 @p1 $0x1;
	p0 =	seq.s32 s7, s2  }
0x1e: {  	s7 =	smul.u32 @!p0 $0xF7A, s2;
	p2 =	seq.s32 @!p0 s5, $0x0  }
0x1f: {  	s9 =	smul.u32 $0xF7A, s1;
	s8 =	simm.s32 @!p0 $0x1BF5;
	p2 =	por !p2, p0  }
0x20: {  	[sflag:s8] =	ssyncset.s32 @!p0 $0xFFFFF086;
	s6 =	sadd.s32 @!p0 s3, s7;
	s7 =	simm.s32 @!p0 $0x108  }
0x21: {  	s3 =	sadd.s32 s3, s9;
	s6 =	sadd.s32 @!p0 $0x88, s6;
	s7 =	simm.s32 @p2 $0x1082  }
0x22: {  	[simem:s7], [sflag:s8] =	dma.local @!p0 [hbm:s6], $0xF7A  }
0x23: {  	s9 =	sor.u32 $0xD0000000, s2;
	s6 =	simm.s32 $0x108;
	_ =	swait.ge @!p0 [sflag:s8], $0x0  }
0x24: {  	s3 =	sadd.s32 $0x88, s3;
	s6 =	simm.s32 @!p1 $0x1082;
	[sflag:s4] =	ssyncset.s32 $0xFFFFF086  }
0x25: {  	[simem:s6], [sflag:s4] =	dma.local [hbm:s3], $0xF7A  }
0x26: {  	[smem:$0x3F9D] =	sst s1;
	(tag) =	ssettag s2;
	_ =	strace s9  }
0x27: {  	s1 =	sld [smem:$0x3FAD]  }
0x28: {  	s2 =	sld [smem:$0x3FAE]  }
0x29: {  	s4 =	sld [smem:$0x3FB0]  }
0x2a: {  	p0 =	seq.s32 s5, $0x0;
	s5 =	sld [smem:$0x3FB1]  }
0x2b: {  	s6 =	sld [smem:$0x3FB2]  }
0x2c: {  	s7 =	sld [smem:$0x3FB3]  }
0x2d: {  	s3 =	simm.s32 $0x108;
	s8 =	sld [smem:$0x3FB4]  }
0x2e: {  	s3 =	simm.s32 @!p0 $0x1082;
	s9 =	sld [smem:$0x3FB5]  }
0x2f: {  	lr =	sadd.s32 s0, s3;
	s0 =	sld [smem:$0x3FAC]  }
0x30: {  	s3 =	sld [smem:$0x3FAF]  }
0x31: {  	[smem:$0x3FB8] =	sst s10  }
0x32: {  	s10 =	sld [smem:$0x3FB6];
	_ =	sdelay $0x3  }
0x33: {  	p0 =	seq.s32 s10, $0x1;
	s10 =	sld [smem:$0x3FB8];
	_ =	sdelay $0x3  }
0x34: {  	[smem:$0x3FB8] =	sst s10  }
0x35: {  	s10 =	sld [smem:$0x3FB7];
	_ =	sdelay $0x3  }
0x36: {  	p1 =	seq.s32 s10, $0x1;
	s10 =	sld [smem:$0x3FB8];
	_ =	sdelay $0x3  }
0x37: {  	[smem:$0x3FB8] =	sst s10  }
0x38: {  	s10 =	sld [smem:$0x3FB9]  }
0x39: {  	_ = 	snop;
	(pc) =	sbr.ind lr, $3  }
0x3a: {  	_ = 	snop  }
0x3b: {  	_ = 	snop  }
0x3c: {  	p2 =	seq.s32 s10, $0x1;
	s10 =	sld [smem:$0x3FB8]  }
0x3d: {  	_ =	shalt  }
0x3e: {  	_ =	shalt  }
0x3f: {  	_ =	shalt  }
0x40: {  	_ =	shalt  }
0x41: {  	_ =	shalt  }
0x42: {  	_ =	shalt  }
0x43: {  	_ =	shalt  }
0x44: {  	_ =	shalt  }
0x45: {  	_ =	shalt  }
0x46: {  	_ =	shalt  }
0x47: {  	_ =	shalt  }
0x48: {  	_ =	shalt  }
0x49: {  	_ =	shalt  }
0x4a: {  	_ =	shalt  }
0x4b: {  	_ =	shalt  }
0x4c: {  	_ =	shalt  }
0x4d: {  	_ =	shalt  }
0x4e: {  	_ =	shalt  }
0x4f: {  	_ =	shalt  }
0x50: {  	_ =	shalt  }
0x51: {  	_ =	shalt  }
0x52: {  	_ =	shalt  }
0x53: {  	_ =	shalt  }
0x54: {  	_ =	shalt  }
0x55: {  	_ =	shalt  }
0x56: {  	_ =	shalt  }
0x57: {  	_ =	shalt  }
0x58: {  	_ =	shalt  }
0x59: {  	_ =	shalt  }
0x5a: {  	_ =	shalt  }
0x5b: {  	_ =	shalt  }
0x5c: {  	_ =	shalt  }
0x5d: {  	_ =	shalt  }
0x5e: {  	_ =	shalt  }
0x5f: {  	_ =	shalt  }
0x60: {  	_ =	shalt  }
0x61: {  	_ =	shalt  }
0x62: {  	_ =	shalt  }
0x63: {  	_ =	shalt  }
0x64: {  	_ =	shalt  }
0x65: {  	_ =	shalt  }
0x66: {  	_ =	shalt  }
0x67: {  	_ =	shalt  }
0x68: {  	_ =	shalt  }
0x69: {  	_ =	shalt  }
0x6a: {  	_ =	shalt  }
0x6b: {  	_ =	shalt  }
0x6c: {  	_ =	shalt  }
0x6d: {  	_ =	shalt  }
0x6e: {  	_ =	shalt  }
0x6f: {  	_ =	shalt  }
0x70: {  	_ =	shalt  }
0x71: {  	_ =	shalt  }
0x72: {  	_ =	shalt  }
0x73: {  	_ =	shalt  }
0x74: {  	_ =	shalt  }
0x75: {  	_ =	shalt  }
0x76: {  	_ =	shalt  }
0x77: {  	_ =	shalt  }
0x78: {  	_ =	shalt  }
0x79: {  	_ =	shalt  }
0x7a: {  	_ =	shalt  }
0x7b: {  	_ =	shalt  }
0x7c: {  	_ =	shalt  }
0x7d: {  	_ =	shalt  }
0x7e: {  	_ =	shalt  }
0x7f: {  	_ =	shalt  }
0x80: {  	_ =	shalt  }
0x81: {  	_ =	shalt  }
0x82: {  	_ =	shalt  }
0x83: {  	_ =	shalt  }
0x84: {  	_ =	shalt  }
0x85: {  	_ =	shalt  }
0x86: {  	_ =	shalt  }
0x87: {  	_ =	shalt  }
.Lfunc_end0:
.L_simem_size_0:
called_computation_lowered:
.L_overlay_start_0:
0x88: {  	s2 =	sld [smem:$0x3FD9]  }
0x89: {  	s3 =	sld [smem:$0x3FFE];
	_ =	sdelay $0x1  }
0x8a: {  	s1 =	srdreg.scid  }
0x8b: {  	s0 =	sand.u32 $0x1, s1  }
0x8c: {  	s17 =	sshll.u32 s0, $0xA;
	s2 =	sadd.s32 s3, s2  }
0x8d: {  	s2 =	sadd.s32 s2, s17  }
0x8e: {  	[smem:$0x3FC4] =	sst s2  }
0x8f: {  	_ = 	snop  }
0x90: {  	s2 =	sld [smem:$0x3FD0];
	(tm) =	ssettm $0x1  }
0x91: {  	s18 =	sld [smem:$0x3FFB];
	_ =	sdelay $0x3  }
0x92: {  	_ =	strace s18  }
0x93: {  	s3 =	sld [smem:$0x3FFC];
	_ =	sdelay $0x3  }
0x94: {  	_ =	strace s3  }
0x95: {  	s3 =	sld [smem:$0x3FFD];
	_ =	sdelay $0x3  }
0x96: {  	_ =	strace s3  }
0x97: {  	_ =	strace $0x8FFFFFFF  }
0x98: {  	s19 =	sld [smem:$0x3FDB];
	_ =	sdelay $0x1  }
0x99: {  	s4 =	simm.s32 $_scs_section_size  }
0x9a: {  	s5 =	simm.s32 $_size__tile_overlayer_lowered;
	s6 =	simm.s32 $_tile_overlayer_lowered  }
0x9b: {  	s22 =	simm.s32 $0x1BFF;
	s21 =	sshll.u32 s6, $0x1;
	s3 =	sadd.s32 s4, s19  }
0x9c: {  	s7 =	simm.s32 $0x0;
	s20 =	sshll.u32 s5, $0x1;
	s5 =	sadd.s32 s21, s3  }
0x9d: {  	[timem:s7], [sflag:s22] =	dma.local [hbm:s5], s20  }
0x9e: {  	_ =	swait.ge [sflag:s22], s20  }
0x9f: {  	s4 =	ssub.s32 $0x0, s20;
	[sflag:s22] =	ssyncset.done $0x0  }
0xa0: {  	[sflag:s22] =	ssyncadd.s32 s4;
	_ =	sdelay $0x1  }
0xa1: {  	s23 =	simm.s32 $0x1B8B  }
0xa2: {  	_ =	swait.ge [sflag:s23], $0x1  }
0xa3: {  	[sflag:s23] =	ssyncset.done $0x0  }
0xa4: {  	s25 =	simm.s32 $0x1B8E;
	s24 =	sld [smem:$0x3FFE];
	[sflag:s23] =	ssyncadd.s32 $0xFFFFFFFF  }
0xa5: {  	s26 =	simm.s32 $execute0_lowered;
	[smem:$0x3FD2] =	sst s25  }
0xa6: {  	s5 =	sshll.u32 s26, $0x1;
	_ =	strace $0x80000046;
	[dreg:$0x1] =	wrdreg $0xFFFFFFFF  }
0xa7: {  	s28 =	simm.s32 $_size_execute0_lowered;
	s3 =	sadd.s32 s3, s5;
	[dreg:$0x0] =	wrdreg $0x0  }
0xa8: {  	s5 =	sshll.u32 s28, $0x1;
	[dreg:$0x2] =	wrdreg s3  }
0xa9: {  	[dreg:$0x3] =	wrdreg s5  }
0xaa: {  	[dreg:$0x4] =	wrdreg $0xC0  }
0xab: {  	_ =	task [dreg:s7], $0x5FFFF  }
0xac: {  	[dreg:$0x1] =	wrdreg $0xFFFFFFFF  }
0xad: {  	[dreg:$0x0] =	wrdreg $0x60  }
0xae: {  	[dreg:$0x2] =	wrdreg s2  }
0xaf: {  	[dreg:$0x3] =	wrdreg s24  }
0xb0: {  	[dreg:$0x4] =	wrdreg $0x78000  }
0xb1: {  	[dreg:$0x5] =	wrdreg $0x7A780  }
0xb2: {  	[dreg:$0x6] =	wrdreg $0x9  }
0xb3: {  	_ =	task.clear_ibuf [dreg:s7], $0x7FFFF;
	_ =	strace $0x90000046  }
0xb4: {  	s29 =	simm.s32 $0x9;
	_ =	strace $0x80000048  }
0xb5: {  	_ =	swait.ge [sflag:s29], $0x1  }
0xb6: {  	[sflag:s29] =	ssyncadd.s32 $0xFFFFFFFF  }
0xb7: {  	_ =	strace $0x90000048  }
0xb8: {  	_ =	sfence  }
0xb9: {  	s30 =	sld [smem:$0x0];
	_ =	sdelay $0x2  }
0xba: {  	s31 =	sshll.u32 s1, $0xD;
	s1 =	sshrl.u32 s1, $0x2  }
0xbb: {  	s3 =	sand.u32 $0x4000, s31;
	s1 =	sadd.s32 s1, s30  }
0xbc: {  	s0 =	sor.u32 s3, s0;
	s1 =	sshll.u32 s1, $0x11  }
0xbd: {  	s0 =	sor.u32 s1, s0  }
0xbe: {  	s0 =	sadd.s32 $0x8F2B, s0  }
0xbf: {  	[sflag:s0] =	ssyncadd.remote.s32 $0x1  }
0xc0: {  	_ =	sfence.sel $0xFFFF  }
0xc1: {  	[dreg:$0x0] =	wrdreg $0xFFFFFFFF;
	(pc) =	sbr.abs _section_cstart, $3  }
0xc2: {  	[dreg:$0x1] =	wrdreg $0xFFFFFFFF  }
0xc3: {  	_ =	task.clear_ibuf [dreg:s7], $0x2FFFF;
	_ =	strace $0x9FFFFFFF  }
0xc4: {  	(tm) =	ssettm $0x7FFFFFFF  }
0xc5: {  	_ =	shalt  }
tec
execute0_lowered:
.L_overlay_start_1:
0x0: {  	(tag) =	ssettag $0x1  }
0x1: {  	s4 =	rddreg [dreg:$0x0]  }
0x2: {  	s5 =	rddreg [dreg:$0x1];
	s0 =	srdreg.scid  }
0x3: {  	s10 =	stileid.u32;
	s1 =	rddreg [dreg:$0x2]  }
0x4: {  	s2 =	rddreg [dreg:$0x3];
	s3 =	simm.s32 $0x0;
	p2 =	por $0x0, $0x0  }
0x5: {  	s14 =	simm.s32 $0x1;
	s6 =	sand.u32 $0x1, s0;
	s0 =	rddreg [dreg:$0x4]  }
0x6: {  	s15 =	simm.s32 $0x0;
	s7 =	smul.u32 $0x5000, s10;
	[smem:$0x7FF] =	sst s3  }
0x7: {  	s13 =	sadd.s32 $0xAE00, s5;
	p0 =	sne.s32 s10, $0x0;
	s8 =	smul.u32 $0x2800, s6  }
0x8: {  	p1 =	sgt.u32 s10, $0x1;
	s10 =	simm.s32 $0x2;
	s12 =	smul.u32 $0x4F00, s6  }
0x9: {  	_ =	strace $0x80000047;
	s29 =	ssub.s32 $0x2, s6;
	s6 =	smul.u32 $0x9E0, s6  }
0xa: {  	p2 =	por @!p1 p0, p0;
	s11 =	sshrl.u32 s29, $0x1;
	s7 =	sadd.s32 s8, s7  }
0xb: {  	s11 =	ssub.s32 s29, s11;
	s30 =	sshrl.u32 s12, $0x3;
	s6 =	sadd.s32 s13, s6  }
0xc: {  	s12 =	simm.s32 $0x80;
	s7 =	sshrl.u32 s7, $0x3;
	s31 =	sadd.s32 s13, s30  }
0xd: {  	s13 =	simm.s32 $0x5000;
	s9 =	sadd.s32 s7, s5;
	s4 =	sadd.s32 s4, s7  }
0xe: {  	s7 =	smov.u32 s1;
	s8 =	sadd.s32 $0x4F0, s31;
	s5 =	sadd.s32 $0xE00, s9  }
0xf: {  	v0 =	vimm.f32 $1.000000000e+00;
	v1 =	vimm.f32 $0.0e+00;
	s9 =	smax.u32 s11, $0x1;
	s7 =	smov.u32 @p0 s2;
	s11 =	simm.s32 $0x2800  }
.LBB2_1:
0x10: {  	[tilespmem:$0x5000] =	vst v0  }
0x11: {  	[tilespmem:$0x5010] =	vst v0  }
0x12: {  	[tilespmem:$0x5020] =	vst v0  }
0x13: {  	[tilespmem:$0x5030] =	vst v0  }
0x14: {  	[tilespmem:$0x5040] =	vst v0  }
0x15: {  	[tilespmem:$0x5050] =	vst v0  }
0x16: {  	[tilespmem:$0x5060] =	vst v0  }
0x17: {  	[tilespmem:$0x5070] =	vst v0;
	s16 =	simm.s32 $0x40;
	s17 =	simm.s32 $0x0  }
.LBB2_2:
0x18: {  	p3 =	sne.s32 s16, $0x9DC0;
	[tilespmem:s17+$0x5080] =	vst v1;
	s17 =	smov.u32 s16;
	s16 =	sadd.s32 $0x40, s16  }
.Ltmp0:
0x19: {  	(pc) =	sbr.rel @p3 .LBB2_2-.Ltmp0, $2  }
0x1a: {  	_ =	sdelay $0x2  }
0x1b: {  	s17 =	sshra.s32 s17, $0x2  }
0x1c: {  	[tilespmem:s17+$0x5080] =	vst v1  }
0x1d: {  	[tilespmem:s3], [sflag:$0x2] =	stream.linear.gather [hbm4b:s4+s3], $0x2800, $0x38;
	[tilespmem:$0x7CF0] =	vst v63  }
0x1e: {  	_ =	swait.ge [sflag:s10], $0x2800  }
0x1f: {  	[sflag:s10] =	ssyncset.done $0x0  }
0x20: {  	[sflag:s10] =	ssyncadd.s32 $0xFFFFD800  }
0x21: {  	[tilespmem:s11], [sflag:$0x2] =	stream.linear.gather [hbm4b:s5+s3], $0x2800, $0x38;
	[tilespmem:$0x7CF0] =	vst v63  }
0x22: {  	_ =	swait.ge [sflag:s10], $0x2800  }
0x23: {  	[sflag:s10] =	ssyncset.done $0x0  }
0x24: {  	s16 =	simm.s32 @!p1 $0x5080;
	[sflag:s10] =	ssyncadd.s32 $0xFFFFD800  }
0x25: {  	[spmem:s7] =	stream.linear.scatter @!p1 [tilespmem:s16], [sflag:$0x2], $0x2780, $0x38;
	[tilespmem:$0x7CF0] =	vst v63  }
0x26: {  	s16 =	simm.s32 @!p1 $0x2  }
0x27: {  	_ =	swait.ge @!p1 [sflag:s16], $0x2780  }
0x28: {  	[sflag:s16] =	ssyncset.done @!p1 $0x0  }
0x29: {  	[sflag:s16] =	ssyncadd.s32 @!p1 $0xFFFFD880  }
0x2a: {  	s30 =	simm.s32 $0x0;
	[bflag:$0x0] =	sbarrier.arrive $0xFFFF  }
0x2b: {  	[spmem:s1] =	stream.indirect.scatter.add.f32 [tilespmem:s13], [sflag:$0x1], $0x1, s30, s12, $0xb8;
	[tilespmem:$0x7CF0] =	vst v63  }
0x2c: {  	s31 =	simm.s32 $0x2800  }
0x2d: {  	[spmem:s2] =	stream.indirect.scatter.add.f32 [tilespmem:s13], [sflag:$0x1], $0x1, s31, s12, $0xb8;
	[tilespmem:$0x7CF0] =	vst v63  }
0x2e: {  	s17 =	simm.s32 $0x80  }
0x2f: {  	[spmem:s1] =	stream.indirect.scatter.add.f32 [tilespmem:s13], [sflag:$0x1], $0x1, s17, s12, $0xb8;
	[tilespmem:$0x7CF0] =	vst v63  }
0x30: {  	s18 =	simm.s32 $0x2880  }
0x31: {  	[spmem:s2] =	stream.indirect.scatter.add.f32 [tilespmem:s13], [sflag:$0x1], $0x1, s18, s12, $0xb8;
	[tilespmem:$0x7CF0] =	vst v63  }
0x32: {  	s19 =	simm.s32 $0x100  }
0x33: {  	[spmem:s1] =	stream.indirect.scatter.add.f32 [tilespmem:s13], [sflag:$0x1], $0x1, s19, s12, $0xb8;
	[tilespmem:$0x7CF0] =	vst v63  }
0x34: {  	s20 =	simm.s32 $0x2900  }
0x35: {  	[spmem:s2] =	stream.indirect.scatter.add.f32 [tilespmem:s13], [sflag:$0x1], $0x1, s20, s12, $0xb8;
	[tilespmem:$0x7CF0] =	vst v63  }
0x36: {  	s21 =	simm.s32 $0x180  }
0x37: {  	[spmem:s1] =	stream.indirect.scatter.add.f32 [tilespmem:s13], [sflag:$0x1], $0x1, s21, s12, $0xb8;
	[tilespmem:$0x7CF0] =	vst v63  }
0x38: {  	s22 =	simm.s32 $0x2980  }
0x39: {  	[spmem:s2] =	stream.indirect.scatter.add.f32 [tilespmem:s13], [sflag:$0x1], $0x1, s22, s12, $0xb8;
	[tilespmem:$0x7CF0] =	vst v63  }
0x3a: {  	s23 =	simm.s32 $0x200  }
0x3b: {  	[spmem:s1] =	stream.indirect.scatter.add.f32 [tilespmem:s13], [sflag:$0x1], $0x1, s23, s12, $0xb8;
	[tilespmem:$0x7CF0] =	vst v63  }
0x3c: {  	s24 =	simm.s32 $0x2A00  }
0x3d: {  	[spmem:s2] =	stream.indirect.scatter.add.f32 [tilespmem:s13], [sflag:$0x1], $0x1, s24, s12, $0xb8;
	[tilespmem:$0x7CF0] =	vst v63  }
0x3e: {  	s25 =	simm.s32 $0x280  }
0x3f: {  	[spmem:s1] =	stream.indirect.scatter.add.f32 [tilespmem:s13], [sflag:$0x1], $0x1, s25, s12, $0xb8;
	[tilespmem:$0x7CF0] =	vst v63  }
0x40: {  	s26 =	simm.s32 $0x2A80  }
0x41: {  	[spmem:s2] =	stream.indirect.scatter.add.f32 [tilespmem:s13], [sflag:$0x1], $0x1, s26, s12, $0xb8;
	[tilespmem:$0x7CF0] =	vst v63  }
0x42: {  	s28 =	simm.s32 $0x300  }
0x43: {  	[spmem:s1] =	stream.indirect.scatter.add.f32 [tilespmem:s13], [sflag:$0x1], $0x1, s28, s12, $0xb8;
	[tilespmem:$0x7CF0] =	vst v63  }
0x44: {  	s29 =	simm.s32 $0x2B00  }
0x45: {  	[spmem:s2] =	stream.indirect.scatter.add.f32 [tilespmem:s13], [sflag:$0x1], $0x1, s29, s12, $0xb8;
	[tilespmem:$0x7CF0] =	vst v63  }
0x46: {  	s30 =	simm.s32 $0x380  }
0x47: {  	[spmem:s1] =	stream.indirect.scatter.add.f32 [tilespmem:s13], [sflag:$0x1], $0x1, s30, s12, $0xb8;
	[tilespmem:$0x7CF0] =	vst v63  }
0x48: {  	s31 =	simm.s32 $0x2B80  }
0x49: {  	[spmem:s2] =	stream.indirect.scatter.add.f32 [tilespmem:s13], [sflag:$0x1], $0x1, s31, s12, $0xb8;
	[tilespmem:$0x7CF0] =	vst v63  }
0x4a: {  	_ =	swait.ge [sflag:s14], $0x80  }
0x4b: {  	[sflag:s14] =	ssyncset.done $0x0  }
0x4c: {  	[sflag:s14] =	ssyncadd.s32 $0xFFFFFF80  }
0x4d: {  	_ =	swait.ge [sflag:s14], $0x80  }
0x4e: {  	[sflag:s14] =	ssyncset.done $0x0  }
0x4f: {  	[sflag:s14] =	ssyncadd.s32 $0xFFFFFF80  }
0x50: {  	_ =	swait.ge [sflag:s14], $0x80  }
0x51: {  	[sflag:s14] =	ssyncset.done $0x0  }
0x52: {  	[sflag:s14] =	ssyncadd.s32 $0xFFFFFF80  }
0x53: {  	_ =	swait.ge [sflag:s14], $0x80  }
0x54: {  	[sflag:s14] =	ssyncset.done $0x0  }
0x55: {  	[sflag:s14] =	ssyncadd.s32 $0xFFFFFF80  }
0x56: {  	_ =	swait.ge [sflag:s14], $0x80  }
0x57: {  	[sflag:s14] =	ssyncset.done $0x0  }
0x58: {  	[sflag:s14] =	ssyncadd.s32 $0xFFFFFF80  }
0x59: {  	_ =	swait.ge [sflag:s14], $0x80  }
0x5a: {  	[sflag:s14] =	ssyncset.done $0x0  }
0x5b: {  	[sflag:s14] =	ssyncadd.s32 $0xFFFFFF80  }
0x5c: {  	_ =	swait.ge [sflag:s14], $0x80  }
0x5d: {  	[sflag:s14] =	ssyncset.done $0x0  }
0x5e: {  	[sflag:s14] =	ssyncadd.s32 $0xFFFFFF80  }
0x5f: {  	_ =	swait.ge [sflag:s14], $0x80  }
0x60: {  	[sflag:s14] =	ssyncset.done $0x0  }
0x61: {  	[sflag:s14] =	ssyncadd.s32 $0xFFFFFF80  }
0x62: {  	_ =	swait.ge [sflag:s14], $0x80  }
0x63: {  	[sflag:s14] =	ssyncset.done $0x0  }
0x64: {  	[sflag:s14] =	ssyncadd.s32 $0xFFFFFF80  }
0x65: {  	_ =	swait.ge [sflag:s14], $0x80  }
0x66: {  	[sflag:s14] =	ssyncset.done $0x0  }
0x67: {  	[sflag:s14] =	ssyncadd.s32 $0xFFFFFF80  }
0x68: {  	_ =	swait.ge [sflag:s14], $0x80  }
0x69: {  	[sflag:s14] =	ssyncset.done $0x0  }
0x6a: {  	[sflag:s14] =	ssyncadd.s32 $0xFFFFFF80  }
0x6b: {  	_ =	swait.ge [sflag:s14], $0x80  }
0x6c: {  	[sflag:s14] =	ssyncset.done $0x0  }
0x6d: {  	[sflag:s14] =	ssyncadd.s32 $0xFFFFFF80  }
0x6e: {  	_ =	swait.ge [sflag:s14], $0x80  }
0x6f: {  	[sflag:s14] =	ssyncset.done $0x0  }
0x70: {  	[sflag:s14] =	ssyncadd.s32 $0xFFFFFF80  }
0x71: {  	_ =	swait.ge [sflag:s14], $0x80  }
0x72: {  	[sflag:s14] =	ssyncset.done $0x0  }
0x73: {  	[sflag:s14] =	ssyncadd.s32 $0xFFFFFF80  }
0x74: {  	_ =	swait.ge [sflag:s14], $0x80  }
0x75: {  	[sflag:s14] =	ssyncset.done $0x0  }
0x76: {  	[sflag:s14] =	ssyncadd.s32 $0xFFFFFF80  }
0x77: {  	_ =	swait.ge [sflag:s14], $0x80  }
0x78: {  	s16 =	simm.s32 $0x1000;
	s19 =	simm.s32 $0x2000;
	[sflag:s14] =	ssyncset.done $0x0  }
.LBB2_4:
0x79: {  	s18 =	sshra.s32 s16, $0x2  }
0x7a: {  	[sflag:s14] =	ssyncadd.s32 $0xFFFFFF80;
	s16 =	smov.u32 s19;
	s17 =	sadd.s32 $0x1000, s19  }
0x7b: {  	[spmem:s1] =	stream.indirect.scatter.add.f32 [tilespmem:s13], [sflag:$0x1], $0x1, s18, s12, $0xb8;
	[tilespmem:$0x7CF0] =	vst v63  }
0x7c: {  	p3 =	sne.s32 s19, $0x9000;
	s19 =	sadd.s32 $0x2800, s18  }
0x7d: {  	[spmem:s2] =	stream.indirect.scatter.add.f32 [tilespmem:s13], [sflag:$0x1], $0x1, s19, s12, $0xb8;
	[tilespmem:$0x7CF0] =	vst v63  }
0x7e: {  	s19 =	sadd.s32 $0x80, s18  }
0x7f: {  	[spmem:s1] =	stream.indirect.scatter.add.f32 [tilespmem:s13], [sflag:$0x1], $0x1, s19, s12, $0xb8;
	[tilespmem:$0x7CF0] =	vst v63  }
0x80: {  	s19 =	sadd.s32 $0x2880, s18  }
0x81: {  	[spmem:s2] =	stream.indirect.scatter.add.f32 [tilespmem:s13], [sflag:$0x1], $0x1, s19, s12, $0xb8;
	[tilespmem:$0x7CF0] =	vst v63  }
0x82: {  	s19 =	sadd.s32 $0x100, s18  }
0x83: {  	[spmem:s1] =	stream.indirect.scatter.add.f32 [tilespmem:s13], [sflag:$0x1], $0x1, s19, s12, $0xb8;
	[tilespmem:$0x7CF0] =	vst v63  }
0x84: {  	s19 =	sadd.s32 $0x2900, s18  }
0x85: {  	[spmem:s2] =	stream.indirect.scatter.add.f32 [tilespmem:s13], [sflag:$0x1], $0x1, s19, s12, $0xb8;
	[tilespmem:$0x7CF0] =	vst v63  }
0x86: {  	s19 =	sadd.s32 $0x180, s18  }
0x87: {  	[spmem:s1] =	stream.indirect.scatter.add.f32 [tilespmem:s13], [sflag:$0x1], $0x1, s19, s12, $0xb8;
	[tilespmem:$0x7CF0] =	vst v63  }
0x88: {  	s19 =	sadd.s32 $0x2980, s18  }
0x89: {  	[spmem:s2] =	stream.indirect.scatter.add.f32 [tilespmem:s13], [sflag:$0x1], $0x1, s19, s12, $0xb8;
	[tilespmem:$0x7CF0] =	vst v63  }
0x8a: {  	s19 =	sadd.s32 $0x200, s18  }
0x8b: {  	[spmem:s1] =	stream.indirect.scatter.add.f32 [tilespmem:s13], [sflag:$0x1], $0x1, s19, s12, $0xb8;
	[tilespmem:$0x7CF0] =	vst v63  }
0x8c: {  	s19 =	sadd.s32 $0x2A00, s18  }
0x8d: {  	[spmem:s2] =	stream.indirect.scatter.add.f32 [tilespmem:s13], [sflag:$0x1], $0x1, s19, s12, $0xb8;
	[tilespmem:$0x7CF0] =	vst v63  }
0x8e: {  	s19 =	sadd.s32 $0x280, s18  }
0x8f: {  	[spmem:s1] =	stream.indirect.scatter.add.f32 [tilespmem:s13], [sflag:$0x1], $0x1, s19, s12, $0xb8;
	[tilespmem:$0x7CF0] =	vst v63  }
0x90: {  	s19 =	sadd.s32 $0x2A80, s18  }
0x91: {  	[spmem:s2] =	stream.indirect.scatter.add.f32 [tilespmem:s13], [sflag:$0x1], $0x1, s19, s12, $0xb8;
	[tilespmem:$0x7CF0] =	vst v63  }
0x92: {  	s19 =	sadd.s32 $0x300, s18  }
0x93: {  	[spmem:s1] =	stream.indirect.scatter.add.f32 [tilespmem:s13], [sflag:$0x1], $0x1, s19, s12, $0xb8;
	[tilespmem:$0x7CF0] =	vst v63  }
0x94: {  	s19 =	sadd.s32 $0x2B00, s18  }
0x95: {  	[spmem:s2] =	stream.indirect.scatter.add.f32 [tilespmem:s13], [sflag:$0x1], $0x1, s19, s12, $0xb8;
	[tilespmem:$0x7CF0] =	vst v63  }
0x96: {  	s19 =	sadd.s32 $0x380, s18  }
0x97: {  	[spmem:s1] =	stream.indirect.scatter.add.f32 [tilespmem:s13], [sflag:$0x1], $0x1, s19, s12, $0xb8;
	[tilespmem:$0x7CF0] =	vst v63  }
0x98: {  	s18 =	sadd.s32 $0x2B80, s18  }
0x99: {  	[spmem:s2] =	stream.indirect.scatter.add.f32 [tilespmem:s13], [sflag:$0x1], $0x1, s18, s12, $0xb8;
	[tilespmem:$0x7CF0] =	vst v63  }
0x9a: {  	_ =	swait.ge [sflag:s14], $0x80  }
0x9b: {  	[sflag:s14] =	ssyncset.done $0x0  }
0x9c: {  	[sflag:s14] =	ssyncadd.s32 $0xFFFFFF80  }
0x9d: {  	_ =	swait.ge [sflag:s14], $0x80  }
0x9e: {  	[sflag:s14] =	ssyncset.done $0x0  }
0x9f: {  	[sflag:s14] =	ssyncadd.s32 $0xFFFFFF80  }
0xa0: {  	_ =	swait.ge [sflag:s14], $0x80  }
0xa1: {  	[sflag:s14] =	ssyncset.done $0x0  }
0xa2: {  	[sflag:s14] =	ssyncadd.s32 $0xFFFFFF80  }
0xa3: {  	_ =	swait.ge [sflag:s14], $0x80  }
0xa4: {  	[sflag:s14] =	ssyncset.done $0x0  }
0xa5: {  	[sflag:s14] =	ssyncadd.s32 $0xFFFFFF80  }
0xa6: {  	_ =	swait.ge [sflag:s14], $0x80  }
0xa7: {  	[sflag:s14] =	ssyncset.done $0x0  }
0xa8: {  	[sflag:s14] =	ssyncadd.s32 $0xFFFFFF80  }
0xa9: {  	_ =	swait.ge [sflag:s14], $0x80  }
0xaa: {  	[sflag:s14] =	ssyncset.done $0x0  }
0xab: {  	[sflag:s14] =	ssyncadd.s32 $0xFFFFFF80  }
0xac: {  	_ =	swait.ge [sflag:s14], $0x80  }
0xad: {  	[sflag:s14] =	ssyncset.done $0x0  }
0xae: {  	[sflag:s14] =	ssyncadd.s32 $0xFFFFFF80  }
0xaf: {  	_ =	swait.ge [sflag:s14], $0x80  }
0xb0: {  	[sflag:s14] =	ssyncset.done $0x0  }
0xb1: {  	[sflag:s14] =	ssyncadd.s32 $0xFFFFFF80  }
0xb2: {  	_ =	swait.ge [sflag:s14], $0x80  }
0xb3: {  	[sflag:s14] =	ssyncset.done $0x0  }
0xb4: {  	[sflag:s14] =	ssyncadd.s32 $0xFFFFFF80  }
0xb5: {  	_ =	swait.ge [sflag:s14], $0x80  }
0xb6: {  	[sflag:s14] =	ssyncset.done $0x0  }
0xb7: {  	[sflag:s14] =	ssyncadd.s32 $0xFFFFFF80  }
0xb8: {  	_ =	swait.ge [sflag:s14], $0x80  }
0xb9: {  	[sflag:s14] =	ssyncset.done $0x0  }
0xba: {  	[sflag:s14] =	ssyncadd.s32 $0xFFFFFF80  }
0xbb: {  	_ =	swait.ge [sflag:s14], $0x80  }
0xbc: {  	[sflag:s14] =	ssyncset.done $0x0  }
0xbd: {  	[sflag:s14] =	ssyncadd.s32 $0xFFFFFF80  }
0xbe: {  	_ =	swait.ge [sflag:s14], $0x80  }
0xbf: {  	[sflag:s14] =	ssyncset.done $0x0  }
0xc0: {  	[sflag:s14] =	ssyncadd.s32 $0xFFFFFF80  }
0xc1: {  	_ =	swait.ge [sflag:s14], $0x80  }
0xc2: {  	[sflag:s14] =	ssyncset.done $0x0  }
0xc3: {  	[sflag:s14] =	ssyncadd.s32 $0xFFFFFF80  }
.Ltmp1:
0xc4: {  	_ =	swait.ge [sflag:s14], $0x80;
	(pc) =	sbr.rel @p3 .LBB2_4-.Ltmp1, $4  }
0xc5: {  	[sflag:s14] =	ssyncset.done $0x0  }
0xc6: {  	[sflag:s14] =	ssyncadd.s32 $0xFFFFFF80  }
0xc7: {  	_ =	swait.ge [sflag:s14], $0x80  }
0xc8: {  	s19 =	smov.u32 s17;
	[sflag:s14] =	ssyncset.done $0x0  }
0xc9: {  	s16 =	sshra.s32 s16, $0x2;
	[sflag:s14] =	ssyncadd.s32 $0xFFFFFF80  }
0xca: {  	[spmem:s1] =	stream.indirect.scatter.add.f32 [tilespmem:s13], [sflag:$0x1], $0x1, s16, s12, $0xb8;
	[tilespmem:$0x7CF0] =	vst v63  }
0xcb: {  	s17 =	sadd.s32 $0x2800, s16  }
0xcc: {  	[spmem:s2] =	stream.indirect.scatter.add.f32 [tilespmem:s13], [sflag:$0x1], $0x1, s17, s12, $0xb8;
	[tilespmem:$0x7CF0] =	vst v63  }
0xcd: {  	s18 =	sadd.s32 $0x80, s16  }
0xce: {  	[spmem:s1] =	stream.indirect.scatter.add.f32 [tilespmem:s13], [sflag:$0x1], $0x1, s18, s12, $0xb8;
	[tilespmem:$0x7CF0] =	vst v63  }
0xcf: {  	s19 =	sadd.s32 $0x2880, s16  }
0xd0: {  	[spmem:s2] =	stream.indirect.scatter.add.f32 [tilespmem:s13], [sflag:$0x1], $0x1, s19, s12, $0xb8;
	[tilespmem:$0x7CF0] =	vst v63  }
0xd1: {  	s20 =	sadd.s32 $0x100, s16  }
0xd2: {  	[spmem:s1] =	stream.indirect.scatter.add.f32 [tilespmem:s13], [sflag:$0x1], $0x1, s20, s12, $0xb8;
	[tilespmem:$0x7CF0] =	vst v63  }
0xd3: {  	s21 =	sadd.s32 $0x2900, s16  }
0xd4: {  	[spmem:s2] =	stream.indirect.scatter.add.f32 [tilespmem:s13], [sflag:$0x1], $0x1, s21, s12, $0xb8;
	[tilespmem:$0x7CF0] =	vst v63  }
0xd5: {  	s22 =	sadd.s32 $0x180, s16  }
0xd6: {  	[spmem:s1] =	stream.indirect.scatter.add.f32 [tilespmem:s13], [sflag:$0x1], $0x1, s22, s12, $0xb8;
	[tilespmem:$0x7CF0] =	vst v63  }
0xd7: {  	s23 =	sadd.s32 $0x2980, s16  }
0xd8: {  	[spmem:s2] =	stream.indirect.scatter.add.f32 [tilespmem:s13], [sflag:$0x1], $0x1, s23, s12, $0xb8;
	[tilespmem:$0x7CF0] =	vst v63  }
0xd9: {  	s24 =	sadd.s32 $0x200, s16  }
0xda: {  	[spmem:s1] =	stream.indirect.scatter.add.f32 [tilespmem:s13], [sflag:$0x1], $0x1, s24, s12, $0xb8;
	[tilespmem:$0x7CF0] =	vst v63  }
0xdb: {  	s25 =	sadd.s32 $0x2A00, s16  }
0xdc: {  	[spmem:s2] =	stream.indirect.scatter.add.f32 [tilespmem:s13], [sflag:$0x1], $0x1, s25, s12, $0xb8;
	[tilespmem:$0x7CF0] =	vst v63  }
0xdd: {  	s26 =	sadd.s32 $0x280, s16  }
0xde: {  	[spmem:s1] =	stream.indirect.scatter.add.f32 [tilespmem:s13], [sflag:$0x1], $0x1, s26, s12, $0xb8;
	[tilespmem:$0x7CF0] =	vst v63  }
0xdf: {  	s28 =	sadd.s32 $0x2A80, s16  }
0xe0: {  	[spmem:s2] =	stream.indirect.scatter.add.f32 [tilespmem:s13], [sflag:$0x1], $0x1, s28, s12, $0xb8;
	[tilespmem:$0x7CF0] =	vst v63  }
0xe1: {  	s29 =	sadd.s32 $0x300, s16  }
0xe2: {  	[spmem:s1] =	stream.indirect.scatter.add.f32 [tilespmem:s13], [sflag:$0x1], $0x1, s29, s12, $0xb8;
	[tilespmem:$0x7CF0] =	vst v63  }
0xe3: {  	s30 =	sadd.s32 $0x2B00, s16  }
0xe4: {  	[spmem:s2] =	stream.indirect.scatter.add.f32 [tilespmem:s13], [sflag:$0x1], $0x1, s30, s12, $0xb8;
	[tilespmem:$0x7CF0] =	vst v63  }
0xe5: {  	s31 =	sadd.s32 $0x380, s16  }
0xe6: {  	[spmem:s1] =	stream.indirect.scatter.add.f32 [tilespmem:s13], [sflag:$0x1], $0x1, s31, s12, $0xb8;
	[tilespmem:$0x7CF0] =	vst v63  }
0xe7: {  	s16 =	sadd.s32 $0x2B80, s16  }
0xe8: {  	[spmem:s2] =	stream.indirect.scatter.add.f32 [tilespmem:s13], [sflag:$0x1], $0x1, s16, s12, $0xb8;
	[tilespmem:$0x7CF0] =	vst v63  }
0xe9: {  	_ =	swait.ge [sflag:s14], $0x80  }
0xea: {  	[sflag:s14] =	ssyncset.done $0x0  }
0xeb: {  	[sflag:s14] =	ssyncadd.s32 $0xFFFFFF80  }
0xec: {  	_ =	swait.ge [sflag:s14], $0x80  }
0xed: {  	[sflag:s14] =	ssyncset.done $0x0  }
0xee: {  	[sflag:s14] =	ssyncadd.s32 $0xFFFFFF80  }
0xef: {  	_ =	swait.ge [sflag:s14], $0x80  }
0xf0: {  	[sflag:s14] =	ssyncset.done $0x0  }
0xf1: {  	[sflag:s14] =	ssyncadd.s32 $0xFFFFFF80  }
0xf2: {  	_ =	swait.ge [sflag:s14], $0x80  }
0xf3: {  	[sflag:s14] =	ssyncset.done $0x0  }
0xf4: {  	[sflag:s14] =	ssyncadd.s32 $0xFFFFFF80  }
0xf5: {  	_ =	swait.ge [sflag:s14], $0x80  }
0xf6: {  	[sflag:s14] =	ssyncset.done $0x0  }
0xf7: {  	[sflag:s14] =	ssyncadd.s32 $0xFFFFFF80  }
0xf8: {  	_ =	swait.ge [sflag:s14], $0x80  }
0xf9: {  	[sflag:s14] =	ssyncset.done $0x0  }
0xfa: {  	[sflag:s14] =	ssyncadd.s32 $0xFFFFFF80  }
0xfb: {  	_ =	swait.ge [sflag:s14], $0x80  }
0xfc: {  	[sflag:s14] =	ssyncset.done $0x0  }
0xfd: {  	[sflag:s14] =	ssyncadd.s32 $0xFFFFFF80  }
0xfe: {  	_ =	swait.ge [sflag:s14], $0x80  }
0xff: {  	[sflag:s14] =	ssyncset.done $0x0  }
0x100: {  	[sflag:s14] =	ssyncadd.s32 $0xFFFFFF80  }
0x101: {  	_ =	swait.ge [sflag:s14], $0x80  }
0x102: {  	[sflag:s14] =	ssyncset.done $0x0  }
0x103: {  	[sflag:s14] =	ssyncadd.s32 $0xFFFFFF80  }
0x104: {  	_ =	swait.ge [sflag:s14], $0x80  }
0x105: {  	[sflag:s14] =	ssyncset.done $0x0  }
0x106: {  	[sflag:s14] =	ssyncadd.s32 $0xFFFFFF80  }
0x107: {  	_ =	swait.ge [sflag:s14], $0x80  }
0x108: {  	[sflag:s14] =	ssyncset.done $0x0  }
0x109: {  	[sflag:s14] =	ssyncadd.s32 $0xFFFFFF80  }
0x10a: {  	_ =	swait.ge [sflag:s14], $0x80  }
0x10b: {  	[sflag:s14] =	ssyncset.done $0x0  }
0x10c: {  	[sflag:s14] =	ssyncadd.s32 $0xFFFFFF80  }
0x10d: {  	_ =	swait.ge [sflag:s14], $0x80  }
0x10e: {  	[sflag:s14] =	ssyncset.done $0x0  }
0x10f: {  	[sflag:s14] =	ssyncadd.s32 $0xFFFFFF80  }
0x110: {  	_ =	swait.ge [sflag:s14], $0x80  }
0x111: {  	[sflag:s14] =	ssyncset.done $0x0  }
0x112: {  	[sflag:s14] =	ssyncadd.s32 $0xFFFFFF80  }
0x113: {  	_ =	swait.ge [sflag:s14], $0x80  }
0x114: {  	[sflag:s14] =	ssyncset.done $0x0  }
0x115: {  	[sflag:s14] =	ssyncadd.s32 $0xFFFFFF80  }
0x116: {  	_ =	swait.ge [sflag:s14], $0x80  }
0x117: {  	[sflag:s14] =	ssyncset.done $0x0  }
0x118: {  	[sflag:s14] =	ssyncadd.s32 $0xFFFFFF80  }
0x119: {  	s17 =	simm.s32 @!p0 $0x2;
	s16 =	simm.s32 @!p0 $0x5080;
	[bflag:$0x0] =	sbarrier.arrive $0xFFFF  }
0x11a: {  	[tilespmem:s16], [sflag:$0x2] =	stream.linear.gather @!p0 [spmem:s1], $0x2780, $0x38;
	[tilespmem:$0x7CF0] =	vst v63  }
0x11b: {  	_ =	swait.ge @!p0 [sflag:s17], $0x2780  }
0x11c: {  	[sflag:s17] =	ssyncset.done @!p0 $0x0  }
0x11d: {  	s18 =	simm.s32 @!p0 $0x0;
	[sflag:s17] =	ssyncadd.s32 @!p0 $0xFFFFD880  }
0x11e: {  	[hbm4b:s6+s18] =	stream.linear.scatter @!p0 [tilespmem:s16], [sflag:$0x2], $0x2780, $0x38;
	[tilespmem:$0x7CF0] =	vst v63  }
0x11f: {  	_ =	swait.ge @!p0 [sflag:s17], $0x2780  }
0x120: {  	[sflag:s17] =	ssyncset.done @!p0 $0x0  }
0x121: {  	s16 =	simm.s32 @p2 $0x5080;
	[sflag:s17] =	ssyncadd.s32 @!p0 $0xFFFFD880;
	s17 =	simm.s32 @p2 $0x2  }
0x122: {  	[tilespmem:s16], [sflag:$0x2] =	stream.linear.gather @p2 [spmem:s2], $0x2780, $0x38;
	[tilespmem:$0x7CF0] =	vst v63  }
0x123: {  	s15 =	sadd.s32 $0x1, s15;
	_ =	swait.ge @p2 [sflag:s17], $0x2780  }
0x124: {  	p3 =	sne.s32 s15, s9;
	[sflag:s17] =	ssyncset.done @p2 $0x0  }
.Ltmp2:
0x125: {  	s18 =	simm.s32 @p2 $0x0;
	[sflag:s17] =	ssyncadd.s32 @p2 $0xFFFFD880;
	(pc) =	sbr.rel @p3 .LBB2_1-.Ltmp2, $4  }
0x126: {  	[hbm4b:s8+s18] =	stream.linear.scatter @p2 [tilespmem:s16], [sflag:$0x2], $0x2780, $0x38;
	[tilespmem:$0x7CF0] =	vst v63  }
0x127: {  	_ =	swait.ge @p2 [sflag:s17], $0x2780  }
0x128: {  	[sflag:s17] =	ssyncset.done @p2 $0x0  }
0x129: {  	[sflag:s17] =	ssyncadd.s32 @p2 $0xFFFFD880  }
0x12a: {  	_ =	sfence.sel $0x180000  }
0x12b: {  	[bflag:$0x0] =	sbarrier.arrive $0xFFFF  }
0x12c: {  	_ =	strace $0x90000047  }
0x12d: {  	s0 =	sadd.s32 @!p0 $0x100000, s0;
	[bflag:$0x2] =	sbarrier.arrive $0xFFFF  }
0x12e: {  	[sflag:s0] =	ssyncadd.tile.s32 @!p0 $0x1;
	_ =	shalt  }
.Lfunc_end2:
_tile_overlayer_lowered:
.L_overlay_start_2:
0x12f: {  	(tag) =	ssettag $0x2  }
0x130: {  	s0 =	rddreg [dreg:$0x0];
	s2 =	stileid.u32  }
0x131: {  	s1 =	rddreg [dreg:$0x1];
	p0 =	sne.s32 s2, $0x0  }
0x132: {  	s3 =	rddreg [dreg:$0x2];
	[bflag:$0x3] =	sbarrier.arrive $0xFFFF;
	s2 =	simm.s32 @!p0 $0x1C02  }
0x133: {  	[timem:s3], [sflag:s2] =	dma.local @!p0 [hbm:s0], s1  }
0x134: {  	s0 =	simm.s32 @!p0 $0x2  }
0x135: {  	_ =	swait.ge @!p0 [sflag:s0], s1  }
0x136: {  	s1 =	ssub.s32 @!p0 $0x0, s1;
	[sflag:s0] =	ssyncset.done @!p0 $0x0  }
0x137: {  	[sflag:s0] =	ssyncadd.s32 @!p0 s1  }
0x138: {  	[bflag:$0x3] =	sbarrier.arrive $0xFFFF  }
0x139: {  	_ =	shalt  }

// kernel: kernel.9.cloned.1.call-start
scs
__scs_entry_jumppad:
0x0: {  	(pc) =	sbr.rel $0x88, $3  }
0x1: {  	(tag) =	ssettag $0x0;
	lr =	simm.s32 $0x1  }
0x2: {  	[smem:$0x3F9D] =	sst lr;
	_ =	strace $0xD0000000  }
0x3: {  	_ = 	snop  }
0x4: {  	_ = 	snop  }
0x5: {  	_ = 	snop  }
0x6: {  	_ = 	snop  }
0x7: {  	_ = 	snop  }
__scs_overlays_trampoline_lowered:
0x8: {  	[smem:$0x3FAC] =	sst s0  }
0x9: {  	[smem:$0x3FAD] =	sst s1  }
0xa: {  	[smem:$0x3FAE] =	sst s2  }
0xb: {  	[smem:$0x3FAF] =	sst s3  }
0xc: {  	[smem:$0x3FB0] =	sst s4  }
0xd: {  	[smem:$0x3FB1] =	sst s5  }
0xe: {  	[smem:$0x3FB2] =	sst s6  }
0xf: {  	[smem:$0x3FB3] =	sst s7  }
0x10: {  	[smem:$0x3FB4] =	sst s8  }
0x11: {  	[smem:$0x3FB5] =	sst s9;
	s0 =	simm.s32 @!p0 $0x0  }
0x12: {  	s1 =	sld [smem:$0x3F9B];
	s0 =	simm.s32 @p0 $0x1  }
0x13: {  	[smem:$0x3FB6] =	sst s0;
	s0 =	simm.s32 @!p1 $0x0  }
0x14: {  	s2 =	sld [smem:$0x3F9A];
	s0 =	simm.s32 @p1 $0x1  }
0x15: {  	[smem:$0x3FB7] =	sst s0;
	s0 =	simm.s32 @!p2 $0x0  }
0x16: {  	s3 =	sld [smem:$0x3FDB];
	s0 =	simm.s32 @p2 $0x1  }
0x17: {  	s4 =	simm.s32 $0x1BF5;
	[smem:$0x3FB9] =	sst s0  }
0x18: {  	s0 =	sld [smem:$0x3F9C];
	_ =	swait.ge [sflag:s4], $0x0  }
0x19: {  	s7 =	sld [smem:$0x3F9D]  }
0x1a: {  	s8 =	sadd.s32 $0xFFFFE003, lr  }
0x1b: {  	s9 =	sadd.s32 $0xFFFFFEF7, lr;
	s5 =	simm.s32 $0xFFFFFFFF;
	p2 =	slt.u32 s8, $0xFFFFF086  }
0x1c: {  	p1 =	slt.u32 s9, $0xF7A;
	s5 =	simm.s32 @!p2 $0x0  }
0x1d: {  	s5 =	simm.s32 @p1 $0x1;
	p0 =	seq.s32 s7, s2  }
0x1e: {  	s7 =	smul.u32 @!p0 $0xF7A, s2;
	p2 =	seq.s32 @!p0 s5, $0x0  }
0x1f: {  	s9 =	smul.u32 $0xF7A, s1;
	s8 =	simm.s32 @!p0 $0x1BF5;
	p2 =	por !p2, p0  }
0x20: {  	[sflag:s8] =	ssyncset.s32 @!p0 $0xFFFFF086;
	s6 =	sadd.s32 @!p0 s3, s7;
	s7 =	simm.s32 @!p0 $0x108  }
0x21: {  	s3 =	sadd.s32 s3, s9;
	s6 =	sadd.s32 @!p0 $0x88, s6;
	s7 =	simm.s32 @p2 $0x1082  }
0x22: {  	[simem:s7], [sflag:s8] =	dma.local @!p0 [hbm:s6], $0xF7A  }
0x23: {  	s9 =	sor.u32 $0xD0000000, s2;
	s6 =	simm.s32 $0x108;
	_ =	swait.ge @!p0 [sflag:s8], $0x0  }
0x24: {  	s3 =	sadd.s32 $0x88, s3;
	s6 =	simm.s32 @!p1 $0x1082;
	[sflag:s4] =	ssyncset.s32 $0xFFFFF086  }
0x25: {  	[simem:s6], [sflag:s4] =	dma.local [hbm:s3], $0xF7A  }
0x26: {  	[smem:$0x3F9D] =	sst s1;
	(tag) =	ssettag s2;
	_ =	strace s9  }
0x27: {  	s1 =	sld [smem:$0x3FAD]  }
0x28: {  	s2 =	sld [smem:$0x3FAE]  }
0x29: {  	s4 =	sld [smem:$0x3FB0]  }
0x2a: {  	p0 =	seq.s32 s5, $0x0;
	s5 =	sld [smem:$0x3FB1]  }
0x2b: {  	s6 =	sld [smem:$0x3FB2]  }
0x2c: {  	s7 =	sld [smem:$0x3FB3]  }
0x2d: {  	s3 =	simm.s32 $0x108;
	s8 =	sld [smem:$0x3FB4]  }
0x2e: {  	s3 =	simm.s32 @!p0 $0x1082;
	s9 =	sld [smem:$0x3FB5]  }
0x2f: {  	lr =	sadd.s32 s0, s3;
	s0 =	sld [smem:$0x3FAC]  }
0x30: {  	s3 =	sld [smem:$0x3FAF]  }
0x31: {  	[smem:$0x3FB8] =	sst s10  }
0x32: {  	s10 =	sld [smem:$0x3FB6];
	_ =	sdelay $0x3  }
0x33: {  	p0 =	seq.s32 s10, $0x1;
	s10 =	sld [smem:$0x3FB8];
	_ =	sdelay $0x3  }
0x34: {  	[smem:$0x3FB8] =	sst s10  }
0x35: {  	s10 =	sld [smem:$0x3FB7];
	_ =	sdelay $0x3  }
0x36: {  	p1 =	seq.s32 s10, $0x1;
	s10 =	sld [smem:$0x3FB8];
	_ =	sdelay $0x3  }
0x37: {  	[smem:$0x3FB8] =	sst s10  }
0x38: {  	s10 =	sld [smem:$0x3FB9]  }
0x39: {  	_ = 	snop;
	(pc) =	sbr.ind lr, $3  }
0x3a: {  	_ = 	snop  }
0x3b: {  	_ = 	snop  }
0x3c: {  	p2 =	seq.s32 s10, $0x1;
	s10 =	sld [smem:$0x3FB8]  }
0x3d: {  	_ =	shalt  }
0x3e: {  	_ =	shalt  }
0x3f: {  	_ =	shalt  }
0x40: {  	_ =	shalt  }
0x41: {  	_ =	shalt  }
0x42: {  	_ =	shalt  }
0x43: {  	_ =	shalt  }
0x44: {  	_ =	shalt  }
0x45: {  	_ =	shalt  }
0x46: {  	_ =	shalt  }
0x47: {  	_ =	shalt  }
0x48: {  	_ =	shalt  }
0x49: {  	_ =	shalt  }
0x4a: {  	_ =	shalt  }
0x4b: {  	_ =	shalt  }
0x4c: {  	_ =	shalt  }
0x4d: {  	_ =	shalt  }
0x4e: {  	_ =	shalt  }
0x4f: {  	_ =	shalt  }
0x50: {  	_ =	shalt  }
0x51: {  	_ =	shalt  }
0x52: {  	_ =	shalt  }
0x53: {  	_ =	shalt  }
0x54: {  	_ =	shalt  }
0x55: {  	_ =	shalt  }
0x56: {  	_ =	shalt  }
0x57: {  	_ =	shalt  }
0x58: {  	_ =	shalt  }
0x59: {  	_ =	shalt  }
0x5a: {  	_ =	shalt  }
0x5b: {  	_ =	shalt  }
0x5c: {  	_ =	shalt  }
0x5d: {  	_ =	shalt  }
0x5e: {  	_ =	shalt  }
0x5f: {  	_ =	shalt  }
0x60: {  	_ =	shalt  }
0x61: {  	_ =	shalt  }
0x62: {  	_ =	shalt  }
0x63: {  	_ =	shalt  }
0x64: {  	_ =	shalt  }
0x65: {  	_ =	shalt  }
0x66: {  	_ =	shalt  }
0x67: {  	_ =	shalt  }
0x68: {  	_ =	shalt  }
0x69: {  	_ =	shalt  }
0x6a: {  	_ =	shalt  }
0x6b: {  	_ =	shalt  }
0x6c: {  	_ =	shalt  }
0x6d: {  	_ =	shalt  }
0x6e: {  	_ =	shalt  }
0x6f: {  	_ =	shalt  }
0x70: {  	_ =	shalt  }
0x71: {  	_ =	shalt  }
0x72: {  	_ =	shalt  }
0x73: {  	_ =	shalt  }
0x74: {  	_ =	shalt  }
0x75: {  	_ =	shalt  }
0x76: {  	_ =	shalt  }
0x77: {  	_ =	shalt  }
0x78: {  	_ =	shalt  }
0x79: {  	_ =	shalt  }
0x7a: {  	_ =	shalt  }
0x7b: {  	_ =	shalt  }
0x7c: {  	_ =	shalt  }
0x7d: {  	_ =	shalt  }
0x7e: {  	_ =	shalt  }
0x7f: {  	_ =	shalt  }
0x80: {  	_ =	shalt  }
0x81: {  	_ =	shalt  }
0x82: {  	_ =	shalt  }
0x83: {  	_ =	shalt  }
0x84: {  	_ =	shalt  }
0x85: {  	_ =	shalt  }
0x86: {  	_ =	shalt  }
0x87: {  	_ =	shalt  }
.Lfunc_end0:
.L_simem_size_0:
called_computation.1_lowered:
.L_overlay_start_0:
0x88: {  	s2 =	sld [smem:$0x3FD9]  }
0x89: {  	s3 =	sld [smem:$0x3FFE];
	_ =	sdelay $0x1  }
0x8a: {  	s1 =	srdreg.scid  }
0x8b: {  	s0 =	sand.u32 $0x1, s1  }
0x8c: {  	s17 =	sshll.u32 s0, $0xA;
	s2 =	sadd.s32 s3, s2  }
0x8d: {  	s2 =	sadd.s32 s2, s17  }
0x8e: {  	[smem:$0x3FC4] =	sst s2  }
0x8f: {  	_ = 	snop  }
0x90: {  	s2 =	sld [smem:$0x3FD0];
	(tm) =	ssettm $0x1  }
0x91: {  	s18 =	sld [smem:$0x3FFB];
	_ =	sdelay $0x3  }
0x92: {  	_ =	strace s18  }
0x93: {  	s3 =	sld [smem:$0x3FFC];
	_ =	sdelay $0x3  }
0x94: {  	_ =	strace s3  }
0x95: {  	s3 =	sld [smem:$0x3FFD];
	_ =	sdelay $0x3  }
0x96: {  	_ =	strace s3  }
0x97: {  	_ =	strace $0x8FFFFFFF  }
0x98: {  	s19 =	sld [smem:$0x3FDB];
	_ =	sdelay $0x1  }
0x99: {  	s4 =	simm.s32 $_scs_section_size  }
0x9a: {  	s5 =	simm.s32 $_size__tile_overlayer_lowered;
	s6 =	simm.s32 $_tile_overlayer_lowered  }
0x9b: {  	s22 =	simm.s32 $0x1BFF;
	s21 =	sshll.u32 s6, $0x1;
	s3 =	sadd.s32 s4, s19  }
0x9c: {  	s7 =	simm.s32 $0x0;
	s20 =	sshll.u32 s5, $0x1;
	s5 =	sadd.s32 s21, s3  }
0x9d: {  	[timem:s7], [sflag:s22] =	dma.local [hbm:s5], s20  }
0x9e: {  	_ =	swait.ge [sflag:s22], s20  }
0x9f: {  	s4 =	ssub.s32 $0x0, s20;
	[sflag:s22] =	ssyncset.done $0x0  }
0xa0: {  	[sflag:s22] =	ssyncadd.s32 s4;
	_ =	sdelay $0x1  }
0xa1: {  	s23 =	simm.s32 $0x1B8B  }
0xa2: {  	_ =	swait.ge [sflag:s23], $0x1  }
0xa3: {  	[sflag:s23] =	ssyncset.done $0x0  }
0xa4: {  	s25 =	simm.s32 $0x1B8E;
	s24 =	sld [smem:$0x3FFE];
	[sflag:s23] =	ssyncadd.s32 $0xFFFFFFFF  }
0xa5: {  	s26 =	simm.s32 $execute0_lowered;
	[smem:$0x3FD2] =	sst s25  }
0xa6: {  	s5 =	sshll.u32 s26, $0x1;
	_ =	strace $0x80000049;
	[dreg:$0x1] =	wrdreg $0xFFFFFFFF  }
0xa7: {  	s28 =	simm.s32 $_size_execute0_lowered;
	s3 =	sadd.s32 s3, s5;
	[dreg:$0x0] =	wrdreg $0x0  }
0xa8: {  	s5 =	sshll.u32 s28, $0x1;
	[dreg:$0x2] =	wrdreg s3  }
0xa9: {  	[dreg:$0x3] =	wrdreg s5  }
0xaa: {  	[dreg:$0x4] =	wrdreg $0xC0  }
0xab: {  	_ =	task [dreg:s7], $0x5FFFF  }
0xac: {  	[dreg:$0x1] =	wrdreg $0xFFFFFFFF  }
0xad: {  	[dreg:$0x0] =	wrdreg $0x60  }
0xae: {  	[dreg:$0x2] =	wrdreg s24  }
0xaf: {  	[dreg:$0x3] =	wrdreg s2  }
0xb0: {  	[dreg:$0x4] =	wrdreg $0x50000  }
0xb1: {  	[dreg:$0x5] =	wrdreg $0xEE000  }
0xb2: {  	[dreg:$0x6] =	wrdreg $0x9  }
0xb3: {  	_ =	task.clear_ibuf [dreg:s7], $0x7FFFF;
	_ =	strace $0x90000049  }
0xb4: {  	s29 =	simm.s32 $0x9;
	_ =	strace $0x8000004B  }
0xb5: {  	_ =	swait.ge [sflag:s29], $0x1  }
0xb6: {  	[sflag:s29] =	ssyncadd.s32 $0xFFFFFFFF  }
0xb7: {  	_ =	strace $0x9000004B  }
0xb8: {  	_ =	sfence  }
0xb9: {  	s30 =	sld [smem:$0x0];
	_ =	sdelay $0x2  }
0xba: {  	s31 =	sshll.u32 s1, $0xD;
	s1 =	sshrl.u32 s1, $0x2  }
0xbb: {  	s3 =	sand.u32 $0x4000, s31;
	s1 =	sadd.s32 s1, s30  }
0xbc: {  	s0 =	sor.u32 s3, s0;
	s1 =	sshll.u32 s1, $0x11  }
0xbd: {  	s0 =	sor.u32 s1, s0  }
0xbe: {  	s0 =	sadd.s32 $0x8F2B, s0  }
0xbf: {  	[sflag:s0] =	ssyncadd.remote.s32 $0x1  }
0xc0: {  	_ =	sfence.sel $0xFFFF  }
0xc1: {  	[dreg:$0x0] =	wrdreg $0xFFFFFFFF;
	(pc) =	sbr.abs _section_cstart, $3  }
0xc2: {  	[dreg:$0x1] =	wrdreg $0xFFFFFFFF  }
0xc3: {  	_ =	task.clear_ibuf [dreg:s7], $0x2FFFF;
	_ =	strace $0x9FFFFFFF  }
0xc4: {  	(tm) =	ssettm $0x7FFFFFFF  }
0xc5: {  	_ =	shalt  }
tec
execute0_lowered:
.L_overlay_start_1:
0x0: {  	(tag) =	ssettag $0x1  }
0x1: {  	s0 =	rddreg [dreg:$0x0]  }
0x2: {  	s1 =	rddreg [dreg:$0x1]  }
0x3: {  	s2 =	rddreg [dreg:$0x2]  }
0x4: {  	s3 =	rddreg [dreg:$0x3];
	s5 =	simm.s32 $0x0  }
0x5: {  	s19 =	simm.s32 $0x100;
	[smem:$0x7FF] =	sst s5  }
0x6: {  	s21 =	simm.s32 $0x480;
	_ =	strace $0x8000004A;
	[dreg:$0x6] =	wrdreg s19  }
0x7: {  	s22 =	simm.s32 $0x180;
	[dreg:$0x7] =	wrdreg s21  }
0x8: {  	s23 =	simm.s32 $0x500;
	[dreg:$0x8] =	wrdreg s22  }
0x9: {  	s24 =	simm.s32 $0x200;
	[dreg:$0x9] =	wrdreg s23  }
0xa: {  	s25 =	simm.s32 $0x580;
	[dreg:$0xa] =	wrdreg s24  }
0xb: {  	s26 =	simm.s32 $0x280;
	[dreg:$0xb] =	wrdreg s25  }
0xc: {  	s29 =	simm.s32 $0x600;
	[dreg:$0xc] =	wrdreg s26  }
0xd: {  	s4 =	srdreg.scid;
	[dreg:$0xd] =	wrdreg s29;
	s19 =	simm.s32 $0x680  }
0xe: {  	s20 =	stileid.u32;
	s21 =	simm.s32 $0x380;
	[dreg:$0xf] =	wrdreg s19  }
0xf: {  	s4 =	sand.u32 $0x1, s4;
	s22 =	simm.s32 $0x700;
	[dreg:$0x10] =	wrdreg s21  }
0x10: {  	s11 =	sadd.s32 $0xAE00, s0;
	s23 =	simm.s32 $0x780;
	[dreg:$0x11] =	wrdreg s22  }
0x11: {  	s7 =	smul.u32 $0x9E00, s20;
	s24 =	simm.s32 $0x880;
	[dreg:$0x12] =	wrdreg s23  }
0x12: {  	s6 =	sadd.s32 $0xE00, s0;
	s25 =	simm.s32 $0x900;
	[dreg:$0x13] =	wrdreg s24  }
0x13: {  	s8 =	sadd.s32 $0x32600, s0;
	s26 =	simm.s32 $0xC80;
	[dreg:$0x14] =	wrdreg s25  }
0x14: {  	s10 =	smul.u32 $0x9E000, s4;
	s29 =	simm.s32 $0x980;
	[dreg:$0x15] =	wrdreg s26  }
0x15: {  	s9 =	ssub.s32 $0x2, s4;
	[dreg:$0x16] =	wrdreg s29;
	s22 =	simm.s32 $0xA00  }
0x16: {  	s4 =	smul.u32 $0x5000, s20;
	s24 =	simm.s32 $0xD80;
	[dreg:$0x18] =	wrdreg s22  }
0x17: {  	s17 =	sshrl.u32 s9, $0x1;
	s26 =	simm.s32 $0xA80;
	[dreg:$0x19] =	wrdreg s24  }
0x18: {  	s29 =	simm.s32 $0xE00;
	s12 =	sadd.s32 s7, s10;
	[dreg:$0x1a] =	wrdreg s26  }
0x19: {  	s0 =	ssub.s32 s9, s17;
	s18 =	sor.u32 $0x800, s4;
	[dreg:$0x1b] =	wrdreg s29  }
0x1a: {  	s9 =	sadd.s32 $0x2000, s7;
	[dreg:$0x5] =	wrdreg s18;
	s18 =	simm.s32 $0x300  }
0x1b: {  	s12 =	sshrl.u32 s12, $0x3;
	s0 =	smax.u32 s0, $0x1;
	[dreg:$0xe] =	wrdreg s18  }
0x1c: {  	s14 =	sadd.s32 s10, s9;
	s13 =	sadd.s32 s11, s12;
	[smem:$0x7FD] =	sst s0  }
0x1d: {  	s14 =	sshrl.u32 s14, $0x3;
	s12 =	sadd.s32 s8, s12;
	[dreg:$0x1d] =	wrdreg s13  }
0x1e: {  	s28 =	simm.s32 $0x0;
	s15 =	sadd.s32 s11, s14;
	[smem:$0x7EE] =	sst s12  }
0x1f: {  	s22 =	sadd.s32 s7, s3;
	s21 =	sadd.s32 s8, s14;
	[dreg:$0x1e] =	wrdreg s15  }
0x20: {  	s4 =	sshrl.u32 s4, $0x3;
	s13 =	simm.s32 $0xD00;
	[smem:$0x7EF] =	sst s21  }
0x21: {  	s31 =	sadd.s32 s9, s3;
	s12 =	simm.s32 $0xB00;
	[dreg:$0x17] =	wrdreg s13  }
0x22: {  	s15 =	sadd.s32 $0x4000, s7;
	[dreg:$0x1c] =	wrdreg s12;
	s13 =	sadd.s32 s9, s2  }
0x23: {  	s21 =	smul.u32 $0xA00, s20;
	s9 =	simm.s32 $0x3;
	s12 =	simm.s32 $0x6  }
0x24: {  	s16 =	sadd.s32 s10, s15;
	[smem:$0x7F4] =	sst s13;
	s14 =	sadd.s32 s15, s2  }
0x25: {  	s15 =	sadd.s32 s15, s3;
	s13 =	simm.s32 $0x400;
	[smem:$0x7F5] =	sst s14  }
0x26: {  	s16 =	sshrl.u32 s16, $0x3;
	[smem:$0x7F6] =	sst s15;
	s26 =	sadd.s32 s21, s6  }
0x27: {  	s29 =	sadd.s32 s21, s1;
	s14 =	simm.s32 $0x800;
	s17 =	sadd.s32 s11, s16  }
0x28: {  	s15 =	simm.s32 $0xC00;
	[dreg:$0x1f] =	wrdreg s17;
	s17 =	sadd.s32 $0x6000, s7  }
0x29: {  	s21 =	simm.s32 $0xB80;
	s23 =	sadd.s32 s8, s16;
	s18 =	sadd.s32 s10, s17  }
0x2a: {  	[smem:$0x7F0] =	sst s23;
	s16 =	sadd.s32 s17, s2;
	s18 =	sshrl.u32 s18, $0x3  }
0x2b: {  	s30 =	sadd.s32 $0x80, s26;
	[smem:$0x7F7] =	sst s16;
	s19 =	sadd.s32 s11, s18  }
0x2c: {  	s16 =	simm.s32 $0x80;
	s25 =	sadd.s32 s8, s18;
	[smem:$0x7EC] =	sst s19  }
0x2d: {  	s18 =	sadd.s32 s17, s3;
	s17 =	simm.s32 $0x5;
	[smem:$0x7F1] =	sst s25  }
0x2e: {  	s19 =	sadd.s32 $0x8000, s7;
	[smem:$0x7F8] =	sst s18;
	s25 =	sadd.s32 s1, s4  }
0x2f: {  	s4 =	sadd.s32 s6, s4;
	s18 =	simm.s32 $0xE80;
	s10 =	sadd.s32 s10, s19  }
0x30: {  	s23 =	sadd.s32 s19, s2;
	s24 =	sadd.s32 s19, s3;
	[smem:$0x7FB] =	sst s25  }
0x31: {  	[smem:$0x7FC] =	sst s4;
	s19 =	sadd.s32 $0x80, s29;
	s4 =	simm.s32 $0x1000  }
0x32: {  	s25 =	simm.s32 $0xF80;
	s10 =	sshrl.u32 s10, $0x3;
	[smem:$0x7F9] =	sst s23  }
0x33: {  	[smem:$0x7FA] =	sst s24;
	s23 =	simm.s32 $0xF00;
	s11 =	sadd.s32 s11, s10  }
0x34: {  	s8 =	sadd.s32 s8, s10;
	s10 =	simm.s32 $0x2;
	[smem:$0x7ED] =	sst s11  }
0x35: {  	[smem:$0x7F2] =	sst s8;
	s11 =	sadd.s32 s7, s2;
	s7 =	simm.s32 $0x3000  }
0x36: {  	v0 =	vimm.f32 $0.0e+00;
	s8 =	simm.s32 $0x1;
	[smem:$0x7F3] =	sst s11;
	s11 =	simm.s32 $0x4  }
.LBB2_1:
0x37: {  	s0 =	rddreg [dreg:$0x1d]  }
0x38: {  	[tilespmem:s4], [sflag:$0x1] =	stream.linear.gather [hbm4b:s0+s5], $0x2000, $0x38;
	[tilespmem:$0x18C00] =	vst v63  }
0x39: {  	s29 =	rddreg [dreg:$0x1e]  }
0x3a: {  	[tilespmem:s7], [sflag:$0x2] =	stream.linear.gather [hbm4b:s29+s5], $0x2000, $0x38;
	[tilespmem:$0x18C00] =	vst v63  }
0x3b: {  	_ =	swait.ge [sflag:s8], $0x2000  }
0x3c: {  	s20 =	sld [smem:$0x7F3]  }
0x3d: {  	[sflag:s8] =	ssyncset.done $0x0  }
0x3e: {  	[sflag:s8] =	ssyncadd.s32 $0xFFFFE000  }
0x3f: {  	[spmem:s20] =	stream.linear.scatter [tilespmem:s4], [sflag:$0x3], $0x2000, $0x38;
	[tilespmem:$0x18C00] =	vst v63  }
0x40: {  	_ =	swait.ge [sflag:s9], $0x2000  }
0x41: {  	[sflag:s9] =	ssyncset.done $0x0  }
0x42: {  	s24 =	rddreg [dreg:$0x1f];
	[sflag:s9] =	ssyncadd.s32 $0xFFFFE000  }
0x43: {  	[tilespmem:s4], [sflag:$0x1] =	stream.linear.gather [hbm4b:s24+s5], $0x2000, $0x38;
	[tilespmem:$0x18C00] =	vst v63  }
0x44: {  	_ =	swait.ge [sflag:s10], $0x2000  }
0x45: {  	s26 =	sld [smem:$0x7F4]  }
0x46: {  	[sflag:s10] =	ssyncset.done $0x0  }
0x47: {  	[sflag:s10] =	ssyncadd.s32 $0xFFFFE000  }
0x48: {  	[spmem:s26] =	stream.linear.scatter [tilespmem:s7], [sflag:$0x4], $0x2000, $0x38;
	[tilespmem:$0x18C00] =	vst v63  }
0x49: {  	_ =	swait.ge [sflag:s11], $0x2000  }
0x4a: {  	s29 =	sld [smem:$0x7EC]  }
0x4b: {  	[sflag:s11] =	ssyncset.done $0x0  }
0x4c: {  	[sflag:s11] =	ssyncadd.s32 $0xFFFFE000  }
0x4d: {  	[tilespmem:s7], [sflag:$0x2] =	stream.linear.gather [hbm4b:s29+s5], $0x2000, $0x38;
	[tilespmem:$0x18C00] =	vst v63  }
0x4e: {  	_ =	swait.ge [sflag:s8], $0x2000  }
0x4f: {  	s20 =	sld [smem:$0x7F5]  }
0x50: {  	[sflag:s8] =	ssyncset.done $0x0  }
0x51: {  	[sflag:s8] =	ssyncadd.s32 $0xFFFFE000  }
0x52: {  	[spmem:s20] =	stream.linear.scatter [tilespmem:s4], [sflag:$0x3], $0x2000, $0x38;
	[tilespmem:$0x18C00] =	vst v63  }
0x53: {  	_ =	swait.ge [sflag:s9], $0x2000  }
0x54: {  	s24 =	sld [smem:$0x7ED]  }
0x55: {  	[sflag:s9] =	ssyncset.done $0x0  }
0x56: {  	[sflag:s9] =	ssyncadd.s32 $0xFFFFE000  }
0x57: {  	[tilespmem:s4], [sflag:$0x1] =	stream.linear.gather [hbm4b:s24+s5], $0x1E00, $0x38;
	[tilespmem:$0x18C00] =	vst v63  }
0x58: {  	_ =	swait.ge [sflag:s10], $0x2000  }
0x59: {  	s26 =	sld [smem:$0x7F7]  }
0x5a: {  	[sflag:s10] =	ssyncset.done $0x0  }
0x5b: {  	[sflag:s10] =	ssyncadd.s32 $0xFFFFE000  }
0x5c: {  	[spmem:s26] =	stream.linear.scatter [tilespmem:s7], [sflag:$0x4], $0x2000, $0x38;
	[tilespmem:$0x18C00] =	vst v63  }
0x5d: {  	_ =	swait.ge [sflag:s8], $0x1E00  }
0x5e: {  	s29 =	sld [smem:$0x7F9]  }
0x5f: {  	[sflag:s8] =	ssyncset.done $0x0  }
0x60: {  	[sflag:s8] =	ssyncadd.s32 $0xFFFFE200  }
0x61: {  	[spmem:s29] =	stream.linear.scatter [tilespmem:s4], [sflag:$0x3], $0x1E00, $0x38;
	[tilespmem:$0x18C00] =	vst v63  }
0x62: {  	_ =	swait.ge [sflag:s9], $0x1E00  }
0x63: {  	[sflag:s9] =	ssyncset.done $0x0  }
0x64: {  	[sflag:s9] =	ssyncadd.s32 $0xFFFFE200  }
0x65: {  	_ =	swait.ge [sflag:s11], $0x2000  }
0x66: {  	[sflag:s11] =	ssyncset.done $0x0  }
0x67: {  	s0 =	simm.s32 $0x0;
	s20 =	simm.s32 $0x100;
	[sflag:s11] =	ssyncadd.s32 $0xFFFFE000  }
.LBB2_2:
0x68: {  	p0 =	sne.s32 s20, $0x7F00;
	[tilespmem:s0+$0x1030] =	vst v0;
	s29 =	smov.u32 s20;
	s20 =	sadd.s32 $0x100, s20  }
.Ltmp0:
0x69: {  	[tilespmem:s0+$0x1020] =	vst v0;
	(pc) =	sbr.rel @p0 .LBB2_2-.Ltmp0, $3  }
0x6a: {  	[tilespmem:s0+$0x1000] =	vst v0  }
0x6b: {  	[tilespmem:s0+$0x1010] =	vst v0;
	_ =	sdelay $0x1  }
0x6c: {  	s0 =	sshra.s32 s29, $0x2  }
0x6d: {  	[tilespmem:s0+$0x1030] =	vst v0  }
0x6e: {  	[tilespmem:s0+$0x1020] =	vst v0  }
0x6f: {  	[tilespmem:s0+$0x1000] =	vst v0  }
0x70: {  	[tilespmem:s0+$0x1010] =	vst v0  }
0x71: {  	[spmem:s22] =	stream.linear.scatter [tilespmem:s4], [sflag:$0x3], $0x2000, $0x38;
	[tilespmem:$0x18C00] =	vst v63  }
0x72: {  	s20 =	sld [smem:$0x7F6]  }
0x73: {  	[spmem:s31] =	stream.linear.scatter [tilespmem:s4], [sflag:$0x3], $0x2000, $0x38;
	[tilespmem:$0x18C00] =	vst v63  }
0x74: {  	s24 =	smov.u32 s22;
	s22 =	sld [smem:$0x7F8]  }
0x75: {  	[spmem:s20] =	stream.linear.scatter [tilespmem:s4], [sflag:$0x3], $0x2000, $0x38;
	[tilespmem:$0x18C00] =	vst v63  }
0x76: {  	s20 =	sld [smem:$0x7FA]  }
0x77: {  	[spmem:s22] =	stream.linear.scatter [tilespmem:s4], [sflag:$0x3], $0x2000, $0x38;
	[tilespmem:$0x18C00] =	vst v63  }
0x78: {  	_ = 	snop  }
0x79: {  	[spmem:s20] =	stream.linear.scatter [tilespmem:s4], [sflag:$0x3], $0x1E00, $0x38;
	[tilespmem:$0x18C00] =	vst v63  }
0x7a: {  	_ =	swait.ge [sflag:s9], $0x2000  }
0x7b: {  	[sflag:s9] =	ssyncset.done $0x0  }
0x7c: {  	[sflag:s9] =	ssyncadd.s32 $0xFFFFE000  }
0x7d: {  	_ =	swait.ge [sflag:s9], $0x2000  }
0x7e: {  	[sflag:s9] =	ssyncset.done $0x0  }
0x7f: {  	[sflag:s9] =	ssyncadd.s32 $0xFFFFE000  }
0x80: {  	_ =	swait.ge [sflag:s9], $0x2000  }
0x81: {  	[sflag:s9] =	ssyncset.done $0x0  }
0x82: {  	[sflag:s9] =	ssyncadd.s32 $0xFFFFE000  }
0x83: {  	_ =	swait.ge [sflag:s9], $0x2000  }
0x84: {  	[sflag:s9] =	ssyncset.done $0x0  }
0x85: {  	[sflag:s9] =	ssyncadd.s32 $0xFFFFE000  }
0x86: {  	_ =	swait.ge [sflag:s9], $0x1E00  }
0x87: {  	[sflag:s9] =	ssyncset.done $0x0  }
0x88: {  	[sflag:s9] =	ssyncadd.s32 $0xFFFFE200  }
0x89: {  	[bflag:$0x0] =	sbarrier.arrive $0xFFFF  }
0x8a: {  	s20 =	sld [smem:$0x7FB];
	_ =	sdelay $0x1  }
0x8b: {  	s0 =	simm.s32 $0x0  }
0x8c: {  	[tilespmem:s0], [sflag:$0x6] =	stream.linear.gather [hbm4b:s20+s0], $0x400, $0x38;
	[tilespmem:$0x18C00] =	vst v63  }
0x8d: {  	_ =	swait.ge [sflag:s12], $0x400  }
0x8e: {  	s22 =	sld [smem:$0x7FC]  }
0x8f: {  	[sflag:s12] =	ssyncset.done $0x0  }
0x90: {  	[sflag:s12] =	ssyncadd.s32 $0xFFFFFC00  }
0x91: {  	[tilespmem:s13], [sflag:$0x6] =	stream.linear.gather [hbm4b:s22+s0], $0x400, $0x38;
	[tilespmem:$0x18C00] =	vst v63  }
0x92: {  	_ =	swait.ge [sflag:s12], $0x400  }
0x93: {  	[sflag:s12] =	ssyncset.done $0x0  }
0x94: {  	[sflag:s12] =	ssyncadd.s32 $0xFFFFFC00  }
0x95: {  	[tilespmem:s14], [sflag:$0x5] =	stream.linear.gather [hbm4b:s19+s5], $0x400, $0x38;
	[tilespmem:$0x18C00] =	vst v63  }
0x96: {  	_ = 	snop  }
0x97: {  	[tilespmem:s15], [sflag:$0x5] =	stream.linear.gather [hbm4b:s30+s5], $0x400, $0x38;
	[tilespmem:$0x18C00] =	vst v63  }
0x98: {  	_ = 	snop  }
0x99: {  	[tilespmem:s4], [sflag:$0x1] =	stream.indirect.gather [spmem:s2], $0x40, s5, s16, $0xb8;
	[tilespmem:$0x18C00] =	vst v63  }
0x9a: {  	_ = 	snop  }
0x9b: {  	[tilespmem:s7], [sflag:$0x2] =	stream.indirect.gather [spmem:s2], $0x40, s16, s16, $0xb8;
	[tilespmem:$0x18C00] =	vst v63  }
0x9c: {  	_ =	swait.ge [sflag:s8], $0x2000  }
0x9d: {  	[sflag:s8] =	ssyncset.done $0x0  }
0x9e: {  	[sflag:s8] =	ssyncadd.s32 $0xFFFFE000  }
0x9f: {  	[spmem:s3] =	stream.indirect.scatter.add.f32 [tilespmem:s4], [sflag:$0x3], $0x40, s13, s16, $0xb8;
	[tilespmem:$0x18C00] =	vst v63  }
0xa0: {  	_ =	swait.ge [sflag:s9], $0x2000  }
0xa1: {  	[sflag:s9] =	ssyncset.done $0x0  }
0xa2: {  	s22 =	rddreg [dreg:$0x6];
	[sflag:s9] =	ssyncadd.s32 $0xFFFFE000  }
0xa3: {  	[tilespmem:s4], [sflag:$0x1] =	stream.indirect.gather [spmem:s2], $0x40, s22, s16, $0xb8;
	[tilespmem:$0x18C00] =	vst v63  }
0xa4: {  	_ =	swait.ge [sflag:s10], $0x2000  }
0xa5: {  	[sflag:s10] =	ssyncset.done $0x0  }
0xa6: {  	s22 =	rddreg [dreg:$0x7];
	[sflag:s10] =	ssyncadd.s32 $0xFFFFE000  }
0xa7: {  	[spmem:s3] =	stream.indirect.scatter.add.f32 [tilespmem:s7], [sflag:$0x4], $0x40, s22, s16, $0xb8;
	[tilespmem:$0x18C00] =	vst v63  }
0xa8: {  	_ =	swait.ge [sflag:s11], $0x2000  }
0xa9: {  	[sflag:s11] =	ssyncset.done $0x0  }
0xaa: {  	s22 =	rddreg [dreg:$0x8];
	[sflag:s11] =	ssyncadd.s32 $0xFFFFE000  }
0xab: {  	[tilespmem:s7], [sflag:$0x2] =	stream.indirect.gather [spmem:s2], $0x40, s22, s16, $0xb8;
	[tilespmem:$0x18C00] =	vst v63  }
0xac: {  	_ =	swait.ge [sflag:s8], $0x2000  }
0xad: {  	[sflag:s8] =	ssyncset.done $0x0  }
0xae: {  	s22 =	rddreg [dreg:$0x9];
	[sflag:s8] =	ssyncadd.s32 $0xFFFFE000  }
0xaf: {  	[spmem:s3] =	stream.indirect.scatter.add.f32 [tilespmem:s4], [sflag:$0x3], $0x40, s22, s16, $0xb8;
	[tilespmem:$0x18C00] =	vst v63  }
0xb0: {  	_ =	swait.ge [sflag:s9], $0x2000  }
0xb1: {  	[sflag:s9] =	ssyncset.done $0x0  }
0xb2: {  	s22 =	rddreg [dreg:$0xa];
	[sflag:s9] =	ssyncadd.s32 $0xFFFFE000  }
0xb3: {  	[tilespmem:s4], [sflag:$0x1] =	stream.indirect.gather [spmem:s2], $0x40, s22, s16, $0xb8;
	[tilespmem:$0x18C00] =	vst v63  }
0xb4: {  	_ =	swait.ge [sflag:s10], $0x2000  }
0xb5: {  	[sflag:s10] =	ssyncset.done $0x0  }
0xb6: {  	s22 =	rddreg [dreg:$0xb];
	[sflag:s10] =	ssyncadd.s32 $0xFFFFE000  }
0xb7: {  	[spmem:s3] =	stream.indirect.scatter.add.f32 [tilespmem:s7], [sflag:$0x4], $0x40, s22, s16, $0xb8;
	[tilespmem:$0x18C00] =	vst v63  }
0xb8: {  	_ =	swait.ge [sflag:s11], $0x2000  }
0xb9: {  	[sflag:s11] =	ssyncset.done $0x0  }
0xba: {  	s22 =	rddreg [dreg:$0xc];
	[sflag:s11] =	ssyncadd.s32 $0xFFFFE000  }
0xbb: {  	[tilespmem:s7], [sflag:$0x2] =	stream.indirect.gather [spmem:s2], $0x40, s22, s16, $0xb8;
	[tilespmem:$0x18C00] =	vst v63  }
0xbc: {  	_ =	swait.ge [sflag:s8], $0x2000  }
0xbd: {  	[sflag:s8] =	ssyncset.done $0x0  }
0xbe: {  	s22 =	rddreg [dreg:$0xd];
	[sflag:s8] =	ssyncadd.s32 $0xFFFFE000  }
0xbf: {  	[spmem:s3] =	stream.indirect.scatter.add.f32 [tilespmem:s4], [sflag:$0x3], $0x40, s22, s16, $0xb8;
	[tilespmem:$0x18C00] =	vst v63  }
0xc0: {  	_ =	swait.ge [sflag:s9], $0x2000  }
0xc1: {  	[sflag:s9] =	ssyncset.done $0x0  }
0xc2: {  	s22 =	rddreg [dreg:$0xe];
	[sflag:s9] =	ssyncadd.s32 $0xFFFFE000  }
0xc3: {  	[tilespmem:s4], [sflag:$0x1] =	stream.indirect.gather [spmem:s2], $0x40, s22, s16, $0xb8;
	[tilespmem:$0x18C00] =	vst v63  }
0xc4: {  	_ =	swait.ge [sflag:s10], $0x2000  }
0xc5: {  	[sflag:s10] =	ssyncset.done $0x0  }
0xc6: {  	s22 =	rddreg [dreg:$0xf];
	[sflag:s10] =	ssyncadd.s32 $0xFFFFE000  }
0xc7: {  	[spmem:s3] =	stream.indirect.scatter.add.f32 [tilespmem:s7], [sflag:$0x4], $0x40, s22, s16, $0xb8;
	[tilespmem:$0x18C00] =	vst v63  }
0xc8: {  	_ =	swait.ge [sflag:s11], $0x2000  }
0xc9: {  	[sflag:s11] =	ssyncset.done $0x0  }
0xca: {  	s22 =	rddreg [dreg:$0x10];
	[sflag:s11] =	ssyncadd.s32 $0xFFFFE000  }
0xcb: {  	[tilespmem:s7], [sflag:$0x2] =	stream.indirect.gather [spmem:s2], $0x40, s22, s16, $0xb8;
	[tilespmem:$0x18C00] =	vst v63  }
0xcc: {  	_ =	swait.ge [sflag:s8], $0x2000  }
0xcd: {  	[sflag:s8] =	ssyncset.done $0x0  }
0xce: {  	s22 =	rddreg [dreg:$0x11];
	[sflag:s8] =	ssyncadd.s32 $0xFFFFE000  }
0xcf: {  	[spmem:s3] =	stream.indirect.scatter.add.f32 [tilespmem:s4], [sflag:$0x3], $0x40, s22, s16, $0xb8;
	[tilespmem:$0x18C00] =	vst v63  }
0xd0: {  	_ =	swait.ge [sflag:s10], $0x2000  }
0xd1: {  	[sflag:s10] =	ssyncset.done $0x0  }
0xd2: {  	s22 =	rddreg [dreg:$0x12];
	[sflag:s10] =	ssyncadd.s32 $0xFFFFE000  }
0xd3: {  	[spmem:s3] =	stream.indirect.scatter.add.f32 [tilespmem:s7], [sflag:$0x4], $0x40, s22, s16, $0xb8;
	[tilespmem:$0x18C00] =	vst v63  }
0xd4: {  	_ =	swait.ge [sflag:s9], $0x2000  }
0xd5: {  	[sflag:s9] =	ssyncset.done $0x0  }
0xd6: {  	[sflag:s9] =	ssyncadd.s32 $0xFFFFE000  }
0xd7: {  	_ =	swait.ge [sflag:s11], $0x2000  }
0xd8: {  	[sflag:s11] =	ssyncset.done $0x0  }
0xd9: {  	[sflag:s11] =	ssyncadd.s32 $0xFFFFE000  }
0xda: {  	_ =	swait.ge [sflag:s17], $0x400  }
0xdb: {  	[sflag:s17] =	ssyncset.done $0x0  }
0xdc: {  	[sflag:s17] =	ssyncadd.s32 $0xFFFFFC00  }
0xdd: {  	s0 =	smin.u32 s0, $0x88;
	_ =	swait.ge [sflag:s17], $0x400  }
0xde: {  	s0 =	sshll.u32 s0, $0x7;
	s22 =	rddreg [dreg:$0x5]  }
0xdf: {  	s0 =	sadd.s32 s0, s22  }
0xe0: {  	[sflag:s17] =	ssyncset.done $0x0;
	s0 =	sshrl.u32 s0, $0x3  }
0xe1: {  	[sflag:s17] =	ssyncadd.s32 $0xFFFFFC00;
	s22 =	sadd.s32 s1, s0  }
0xe2: {  	[tilespmem:s5], [sflag:$0x5] =	stream.linear.gather [hbm4b:s22+s5], $0x400, $0x38;
	[tilespmem:$0x18C00] =	vst v63  }
0xe3: {  	s0 =	sadd.s32 s6, s0  }
0xe4: {  	[tilespmem:s13], [sflag:$0x5] =	stream.linear.gather [hbm4b:s0+s5], $0x400, $0x38;
	[tilespmem:$0x18C00] =	vst v63  }
0xe5: {  	_ = 	snop  }
0xe6: {  	[tilespmem:s4], [sflag:$0x1] =	stream.indirect.gather [spmem:s2], $0x40, s14, s16, $0xb8;
	[tilespmem:$0x18C00] =	vst v63  }
0xe7: {  	s20 =	rddreg [dreg:$0x13]  }
0xe8: {  	[tilespmem:s7], [sflag:$0x2] =	stream.indirect.gather [spmem:s2], $0x40, s20, s16, $0xb8;
	[tilespmem:$0x18C00] =	vst v63  }
0xe9: {  	_ =	swait.ge [sflag:s8], $0x2000  }
0xea: {  	[sflag:s8] =	ssyncset.done $0x0  }
0xeb: {  	[sflag:s8] =	ssyncadd.s32 $0xFFFFE000  }
0xec: {  	[spmem:s3] =	stream.indirect.scatter.add.f32 [tilespmem:s4], [sflag:$0x3], $0x40, s15, s16, $0xb8;
	[tilespmem:$0x18C00] =	vst v63  }
0xed: {  	_ =	swait.ge [sflag:s9], $0x2000  }
0xee: {  	[sflag:s9] =	ssyncset.done $0x0  }
0xef: {  	s22 =	rddreg [dreg:$0x14];
	[sflag:s9] =	ssyncadd.s32 $0xFFFFE000  }
0xf0: {  	[tilespmem:s4], [sflag:$0x1] =	stream.indirect.gather [spmem:s2], $0x40, s22, s16, $0xb8;
	[tilespmem:$0x18C00] =	vst v63  }
0xf1: {  	_ =	swait.ge [sflag:s10], $0x2000  }
0xf2: {  	[sflag:s10] =	ssyncset.done $0x0  }
0xf3: {  	s20 =	rddreg [dreg:$0x15];
	[sflag:s10] =	ssyncadd.s32 $0xFFFFE000  }
0xf4: {  	[spmem:s3] =	stream.indirect.scatter.add.f32 [tilespmem:s7], [sflag:$0x4], $0x40, s20, s16, $0xb8;
	[tilespmem:$0x18C00] =	vst v63  }
0xf5: {  	_ =	swait.ge [sflag:s11], $0x2000  }
0xf6: {  	[sflag:s11] =	ssyncset.done $0x0  }
0xf7: {  	s22 =	rddreg [dreg:$0x16];
	[sflag:s11] =	ssyncadd.s32 $0xFFFFE000  }
0xf8: {  	[tilespmem:s7], [sflag:$0x2] =	stream.indirect.gather [spmem:s2], $0x40, s22, s16, $0xb8;
	[tilespmem:$0x18C00] =	vst v63  }
0xf9: {  	_ =	swait.ge [sflag:s8], $0x2000  }
0xfa: {  	[sflag:s8] =	ssyncset.done $0x0  }
0xfb: {  	s20 =	rddreg [dreg:$0x17];
	[sflag:s8] =	ssyncadd.s32 $0xFFFFE000  }
0xfc: {  	[spmem:s3] =	stream.indirect.scatter.add.f32 [tilespmem:s4], [sflag:$0x3], $0x40, s20, s16, $0xb8;
	[tilespmem:$0x18C00] =	vst v63  }
0xfd: {  	_ =	swait.ge [sflag:s9], $0x2000  }
0xfe: {  	[sflag:s9] =	ssyncset.done $0x0  }
0xff: {  	s22 =	rddreg [dreg:$0x18];
	[sflag:s9] =	ssyncadd.s32 $0xFFFFE000  }
0x100: {  	[tilespmem:s4], [sflag:$0x1] =	stream.indirect.gather [spmem:s2], $0x40, s22, s16, $0xb8;
	[tilespmem:$0x18C00] =	vst v63  }
0x101: {  	_ =	swait.ge [sflag:s10], $0x2000  }
0x102: {  	[sflag:s10] =	ssyncset.done $0x0  }
0x103: {  	s20 =	rddreg [dreg:$0x19];
	[sflag:s10] =	ssyncadd.s32 $0xFFFFE000  }
0x104: {  	[spmem:s3] =	stream.indirect.scatter.add.f32 [tilespmem:s7], [sflag:$0x4], $0x40, s20, s16, $0xb8;
	[tilespmem:$0x18C00] =	vst v63  }
0x105: {  	_ =	swait.ge [sflag:s11], $0x2000  }
0x106: {  	[sflag:s11] =	ssyncset.done $0x0  }
0x107: {  	s22 =	rddreg [dreg:$0x1a];
	[sflag:s11] =	ssyncadd.s32 $0xFFFFE000  }
0x108: {  	[tilespmem:s7], [sflag:$0x2] =	stream.indirect.gather [spmem:s2], $0x40, s22, s16, $0xb8;
	[tilespmem:$0x18C00] =	vst v63  }
0x109: {  	_ =	swait.ge [sflag:s8], $0x2000  }
0x10a: {  	[sflag:s8] =	ssyncset.done $0x0  }
0x10b: {  	s20 =	rddreg [dreg:$0x1b];
	[sflag:s8] =	ssyncadd.s32 $0xFFFFE000  }
0x10c: {  	[spmem:s3] =	stream.indirect.scatter.add.f32 [tilespmem:s4], [sflag:$0x3], $0x40, s20, s16, $0xb8;
	[tilespmem:$0x18C00] =	vst v63  }
0x10d: {  	_ =	swait.ge [sflag:s9], $0x2000  }
0x10e: {  	[sflag:s9] =	ssyncset.done $0x0  }
0x10f: {  	s22 =	rddreg [dreg:$0x1c];
	[sflag:s9] =	ssyncadd.s32 $0xFFFFE000  }
0x110: {  	[tilespmem:s4], [sflag:$0x1] =	stream.indirect.gather [spmem:s2], $0x40, s22, s16, $0xb8;
	[tilespmem:$0x18C00] =	vst v63  }
0x111: {  	_ =	swait.ge [sflag:s10], $0x2000  }
0x112: {  	[sflag:s10] =	ssyncset.done $0x0  }
0x113: {  	[sflag:s10] =	ssyncadd.s32 $0xFFFFE000  }
0x114: {  	[spmem:s3] =	stream.indirect.scatter.add.f32 [tilespmem:s7], [sflag:$0x4], $0x40, s18, s16, $0xb8;
	[tilespmem:$0x18C00] =	vst v63  }
0x115: {  	_ =	swait.ge [sflag:s11], $0x2000  }
0x116: {  	[sflag:s11] =	ssyncset.done $0x0  }
0x117: {  	[sflag:s11] =	ssyncadd.s32 $0xFFFFE000  }
0x118: {  	[tilespmem:s7], [sflag:$0x2] =	stream.indirect.gather [spmem:s2], $0x40, s21, s16, $0xb8;
	[tilespmem:$0x18C00] =	vst v63  }
0x119: {  	_ =	swait.ge [sflag:s8], $0x2000  }
0x11a: {  	[sflag:s8] =	ssyncset.done $0x0  }
0x11b: {  	[sflag:s8] =	ssyncadd.s32 $0xFFFFE000  }
0x11c: {  	[spmem:s3] =	stream.indirect.scatter.add.f32 [tilespmem:s4], [sflag:$0x3], $0x40, s23, s16, $0xb8;
	[tilespmem:$0x18C00] =	vst v63  }
0x11d: {  	_ =	swait.ge [sflag:s10], $0x2000  }
0x11e: {  	[sflag:s10] =	ssyncset.done $0x0  }
0x11f: {  	[sflag:s10] =	ssyncadd.s32 $0xFFFFE000  }
0x120: {  	[spmem:s3] =	stream.indirect.scatter.add.f32 [tilespmem:s7], [sflag:$0x4], $0x40, s25, s16, $0xb8;
	[tilespmem:$0x18C00] =	vst v63  }
0x121: {  	_ =	swait.ge [sflag:s9], $0x2000  }
0x122: {  	[sflag:s9] =	ssyncset.done $0x0  }
0x123: {  	[sflag:s9] =	ssyncadd.s32 $0xFFFFE000  }
0x124: {  	_ =	swait.ge [sflag:s11], $0x2000  }
0x125: {  	[sflag:s11] =	ssyncset.done $0x0  }
0x126: {  	[sflag:s11] =	ssyncadd.s32 $0xFFFFE000  }
0x127: {  	_ =	swait.ge [sflag:s17], $0x400  }
0x128: {  	[sflag:s17] =	ssyncset.done $0x0  }
0x129: {  	[sflag:s17] =	ssyncadd.s32 $0xFFFFFC00  }
0x12a: {  	s26 =	smov.u32 s31;
	s29 =	simm.s32 $0x10;
	_ =	swait.ge [sflag:s17], $0x400  }
0x12b: {  	s31 =	smov.u32 s30;
	s0 =	smov.u32 s19;
	[sflag:s17] =	ssyncset.done $0x0  }
.LBB2_4:
0x12c: {  	[sflag:s17] =	ssyncadd.s32 $0xFFFFFC00;
	s0 =	sadd.s32 $0x100, s0  }
0x12d: {  	[tilespmem:s14], [sflag:$0x5] =	stream.linear.gather [hbm4b:s0+s5], $0x400, $0x38;
	[tilespmem:$0x18C00] =	vst v63  }
0x12e: {  	s31 =	sadd.s32 $0x100, s31  }
0x12f: {  	[tilespmem:s15], [sflag:$0x5] =	stream.linear.gather [hbm4b:s31+s5], $0x400, $0x38;
	[tilespmem:$0x18C00] =	vst v63  }
0x130: {  	_ = 	snop  }
0x131: {  	[tilespmem:s4], [sflag:$0x1] =	stream.indirect.gather [spmem:s2], $0x40, s5, s16, $0xb8;
	[tilespmem:$0x18C00] =	vst v63  }
0x132: {  	_ = 	snop  }
0x133: {  	[tilespmem:s7], [sflag:$0x2] =	stream.indirect.gather [spmem:s2], $0x40, s16, s16, $0xb8;
	[tilespmem:$0x18C00] =	vst v63  }
0x134: {  	_ =	swait.ge [sflag:s8], $0x2000  }
0x135: {  	[sflag:s8] =	ssyncset.done $0x0  }
0x136: {  	[sflag:s8] =	ssyncadd.s32 $0xFFFFE000  }
0x137: {  	[spmem:s3] =	stream.indirect.scatter.add.f32 [tilespmem:s4], [sflag:$0x3], $0x40, s13, s16, $0xb8;
	[tilespmem:$0x18C00] =	vst v63  }
0x138: {  	_ =	swait.ge [sflag:s9], $0x2000  }
0x139: {  	[sflag:s9] =	ssyncset.done $0x0  }
0x13a: {  	s22 =	rddreg [dreg:$0x6];
	[sflag:s9] =	ssyncadd.s32 $0xFFFFE000  }
0x13b: {  	[tilespmem:s4], [sflag:$0x1] =	stream.indirect.gather [spmem:s2], $0x40, s22, s16, $0xb8;
	[tilespmem:$0x18C00] =	vst v63  }
0x13c: {  	_ =	swait.ge [sflag:s10], $0x2000  }
0x13d: {  	[sflag:s10] =	ssyncset.done $0x0  }
0x13e: {  	s22 =	rddreg [dreg:$0x7];
	[sflag:s10] =	ssyncadd.s32 $0xFFFFE000  }
0x13f: {  	[spmem:s3] =	stream.indirect.scatter.add.f32 [tilespmem:s7], [sflag:$0x4], $0x40, s22, s16, $0xb8;
	[tilespmem:$0x18C00] =	vst v63  }
0x140: {  	_ =	swait.ge [sflag:s11], $0x2000  }
0x141: {  	[sflag:s11] =	ssyncset.done $0x0  }
0x142: {  	s22 =	rddreg [dreg:$0x8];
	[sflag:s11] =	ssyncadd.s32 $0xFFFFE000  }
0x143: {  	[tilespmem:s7], [sflag:$0x2] =	stream.indirect.gather [spmem:s2], $0x40, s22, s16, $0xb8;
	[tilespmem:$0x18C00] =	vst v63  }
0x144: {  	_ =	swait.ge [sflag:s8], $0x2000  }
0x145: {  	[sflag:s8] =	ssyncset.done $0x0  }
0x146: {  	s22 =	rddreg [dreg:$0x9];
	[sflag:s8] =	ssyncadd.s32 $0xFFFFE000  }
0x147: {  	[spmem:s3] =	stream.indirect.scatter.add.f32 [tilespmem:s4], [sflag:$0x3], $0x40, s22, s16, $0xb8;
	[tilespmem:$0x18C00] =	vst v63  }
0x148: {  	_ =	swait.ge [sflag:s9], $0x2000  }
0x149: {  	[sflag:s9] =	ssyncset.done $0x0  }
0x14a: {  	s22 =	rddreg [dreg:$0xa];
	[sflag:s9] =	ssyncadd.s32 $0xFFFFE000  }
0x14b: {  	[tilespmem:s4], [sflag:$0x1] =	stream.indirect.gather [spmem:s2], $0x40, s22, s16, $0xb8;
	[tilespmem:$0x18C00] =	vst v63  }
0x14c: {  	_ =	swait.ge [sflag:s10], $0x2000  }
0x14d: {  	[sflag:s10] =	ssyncset.done $0x0  }
0x14e: {  	s22 =	rddreg [dreg:$0xb];
	[sflag:s10] =	ssyncadd.s32 $0xFFFFE000  }
0x14f: {  	[spmem:s3] =	stream.indirect.scatter.add.f32 [tilespmem:s7], [sflag:$0x4], $0x40, s22, s16, $0xb8;
	[tilespmem:$0x18C00] =	vst v63  }
0x150: {  	_ =	swait.ge [sflag:s11], $0x2000  }
0x151: {  	[sflag:s11] =	ssyncset.done $0x0  }
0x152: {  	s22 =	rddreg [dreg:$0xc];
	[sflag:s11] =	ssyncadd.s32 $0xFFFFE000  }
0x153: {  	[tilespmem:s7], [sflag:$0x2] =	stream.indirect.gather [spmem:s2], $0x40, s22, s16, $0xb8;
	[tilespmem:$0x18C00] =	vst v63  }
0x154: {  	_ =	swait.ge [sflag:s8], $0x2000  }
0x155: {  	[sflag:s8] =	ssyncset.done $0x0  }
0x156: {  	s22 =	rddreg [dreg:$0xd];
	[sflag:s8] =	ssyncadd.s32 $0xFFFFE000  }
0x157: {  	[spmem:s3] =	stream.indirect.scatter.add.f32 [tilespmem:s4], [sflag:$0x3], $0x40, s22, s16, $0xb8;
	[tilespmem:$0x18C00] =	vst v63  }
0x158: {  	_ =	swait.ge [sflag:s9], $0x2000  }
0x159: {  	[sflag:s9] =	ssyncset.done $0x0  }
0x15a: {  	s22 =	rddreg [dreg:$0xe];
	[sflag:s9] =	ssyncadd.s32 $0xFFFFE000  }
0x15b: {  	[tilespmem:s4], [sflag:$0x1] =	stream.indirect.gather [spmem:s2], $0x40, s22, s16, $0xb8;
	[tilespmem:$0x18C00] =	vst v63  }
0x15c: {  	_ =	swait.ge [sflag:s10], $0x2000  }
0x15d: {  	[sflag:s10] =	ssyncset.done $0x0  }
0x15e: {  	s22 =	rddreg [dreg:$0xf];
	[sflag:s10] =	ssyncadd.s32 $0xFFFFE000  }
0x15f: {  	[spmem:s3] =	stream.indirect.scatter.add.f32 [tilespmem:s7], [sflag:$0x4], $0x40, s22, s16, $0xb8;
	[tilespmem:$0x18C00] =	vst v63  }
0x160: {  	_ =	swait.ge [sflag:s11], $0x2000  }
0x161: {  	[sflag:s11] =	ssyncset.done $0x0  }
0x162: {  	s22 =	rddreg [dreg:$0x10];
	[sflag:s11] =	ssyncadd.s32 $0xFFFFE000  }
0x163: {  	[tilespmem:s7], [sflag:$0x2] =	stream.indirect.gather [spmem:s2], $0x40, s22, s16, $0xb8;
	[tilespmem:$0x18C00] =	vst v63  }
0x164: {  	_ =	swait.ge [sflag:s8], $0x2000  }
0x165: {  	[sflag:s8] =	ssyncset.done $0x0  }
0x166: {  	s22 =	rddreg [dreg:$0x11];
	[sflag:s8] =	ssyncadd.s32 $0xFFFFE000  }
0x167: {  	[spmem:s3] =	stream.indirect.scatter.add.f32 [tilespmem:s4], [sflag:$0x3], $0x40, s22, s16, $0xb8;
	[tilespmem:$0x18C00] =	vst v63  }
0x168: {  	_ =	swait.ge [sflag:s10], $0x2000  }
0x169: {  	[sflag:s10] =	ssyncset.done $0x0  }
0x16a: {  	s22 =	rddreg [dreg:$0x12];
	[sflag:s10] =	ssyncadd.s32 $0xFFFFE000  }
0x16b: {  	[spmem:s3] =	stream.indirect.scatter.add.f32 [tilespmem:s7], [sflag:$0x4], $0x40, s22, s16, $0xb8;
	[tilespmem:$0x18C00] =	vst v63  }
0x16c: {  	_ =	swait.ge [sflag:s9], $0x2000  }
0x16d: {  	[sflag:s9] =	ssyncset.done $0x0  }
0x16e: {  	[sflag:s9] =	ssyncadd.s32 $0xFFFFE000  }
0x16f: {  	_ =	swait.ge [sflag:s11], $0x2000  }
0x170: {  	[sflag:s11] =	ssyncset.done $0x0  }
0x171: {  	[sflag:s11] =	ssyncadd.s32 $0xFFFFE000  }
0x172: {  	_ =	swait.ge [sflag:s17], $0x400  }
0x173: {  	[sflag:s17] =	ssyncset.done $0x0  }
0x174: {  	s20 =	smov.u32 s29;
	[sflag:s17] =	ssyncadd.s32 $0xFFFFFC00  }
0x175: {  	s20 =	smin.u32 s20, $0x88;
	_ =	swait.ge [sflag:s17], $0x400  }
0x176: {  	s20 =	sshll.u32 s20, $0x7;
	s22 =	rddreg [dreg:$0x5]  }
0x177: {  	s20 =	sadd.s32 s20, s22  }
0x178: {  	[sflag:s17] =	ssyncset.done $0x0;
	s20 =	sshrl.u32 s20, $0x3  }
0x179: {  	[sflag:s17] =	ssyncadd.s32 $0xFFFFFC00;
	s22 =	sadd.s32 s1, s20  }
0x17a: {  	[tilespmem:s5], [sflag:$0x5] =	stream.linear.gather [hbm4b:s22+s5], $0x400, $0x38;
	[tilespmem:$0x18C00] =	vst v63  }
0x17b: {  	s20 =	sadd.s32 s6, s20  }
0x17c: {  	[tilespmem:s13], [sflag:$0x5] =	stream.linear.gather [hbm4b:s20+s5], $0x400, $0x38;
	[tilespmem:$0x18C00] =	vst v63  }
0x17d: {  	_ = 	snop  }
0x17e: {  	[tilespmem:s4], [sflag:$0x1] =	stream.indirect.gather [spmem:s2], $0x40, s14, s16, $0xb8;
	[tilespmem:$0x18C00] =	vst v63  }
0x17f: {  	s22 =	rddreg [dreg:$0x13]  }
0x180: {  	[tilespmem:s7], [sflag:$0x2] =	stream.indirect.gather [spmem:s2], $0x40, s22, s16, $0xb8;
	[tilespmem:$0x18C00] =	vst v63  }
0x181: {  	_ =	swait.ge [sflag:s8], $0x2000  }
0x182: {  	[sflag:s8] =	ssyncset.done $0x0  }
0x183: {  	[sflag:s8] =	ssyncadd.s32 $0xFFFFE000  }
0x184: {  	[spmem:s3] =	stream.indirect.scatter.add.f32 [tilespmem:s4], [sflag:$0x3], $0x40, s15, s16, $0xb8;
	[tilespmem:$0x18C00] =	vst v63  }
0x185: {  	_ =	swait.ge [sflag:s9], $0x2000  }
0x186: {  	[sflag:s9] =	ssyncset.done $0x0  }
0x187: {  	s22 =	rddreg [dreg:$0x14];
	[sflag:s9] =	ssyncadd.s32 $0xFFFFE000  }
0x188: {  	[tilespmem:s4], [sflag:$0x1] =	stream.indirect.gather [spmem:s2], $0x40, s22, s16, $0xb8;
	[tilespmem:$0x18C00] =	vst v63  }
0x189: {  	_ =	swait.ge [sflag:s10], $0x2000  }
0x18a: {  	[sflag:s10] =	ssyncset.done $0x0  }
0x18b: {  	s22 =	rddreg [dreg:$0x15];
	[sflag:s10] =	ssyncadd.s32 $0xFFFFE000  }
0x18c: {  	[spmem:s3] =	stream.indirect.scatter.add.f32 [tilespmem:s7], [sflag:$0x4], $0x40, s22, s16, $0xb8;
	[tilespmem:$0x18C00] =	vst v63  }
0x18d: {  	_ =	swait.ge [sflag:s11], $0x2000  }
0x18e: {  	[sflag:s11] =	ssyncset.done $0x0  }
0x18f: {  	s22 =	rddreg [dreg:$0x16];
	[sflag:s11] =	ssyncadd.s32 $0xFFFFE000  }
0x190: {  	[tilespmem:s7], [sflag:$0x2] =	stream.indirect.gather [spmem:s2], $0x40, s22, s16, $0xb8;
	[tilespmem:$0x18C00] =	vst v63  }
0x191: {  	_ =	swait.ge [sflag:s8], $0x2000  }
0x192: {  	[sflag:s8] =	ssyncset.done $0x0  }
0x193: {  	s22 =	rddreg [dreg:$0x17];
	[sflag:s8] =	ssyncadd.s32 $0xFFFFE000  }
0x194: {  	[spmem:s3] =	stream.indirect.scatter.add.f32 [tilespmem:s4], [sflag:$0x3], $0x40, s22, s16, $0xb8;
	[tilespmem:$0x18C00] =	vst v63  }
0x195: {  	_ =	swait.ge [sflag:s9], $0x2000  }
0x196: {  	[sflag:s9] =	ssyncset.done $0x0  }
0x197: {  	s22 =	rddreg [dreg:$0x18];
	[sflag:s9] =	ssyncadd.s32 $0xFFFFE000  }
0x198: {  	[tilespmem:s4], [sflag:$0x1] =	stream.indirect.gather [spmem:s2], $0x40, s22, s16, $0xb8;
	[tilespmem:$0x18C00] =	vst v63  }
0x199: {  	_ =	swait.ge [sflag:s10], $0x2000  }
0x19a: {  	[sflag:s10] =	ssyncset.done $0x0  }
0x19b: {  	s22 =	rddreg [dreg:$0x19];
	[sflag:s10] =	ssyncadd.s32 $0xFFFFE000  }
0x19c: {  	[spmem:s3] =	stream.indirect.scatter.add.f32 [tilespmem:s7], [sflag:$0x4], $0x40, s22, s16, $0xb8;
	[tilespmem:$0x18C00] =	vst v63  }
0x19d: {  	_ =	swait.ge [sflag:s11], $0x2000  }
0x19e: {  	[sflag:s11] =	ssyncset.done $0x0  }
0x19f: {  	s22 =	rddreg [dreg:$0x1a];
	[sflag:s11] =	ssyncadd.s32 $0xFFFFE000  }
0x1a0: {  	[tilespmem:s7], [sflag:$0x2] =	stream.indirect.gather [spmem:s2], $0x40, s22, s16, $0xb8;
	[tilespmem:$0x18C00] =	vst v63  }
0x1a1: {  	_ =	swait.ge [sflag:s8], $0x2000  }
0x1a2: {  	[sflag:s8] =	ssyncset.done $0x0  }
0x1a3: {  	s22 =	rddreg [dreg:$0x1b];
	[sflag:s8] =	ssyncadd.s32 $0xFFFFE000  }
0x1a4: {  	[spmem:s3] =	stream.indirect.scatter.add.f32 [tilespmem:s4], [sflag:$0x3], $0x40, s22, s16, $0xb8;
	[tilespmem:$0x18C00] =	vst v63  }
0x1a5: {  	_ =	swait.ge [sflag:s9], $0x2000  }
0x1a6: {  	[sflag:s9] =	ssyncset.done $0x0  }
0x1a7: {  	s22 =	rddreg [dreg:$0x1c];
	[sflag:s9] =	ssyncadd.s32 $0xFFFFE000  }
0x1a8: {  	[tilespmem:s4], [sflag:$0x1] =	stream.indirect.gather [spmem:s2], $0x40, s22, s16, $0xb8;
	[tilespmem:$0x18C00] =	vst v63  }
0x1a9: {  	_ =	swait.ge [sflag:s10], $0x2000  }
0x1aa: {  	[sflag:s10] =	ssyncset.done $0x0  }
0x1ab: {  	[sflag:s10] =	ssyncadd.s32 $0xFFFFE000  }
0x1ac: {  	[spmem:s3] =	stream.indirect.scatter.add.f32 [tilespmem:s7], [sflag:$0x4], $0x40, s18, s16, $0xb8;
	[tilespmem:$0x18C00] =	vst v63  }
0x1ad: {  	_ =	swait.ge [sflag:s11], $0x2000  }
0x1ae: {  	[sflag:s11] =	ssyncset.done $0x0  }
0x1af: {  	[sflag:s11] =	ssyncadd.s32 $0xFFFFE000  }
0x1b0: {  	[tilespmem:s7], [sflag:$0x2] =	stream.indirect.gather [spmem:s2], $0x40, s21, s16, $0xb8;
	[tilespmem:$0x18C00] =	vst v63  }
0x1b1: {  	_ =	swait.ge [sflag:s8], $0x2000  }
0x1b2: {  	[sflag:s8] =	ssyncset.done $0x0  }
0x1b3: {  	[sflag:s8] =	ssyncadd.s32 $0xFFFFE000  }
0x1b4: {  	[spmem:s3] =	stream.indirect.scatter.add.f32 [tilespmem:s4], [sflag:$0x3], $0x40, s23, s16, $0xb8;
	[tilespmem:$0x18C00] =	vst v63  }
0x1b5: {  	_ =	swait.ge [sflag:s10], $0x2000  }
0x1b6: {  	[sflag:s10] =	ssyncset.done $0x0  }
0x1b7: {  	[sflag:s10] =	ssyncadd.s32 $0xFFFFE000  }
0x1b8: {  	[spmem:s3] =	stream.indirect.scatter.add.f32 [tilespmem:s7], [sflag:$0x4], $0x40, s25, s16, $0xb8;
	[tilespmem:$0x18C00] =	vst v63  }
0x1b9: {  	_ =	swait.ge [sflag:s9], $0x2000  }
0x1ba: {  	[sflag:s9] =	ssyncset.done $0x0  }
0x1bb: {  	[sflag:s9] =	ssyncadd.s32 $0xFFFFE000  }
0x1bc: {  	_ =	swait.ge [sflag:s11], $0x2000  }
0x1bd: {  	[sflag:s11] =	ssyncset.done $0x0  }
0x1be: {  	p0 =	sne.s32 s29, $0x90;
	[sflag:s11] =	ssyncadd.s32 $0xFFFFE000  }
.Ltmp1:
0x1bf: {  	_ =	swait.ge [sflag:s17], $0x400;
	(pc) =	sbr.rel @p0 .LBB2_4-.Ltmp1, $4  }
0x1c0: {  	[sflag:s17] =	ssyncset.done $0x0  }
0x1c1: {  	[sflag:s17] =	ssyncadd.s32 $0xFFFFFC00  }
0x1c2: {  	_ =	swait.ge [sflag:s17], $0x400  }
0x1c3: {  	s29 =	sadd.s32 $0x10, s29;
	[sflag:s17] =	ssyncset.done $0x0  }
0x1c4: {  	[sflag:s17] =	ssyncadd.s32 $0xFFFFFC00  }
0x1c5: {  	[bflag:$0x0] =	sbarrier.arrive $0xFFFF  }
0x1c6: {  	[tilespmem:s4], [sflag:$0x1] =	stream.linear.gather [spmem:s24], $0x2000, $0x38;
	[tilespmem:$0x18C00] =	vst v63  }
0x1c7: {  	_ = 	snop  }
0x1c8: {  	[tilespmem:s7], [sflag:$0x2] =	stream.linear.gather [spmem:s26], $0x2000, $0x38;
	[tilespmem:$0x18C00] =	vst v63  }
0x1c9: {  	_ =	swait.ge [sflag:s8], $0x2000  }
0x1ca: {  	s0 =	sld [smem:$0x7EE]  }
0x1cb: {  	[sflag:s8] =	ssyncset.done $0x0  }
0x1cc: {  	[sflag:s8] =	ssyncadd.s32 $0xFFFFE000  }
0x1cd: {  	[hbm4b:s0+s5] =	stream.linear.scatter [tilespmem:s4], [sflag:$0x3], $0x2000, $0x38;
	[tilespmem:$0x18C00] =	vst v63  }
0x1ce: {  	_ =	swait.ge [sflag:s9], $0x2000  }
0x1cf: {  	s20 =	sld [smem:$0x7F6]  }
0x1d0: {  	[sflag:s9] =	ssyncset.done $0x0  }
0x1d1: {  	[sflag:s9] =	ssyncadd.s32 $0xFFFFE000  }
0x1d2: {  	[tilespmem:s4], [sflag:$0x1] =	stream.linear.gather [spmem:s20], $0x2000, $0x38;
	[tilespmem:$0x18C00] =	vst v63  }
0x1d3: {  	_ =	swait.ge [sflag:s10], $0x2000  }
0x1d4: {  	s22 =	smov.u32 s24;
	s24 =	sld [smem:$0x7EF]  }
0x1d5: {  	[sflag:s10] =	ssyncset.done $0x0  }
0x1d6: {  	[sflag:s10] =	ssyncadd.s32 $0xFFFFE000  }
0x1d7: {  	[hbm4b:s24+s5] =	stream.linear.scatter [tilespmem:s7], [sflag:$0x4], $0x2000, $0x38;
	[tilespmem:$0x18C00] =	vst v63  }
0x1d8: {  	_ =	swait.ge [sflag:s11], $0x2000  }
0x1d9: {  	s31 =	smov.u32 s26;
	s26 =	sld [smem:$0x7F8]  }
0x1da: {  	[sflag:s11] =	ssyncset.done $0x0  }
0x1db: {  	[sflag:s11] =	ssyncadd.s32 $0xFFFFE000  }
0x1dc: {  	[tilespmem:s7], [sflag:$0x2] =	stream.linear.gather [spmem:s26], $0x2000, $0x38;
	[tilespmem:$0x18C00] =	vst v63  }
0x1dd: {  	_ =	swait.ge [sflag:s8], $0x2000  }
0x1de: {  	s29 =	sld [smem:$0x7F0]  }
0x1df: {  	[sflag:s8] =	ssyncset.done $0x0  }
0x1e0: {  	[sflag:s8] =	ssyncadd.s32 $0xFFFFE000  }
0x1e1: {  	[hbm4b:s29+s5] =	stream.linear.scatter [tilespmem:s4], [sflag:$0x3], $0x2000, $0x38;
	[tilespmem:$0x18C00] =	vst v63  }
0x1e2: {  	_ =	swait.ge [sflag:s9], $0x2000  }
0x1e3: {  	s20 =	sld [smem:$0x7FA]  }
0x1e4: {  	[sflag:s9] =	ssyncset.done $0x0  }
0x1e5: {  	[sflag:s9] =	ssyncadd.s32 $0xFFFFE000  }
0x1e6: {  	[tilespmem:s4], [sflag:$0x1] =	stream.linear.gather [spmem:s20], $0x1E00, $0x38;
	[tilespmem:$0x18C00] =	vst v63  }
0x1e7: {  	_ =	swait.ge [sflag:s10], $0x2000  }
0x1e8: {  	s24 =	sld [smem:$0x7F1]  }
0x1e9: {  	[sflag:s10] =	ssyncset.done $0x0  }
0x1ea: {  	[sflag:s10] =	ssyncadd.s32 $0xFFFFE000  }
0x1eb: {  	[hbm4b:s24+s5] =	stream.linear.scatter [tilespmem:s7], [sflag:$0x4], $0x2000, $0x38;
	[tilespmem:$0x18C00] =	vst v63  }
0x1ec: {  	_ =	swait.ge [sflag:s8], $0x1E00  }
0x1ed: {  	s26 =	sld [smem:$0x7F2]  }
0x1ee: {  	[sflag:s8] =	ssyncset.done $0x0  }
0x1ef: {  	[sflag:s8] =	ssyncadd.s32 $0xFFFFE200  }
0x1f0: {  	[hbm4b:s26+s5] =	stream.linear.scatter [tilespmem:s4], [sflag:$0x3], $0x1E00, $0x38;
	[tilespmem:$0x18C00] =	vst v63  }
0x1f1: {  	_ =	swait.ge [sflag:s9], $0x1E00  }
0x1f2: {  	[sflag:s9] =	ssyncset.done $0x0  }
0x1f3: {  	[sflag:s9] =	ssyncadd.s32 $0xFFFFE200  }
0x1f4: {  	_ =	swait.ge [sflag:s11], $0x2000  }
0x1f5: {  	s29 =	sld [smem:$0x7FD];
	_ =	sdelay $0x1  }
0x1f6: {  	s28 =	sadd.s32 $0x1, s28  }
0x1f7: {  	p0 =	sne.s32 s28, s29  }
.Ltmp2:
0x1f8: {  	_ = 	snop;
	(pc) =	sbr.rel @p0 .LBB2_1-.Ltmp2, $3  }
0x1f9: {  	_ =	sdelay $0x1  }
0x1fa: {  	[sflag:s11] =	ssyncset.done $0x0  }
0x1fb: {  	[sflag:s11] =	ssyncadd.s32 $0xFFFFE000  }
0x1fc: {  	_ =	sfence.sel $0x180000  }
0x1fd: {  	[bflag:$0x0] =	sbarrier.arrive $0xFFFF  }
0x1fe: {  	_ =	strace $0x9000004A  }
0x1ff: {  	s0 =	stileid.u32;
	[bflag:$0x2] =	sbarrier.arrive $0xFFFF  }
0x200: {  	p0 =	sne.s32 s0, $0x0;
	s0 =	rddreg [dreg:$0x4]  }
0x201: {  	s0 =	sadd.s32 @!p0 $0x100000, s0  }
0x202: {  	[sflag:s0] =	ssyncadd.tile.s32 @!p0 $0x1;
	_ =	shalt  }
.Lfunc_end2:
_tile_overlayer_lowered:
.L_overlay_start_2:
0x203: {  	(tag) =	ssettag $0x2  }
0x204: {  	s0 =	rddreg [dreg:$0x0];
	s2 =	stileid.u32  }
0x205: {  	s1 =	rddreg [dreg:$0x1];
	p0 =	sne.s32 s2, $0x0  }
0x206: {  	s3 =	rddreg [dreg:$0x2];
	[bflag:$0x3] =	sbarrier.arrive $0xFFFF;
	s2 =	simm.s32 @!p0 $0x1C06  }
0x207: {  	[timem:s3], [sflag:s2] =	dma.local @!p0 [hbm:s0], s1  }
0x208: {  	s0 =	simm.s32 @!p0 $0x6  }
0x209: {  	_ =	swait.ge @!p0 [sflag:s0], s1  }
0x20a: {  	s1 =	ssub.s32 @!p0 $0x0, s1;
	[sflag:s0] =	ssyncset.done @!p0 $0x0  }
0x20b: {  	[sflag:s0] =	ssyncadd.s32 @!p0 s1  }
0x20c: {  	[bflag:$0x3] =	sbarrier.arrive $0xFFFF  }
0x20d: {  	_ =	shalt  }

</sc_bundles>
